<compile_context>
chip_gen: v7x
topology: tpu7x:2x2x1
jax: 0.10.2.dev20260603
libtpu: 0.0.44.dev20260713+nightly
codegen_flags: <defaults>
</compile_context>

<pallas_src>
import jax
import jax.numpy as jnp
from jax import lax
from jax.experimental import pallas as pl
from jax.experimental.pallas import tpu as pltpu
from jax.experimental.pallas import tpu_sc as plsc

_B = 64
_V = 100000
_S = 100
_OUT = 2 * _V - 1
_SP = 128
_NG = _SP // 16
_RG = 8
_RS = _RG * _SP
_CW = 12544
_NCH = 4
_RANGE = _NCH * _CW
_TAIL_FULL = 11776
_TAIL_REST = _OUT - 15 * _CW - _TAIL_FULL
_LIST = _RS + 16
_RSHIFT = 18


def _sc_body(a_hbm, b_hbm, ia_hbm, ib_hbm, out_hbm,
             buf, tail_v, ia_v, ib_v, ga_v, gb_v, pa_v, pb_v,
             sc_v, ck_v, cv_v, sem):
  wid = lax.axis_index("s") * 2 + lax.axis_index("c")
  rg = wid >> 2
  cwk = wid & 3
  r0 = rg * _RG
  col0 = cwk * _RANGE
  iota = lax.iota(jnp.int32, 16)
  zeros16 = jnp.zeros((16,), jnp.float32)

  pltpu.sync_copy(ia_hbm.at[pl.ds(r0 * _SP, _RS)], ia_v)
  pltpu.sync_copy(ib_hbm.at[pl.ds(r0 * _SP, _RS)], ib_v)

  def _addr(i, carry):
    sl = pl.ds(i * 16, 16)
    base = (r0 + (i >> 3)) * _V
    ga_v[sl] = ia_v[sl] + base
    gb_v[sl] = ib_v[sl] + base
    return carry

  lax.fori_loop(0, _RS // 16, _addr, 0)
  cps = [pltpu.async_copy(a_hbm.at[ga_v.at[pl.ds(r * _SP, _SP)]],
                          pa_v.at[pl.ds(r * _SP, _SP)], sem)
         for r in range(_RG)]
  cps += [pltpu.async_copy(b_hbm.at[gb_v.at[pl.ds(r * _SP, _SP)]],
                           pb_v.at[pl.ds(r * _SP, _SP)], sem)
          for r in range(_RG)]

  def _zero(i, carry):
    b0 = i * 128
    for r in range(_RG):
      for j in range(8):
        buf[r, pl.ds(b0 + j * 16, 16)] = zeros16
    return carry

  lax.fori_loop(0, _CW // 128, _zero, 0)
  for r in range(_RG):
    rvec = jnp.full((16,), r, jnp.int32)
    for j in range(4):
      cvec = iota + j * 16
      plsc.store_scatter(tail_v, [rvec, jnp.minimum(cvec, _TAIL_REST - 1)],
                         zeros16, mask=cvec < _TAIL_REST)
  for cp in cps:
    cp.wait()

  def _norm(r, carry):
    acc = zeros16
    for g in range(_NG):
      sl = pl.ds(r * _SP + g * 16, 16)
      valid = (iota + g * 16) < _S
      acc = acc + jnp.where(valid, pa_v[sl] * pb_v[sl], 0.0)
    norm = jnp.full((16,), jnp.sum(acc), jnp.float32)
    sc_v[pl.ds(r * 16, 16)] = jnp.ones((16,), jnp.float32) / jnp.maximum(
        norm, 1e-9)
    return carry

  lax.fori_loop(0, _RG, _norm, 0)

  def _compact(i, cnt):
    sl = pl.ds(i * 16, 16)
    r = i >> 3
    valid = (((i & 7) * 16) + iota) < _S
    k = ia_v[sl] + ib_v[sl]
    v = pa_v[sl] * pb_v[sl] * sc_v[pl.ds(r * 16, 16)]
    m = valid & (k >= col0) & (k < col0 + _RANGE)
    plsc.store_compressed(ck_v.at[pl.ds(cnt, 16)], k + (r << _RSHIFT), mask=m)
    plsc.store_compressed(cv_v.at[pl.ds(cnt, 16)], v, mask=m)
    return cnt + jnp.sum(m.astype(jnp.int32))

  cnt = lax.fori_loop(0, _RS // 16, _compact, jnp.int32(0))
  nblk = (cnt + 15) >> 4

  def _sweep(cb, add, tail=False):
    def body(i, carry):
      sl = pl.ds(i * 16, 16)
      ck = ck_v[sl]
      lanes = (i * 16 + iota) < cnt
      rr = ck >> _RSHIFT
      cc = (ck & ((1 << _RSHIFT) - 1)) - cb
      m = lanes & (cc >= 0) & (cc < _CW)
      loc = jnp.clip(cc, 0, _CW - 1)
      if add:
        plsc.addupdate_scatter(buf, [rr, loc], cv_v[sl], mask=m)
        if tail:
          ct = cc - _TAIL_FULL
          mt = m & (ct >= 0) & (ct < _TAIL_REST)
          plsc.addupdate_scatter(tail_v, [rr, jnp.clip(ct, 0, _TAIL_REST - 1)],
                                 cv_v[sl], mask=mt)
      else:
        plsc.store_scatter(buf, [rr, loc], zeros16, mask=m)
      return carry
    lax.fori_loop(0, nblk, body, 0)

  for ch in range(_NCH):
    ci = cwk * _NCH + ch
    cb = pl.multiple_of(ci * _CW, 128)
    _sweep(cb, add=True, tail=(ch == _NCH - 1))
    if ch < _NCH - 1:
      pltpu.sync_copy(buf, out_hbm.at[pl.ds(r0, _RG), pl.ds(cb, _CW)])
    else:
      @pl.when(cwk < 3)
      def _():
        pltpu.sync_copy(buf, out_hbm.at[pl.ds(r0, _RG), pl.ds(cb, _CW)])

      @pl.when(cwk == 3)
      def _():
        pltpu.sync_copy(buf.at[:, pl.ds(0, _TAIL_FULL)],
                        out_hbm.at[pl.ds(r0, _RG), pl.ds(15 * _CW, _TAIL_FULL)])
        pltpu.sync_copy(
            tail_v,
            out_hbm.at[pl.ds(r0, _RG), pl.ds(15 * _CW + _TAIL_FULL, _TAIL_REST)])
    if ch < _NCH - 1:
      _sweep(cb, add=False)


@jax.jit
def kernel(a_probs, b_probs, idx_a, idx_b):
  idx_a_p = jnp.pad(idx_a, ((0, 0), (0, _SP - _S))).reshape(-1)
  idx_b_p = jnp.pad(idx_b, ((0, 0), (0, _SP - _S))).reshape(-1)
  a_flat = a_probs.reshape(-1)
  b_flat = b_probs.reshape(-1)
  mesh = plsc.VectorSubcoreMesh(core_axis_name="c", subcore_axis_name="s")
  f = pl.kernel(
      _sc_body,
      out_type=jax.ShapeDtypeStruct((_B, _OUT), jnp.float32),
      mesh=mesh,
      compiler_params=pltpu.CompilerParams(needs_layout_passes=False),
      scratch_types=[
          pltpu.VMEM((_RG, _CW), jnp.float32),
          pltpu.VMEM((_RG, _TAIL_REST), jnp.float32),
          pltpu.VMEM((_RS,), jnp.int32),
          pltpu.VMEM((_RS,), jnp.int32),
          pltpu.VMEM((_RS,), jnp.int32),
          pltpu.VMEM((_RS,), jnp.int32),
          pltpu.VMEM((_RS,), jnp.float32),
          pltpu.VMEM((_RS,), jnp.float32),
          pltpu.VMEM((_RG * 16,), jnp.float32),
          pltpu.VMEM((_LIST,), jnp.int32),
          pltpu.VMEM((_LIST,), jnp.float32),
          pltpu.SemaphoreType.DMA,
      ],
  )
  return f(a_flat, b_flat, idx_a_p, idx_b_p)

# --- scband reference (transcript-rebuilt; emitter-appended) ---
"""Pipeline reference for scband-black-box-function-77695958384952 (READ-ONLY COPY).

The authoritative reference and input builder live on the scoring server;
editing this copy changes nothing except your own understanding.
"""

import jax, jax.numpy as jnp
import numpy as np

B = 64          # batch size
V = 100000      # vocab / distribution support per input
S = 100         # sample_count
OUT = 2 * V - 1 # output classes for function(a,b) = a + b


def setup_inputs(seed: int = 0) -> dict:
    key = jax.random.key(seed)
    k1, k2, k3, k4 = jax.random.split(key, 4)
    # Two categorical distributions per batch element (the two black-box inputs).
    a = jax.random.uniform(k1, (B, V), dtype=jnp.float32) + 1e-6
    a = a / jnp.sum(a, axis=1, keepdims=True)
    b = jax.random.uniform(k2, (B, V), dtype=jnp.float32) + 1e-6
    b = b / jnp.sum(b, axis=1, keepdims=True)
    # InputMapping.sample: draw sample_count categorical samples per batch row.
    idx_a = jax.random.categorical(k3, jnp.log(a), axis=-1, shape=(S, B)).T.astype(jnp.int32)
    idx_b = jax.random.categorical(k4, jnp.log(b), axis=-1, shape=(S, B)).T.astype(jnp.int32)
    return {"a_probs": a, "b_probs": b, "idx_a": idx_a, "idx_b": idx_b}


def reference(a_probs, b_probs, idx_a, idx_b):
    # --- proof probability accumulation (loss_aggregator == 'add_mult') ---
    # inputs_permute is False, so there is exactly one (identity) permutation.
    pa = jnp.take_along_axis(a_probs, idx_a, axis=1)          # gather: [B, S]
    pb = jnp.take_along_axis(b_probs, idx_b, axis=1)          # gather: [B, S]
    result_probs = jnp.ones((1, B, S), dtype=jnp.float32)     # [n_perm, B, S]
    result_probs = result_probs * pa[None]                    # *= proof for input 0
    result_probs = result_probs * pb[None]                    # *= proof for input 1
    result_probs = jnp.sum(result_probs, axis=0)              # sum over permutations -> [B, S]
    # --- black-box function applied to each sampled input tuple ---
    results = idx_a + idx_b                                   # function(a, b) = a + b, in [0, 2V-2]
    # --- OutputMapping.vectorize: scatter-add sample probs into output classes ---
    batch_ids = jnp.broadcast_to(jnp.arange(B, dtype=jnp.int32)[:, None], (B, S))
    out = jnp.zeros((B, OUT), dtype=jnp.float32)
    out = out.at[batch_ids, results].add(result_probs)
    # normalize per-row (standard discrete output mapping)
    out = out / jnp.clip(jnp.sum(out, axis=1, keepdims=True), 1e-9, None)
    return out

if __name__ == "__main__":
    import jax
    _d = setup_inputs()
    print(jax.jit(kernel)(*tuple(_d.values())))

</pallas_src>

<mosaic_0001>
#map = affine_map<(d0, d1) -> (0)>
#map1 = affine_map<(d0, d1) -> (0, 0)>
module attributes {stable_mosaic.version = 14 : i64} {
  func.func @_sc_body(%arg0: i32, %arg1: i32, %arg2: memref<6400000xf32, #tpu.memory_space<hbm>>, %arg3: memref<6400000xf32, #tpu.memory_space<hbm>>, %arg4: memref<8192xi32, #tpu.memory_space<hbm>>, %arg5: memref<8192xi32, #tpu.memory_space<hbm>>, %arg6: memref<64x199999xf32, #tpu.memory_space<hbm>>, %arg7: memref<8x12544xf32, #tpu.memory_space<vmem>>, %arg8: memref<8x63xf32, #tpu.memory_space<vmem>>, %arg9: memref<1024xi32, #tpu.memory_space<vmem>>, %arg10: memref<1024xi32, #tpu.memory_space<vmem>>, %arg11: memref<1024xi32, #tpu.memory_space<vmem>>, %arg12: memref<1024xi32, #tpu.memory_space<vmem>>, %arg13: memref<1024xf32, #tpu.memory_space<vmem>>, %arg14: memref<1024xf32, #tpu.memory_space<vmem>>, %arg15: memref<128xf32, #tpu.memory_space<vmem>>, %arg16: memref<1040xi32, #tpu.memory_space<vmem>>, %arg17: memref<1040xf32, #tpu.memory_space<vmem>>, %arg18: memref<!tpu.dma_semaphore, #tpu.memory_space<semaphore_mem>>) attributes {dimension_semantics = [#tpu.dimension_semantics<core_parallel>, #tpu.dimension_semantics<subcore_parallel>], iteration_bounds = array<i64: 2, 16>, scalar_prefetch = 0 : i64, scratch_operands = 12 : i64, tpu.core_type = #tpu.core_type<sc_vector_subcore>, window_params = [{transform_indices = #map}, {transform_indices = #map}, {transform_indices = #map}, {transform_indices = #map}, {transform_indices = #map1}]} {
    %mul3A = arith.constant 2 : i32
    %mul3A_0 = arith.muli %arg1, %mul3A : i32
    %add3A = arith.addi %mul3A_0, %arg0 : i32
    %shift_right_arithmetic3A = arith.constant 2 : i32
    %shift_right_arithmetic3A_1 = arith.shrsi %add3A, %shift_right_arithmetic3A : i32
    %and3A = arith.constant 3 : i32
    %and3A_2 = arith.andi %add3A, %and3A : i32
    %mul3A_3 = arith.constant 8 : i32
    %mul3A_4 = arith.muli %shift_right_arithmetic3A_1, %mul3A_3 : i32
    %mul3A_5 = arith.constant 50176 : i32
    %mul3A_6 = arith.muli %and3A_2, %mul3A_5 : i32
    %iota3A = tpu.iota {dimensions = array<i32: 0>} : vector<16xi32>
    %broadcast_in_dim3A = arith.constant 0.000000e+00 : f32
    %broadcast_in_dim3A_7 = vector.broadcast %broadcast_in_dim3A : f32 to vector<16xf32>
    %mul3A_8 = arith.constant 128 : i32
    %mul3A_9 = arith.muli %mul3A_4, %mul3A_8 : i32
    "tpu.region"() ({
      %run_scoped3A = tpu.sem_alloc : memref<!tpu.dma_semaphore, #tpu.memory_space<semaphore_mem>>
      %dma_start3A_635 = tpu.memref_slice %arg4[%mul3A_9] : memref<8192xi32, #tpu.memory_space<hbm>> -> memref<1024xi32, #tpu.memory_space<hbm>>
      %dma_start3A_636 = tpu.memref_slice %arg4[%mul3A_9] : memref<8192xi32, #tpu.memory_space<hbm>> -> memref<1024xi32, #tpu.memory_space<hbm>>
      tpu.enqueue_dma source(%dma_start3A_636 : memref<1024xi32, #tpu.memory_space<hbm>>) target(%arg9 : memref<1024xi32, #tpu.memory_space<vmem>>) target_semaphore(%run_scoped3A : memref<!tpu.dma_semaphore, #tpu.memory_space<semaphore_mem>>)
      %dma_wait3A_637 = tpu.memref_slice %arg4[%mul3A_9] : memref<8192xi32, #tpu.memory_space<hbm>> -> memref<1024xi32, #tpu.memory_space<hbm>>
      %dma_wait3A_638 = tpu.memref_slice %arg4[%mul3A_9] : memref<8192xi32, #tpu.memory_space<hbm>> -> memref<1024xi32, #tpu.memory_space<hbm>>
      tpu.wait_dma2 semaphore(%run_scoped3A : memref<!tpu.dma_semaphore, #tpu.memory_space<semaphore_mem>>) src(%dma_wait3A_638 : memref<1024xi32, #tpu.memory_space<hbm>>) dst(%arg9 : memref<1024xi32, #tpu.memory_space<vmem>>)
      tpu.yield
    }) : () -> ()
    %mul3A_10 = arith.constant 128 : i32
    %mul3A_11 = arith.muli %mul3A_4, %mul3A_10 : i32
    "tpu.region"() ({
      %run_scoped3A = tpu.sem_alloc : memref<!tpu.dma_semaphore, #tpu.memory_space<semaphore_mem>>
      %dma_start3A_635 = tpu.memref_slice %arg5[%mul3A_11] : memref<8192xi32, #tpu.memory_space<hbm>> -> memref<1024xi32, #tpu.memory_space<hbm>>
      %dma_start3A_636 = tpu.memref_slice %arg5[%mul3A_11] : memref<8192xi32, #tpu.memory_space<hbm>> -> memref<1024xi32, #tpu.memory_space<hbm>>
      tpu.enqueue_dma source(%dma_start3A_636 : memref<1024xi32, #tpu.memory_space<hbm>>) target(%arg10 : memref<1024xi32, #tpu.memory_space<vmem>>) target_semaphore(%run_scoped3A : memref<!tpu.dma_semaphore, #tpu.memory_space<semaphore_mem>>)
      %dma_wait3A_637 = tpu.memref_slice %arg5[%mul3A_11] : memref<8192xi32, #tpu.memory_space<hbm>> -> memref<1024xi32, #tpu.memory_space<hbm>>
      %dma_wait3A_638 = tpu.memref_slice %arg5[%mul3A_11] : memref<8192xi32, #tpu.memory_space<hbm>> -> memref<1024xi32, #tpu.memory_space<hbm>>
      tpu.wait_dma2 semaphore(%run_scoped3A : memref<!tpu.dma_semaphore, #tpu.memory_space<semaphore_mem>>) src(%dma_wait3A_638 : memref<1024xi32, #tpu.memory_space<hbm>>) dst(%arg10 : memref<1024xi32, #tpu.memory_space<vmem>>)
      tpu.yield
    }) : () -> ()
    %scan3A = arith.constant 0 : i32
    %scan3A_12 = arith.constant 0 : i32
    %scan3A_13 = arith.constant 64 : i32
    %scan3A_14 = arith.addi %scan3A_12, %scan3A_13 : i32
    %scan3A_15 = arith.constant 1 : i32
    scf.for %scan3A_635 = %scan3A_12 to %scan3A_14 step %scan3A_15  : i32 {
      %mul3A_636 = arith.constant 16 : i32
      %mul3A_637 = arith.muli %scan3A_635, %mul3A_636 : i32
      %shift_right_arithmetic3A_638 = arith.constant 3 : i32
      %shift_right_arithmetic3A_639 = arith.shrsi %scan3A_635, %shift_right_arithmetic3A_638 : i32
      %add3A_640 = arith.addi %mul3A_4, %shift_right_arithmetic3A_639 : i32
      %mul3A_641 = arith.constant 100000 : i32
      %mul3A_642 = arith.muli %add3A_640, %mul3A_641 : i32
      %get3A = arith.index_cast %mul3A_637 : i32 to index
      %get3A_643 = tpu.vector_load %arg9[%get3A] {strides = array<i32>} : memref<1024xi32, #tpu.memory_space<vmem>>, vector<16xi32>,
      %add3A_644 = vector.broadcast %mul3A_642 : i32 to vector<16xi32>
      %add3A_645 = arith.addi %get3A_643, %add3A_644 : vector<16xi32>
      %swap3A = arith.index_cast %mul3A_637 : i32 to index
      %swap3A_646 = tpu.vector_load %arg11[%swap3A] {strides = array<i32>} : memref<1024xi32, #tpu.memory_space<vmem>>, vector<16xi32>,
      tpu.vector_store %arg11[%swap3A], %add3A_645 {strides = array<i32>} : memref<1024xi32, #tpu.memory_space<vmem>>, vector<16xi32>,
      %get3A_647 = arith.index_cast %mul3A_637 : i32 to index
      %get3A_648 = tpu.vector_load %arg10[%get3A_647] {strides = array<i32>} : memref<1024xi32, #tpu.memory_space<vmem>>, vector<16xi32>,
      %add3A_649 = vector.broadcast %mul3A_642 : i32 to vector<16xi32>
      %add3A_650 = arith.addi %get3A_648, %add3A_649 : vector<16xi32>
      %swap3A_651 = arith.index_cast %mul3A_637 : i32 to index
      %swap3A_652 = tpu.vector_load %arg12[%swap3A_651] {strides = array<i32>} : memref<1024xi32, #tpu.memory_space<vmem>>, vector<16xi32>,
      tpu.vector_store %arg12[%swap3A_651], %add3A_650 {strides = array<i32>} : memref<1024xi32, #tpu.memory_space<vmem>>, vector<16xi32>,
    }
    %scan3A_16 = arith.constant 64 : i32
    %dma_start3A = arith.constant 0 : i32
    %dma_start3A_17 = tpu.memref_slice %arg13[%dma_start3A] : memref<1024xf32, #tpu.memory_space<vmem>> -> memref<128xf32, #tpu.memory_space<vmem>>
    %dma_start3A_18 = arith.constant 0 : i32
    %dma_start3A_19 = tpu.memref_slice %arg11[%dma_start3A_18] : memref<1024xi32, #tpu.memory_space<vmem>> -> memref<128xi32, #tpu.memory_space<vmem>>
    %dma_start3A_20 = arith.constant 0 : i32
    %dma_start3A_21 = tpu.memref_slice %arg2[%dma_start3A_20] : memref<6400000xf32, #tpu.memory_space<hbm>> -> memref<6400000xf32, #tpu.memory_space<hbm>>
    tpu.enqueue_indirect_dma source(%dma_start3A_21 : memref<6400000xf32, #tpu.memory_space<hbm>>) target(%dma_start3A_17 : memref<128xf32, #tpu.memory_space<vmem>>) offsets(%dma_start3A_19 : memref<128xi32, #tpu.memory_space<vmem>>) semaphore(%arg18 : memref<!tpu.dma_semaphore, #tpu.memory_space<semaphore_mem>>)
    %dma_start3A_22 = arith.constant 128 : i32
    %dma_start3A_23 = tpu.memref_slice %arg13[%dma_start3A_22] : memref<1024xf32, #tpu.memory_space<vmem>> -> memref<128xf32, #tpu.memory_space<vmem>>
    %dma_start3A_24 = arith.constant 128 : i32
    %dma_start3A_25 = tpu.memref_slice %arg11[%dma_start3A_24] : memref<1024xi32, #tpu.memory_space<vmem>> -> memref<128xi32, #tpu.memory_space<vmem>>
    %dma_start3A_26 = arith.constant 0 : i32
    %dma_start3A_27 = tpu.memref_slice %arg2[%dma_start3A_26] : memref<6400000xf32, #tpu.memory_space<hbm>> -> memref<6400000xf32, #tpu.memory_space<hbm>>
    tpu.enqueue_indirect_dma source(%dma_start3A_27 : memref<6400000xf32, #tpu.memory_space<hbm>>) target(%dma_start3A_23 : memref<128xf32, #tpu.memory_space<vmem>>) offsets(%dma_start3A_25 : memref<128xi32, #tpu.memory_space<vmem>>) semaphore(%arg18 : memref<!tpu.dma_semaphore, #tpu.memory_space<semaphore_mem>>)
    %dma_start3A_28 = arith.constant 256 : i32
    %dma_start3A_29 = tpu.memref_slice %arg13[%dma_start3A_28] : memref<1024xf32, #tpu.memory_space<vmem>> -> memref<128xf32, #tpu.memory_space<vmem>>
    %dma_start3A_30 = arith.constant 256 : i32
    %dma_start3A_31 = tpu.memref_slice %arg11[%dma_start3A_30] : memref<1024xi32, #tpu.memory_space<vmem>> -> memref<128xi32, #tpu.memory_space<vmem>>
    %dma_start3A_32 = arith.constant 0 : i32
    %dma_start3A_33 = tpu.memref_slice %arg2[%dma_start3A_32] : memref<6400000xf32, #tpu.memory_space<hbm>> -> memref<6400000xf32, #tpu.memory_space<hbm>>
    tpu.enqueue_indirect_dma source(%dma_start3A_33 : memref<6400000xf32, #tpu.memory_space<hbm>>) target(%dma_start3A_29 : memref<128xf32, #tpu.memory_space<vmem>>) offsets(%dma_start3A_31 : memref<128xi32, #tpu.memory_space<vmem>>) semaphore(%arg18 : memref<!tpu.dma_semaphore, #tpu.memory_space<semaphore_mem>>)
    %dma_start3A_34 = arith.constant 384 : i32
    %dma_start3A_35 = tpu.memref_slice %arg13[%dma_start3A_34] : memref<1024xf32, #tpu.memory_space<vmem>> -> memref<128xf32, #tpu.memory_space<vmem>>
    %dma_start3A_36 = arith.constant 384 : i32
    %dma_start3A_37 = tpu.memref_slice %arg11[%dma_start3A_36] : memref<1024xi32, #tpu.memory_space<vmem>> -> memref<128xi32, #tpu.memory_space<vmem>>
    %dma_start3A_38 = arith.constant 0 : i32
    %dma_start3A_39 = tpu.memref_slice %arg2[%dma_start3A_38] : memref<6400000xf32, #tpu.memory_space<hbm>> -> memref<6400000xf32, #tpu.memory_space<hbm>>
    tpu.enqueue_indirect_dma source(%dma_start3A_39 : memref<6400000xf32, #tpu.memory_space<hbm>>) target(%dma_start3A_35 : memref<128xf32, #tpu.memory_space<vmem>>) offsets(%dma_start3A_37 : memref<128xi32, #tpu.memory_space<vmem>>) semaphore(%arg18 : memref<!tpu.dma_semaphore, #tpu.memory_space<semaphore_mem>>)
    %dma_start3A_40 = arith.constant 512 : i32
    %dma_start3A_41 = tpu.memref_slice %arg13[%dma_start3A_40] : memref<1024xf32, #tpu.memory_space<vmem>> -> memref<128xf32, #tpu.memory_space<vmem>>
    %dma_start3A_42 = arith.constant 512 : i32
    %dma_start3A_43 = tpu.memref_slice %arg11[%dma_start3A_42] : memref<1024xi32, #tpu.memory_space<vmem>> -> memref<128xi32, #tpu.memory_space<vmem>>
    %dma_start3A_44 = arith.constant 0 : i32
    %dma_start3A_45 = tpu.memref_slice %arg2[%dma_start3A_44] : memref<6400000xf32, #tpu.memory_space<hbm>> -> memref<6400000xf32, #tpu.memory_space<hbm>>
    tpu.enqueue_indirect_dma source(%dma_start3A_45 : memref<6400000xf32, #tpu.memory_space<hbm>>) target(%dma_start3A_41 : memref<128xf32, #tpu.memory_space<vmem>>) offsets(%dma_start3A_43 : memref<128xi32, #tpu.memory_space<vmem>>) semaphore(%arg18 : memref<!tpu.dma_semaphore, #tpu.memory_space<semaphore_mem>>)
    %dma_start3A_46 = arith.constant 640 : i32
    %dma_start3A_47 = tpu.memref_slice %arg13[%dma_start3A_46] : memref<1024xf32, #tpu.memory_space<vmem>> -> memref<128xf32, #tpu.memory_space<vmem>>
    %dma_start3A_48 = arith.constant 640 : i32
    %dma_start3A_49 = tpu.memref_slice %arg11[%dma_start3A_48] : memref<1024xi32, #tpu.memory_space<vmem>> -> memref<128xi32, #tpu.memory_space<vmem>>
    %dma_start3A_50 = arith.constant 0 : i32
    %dma_start3A_51 = tpu.memref_slice %arg2[%dma_start3A_50] : memref<6400000xf32, #tpu.memory_space<hbm>> -> memref<6400000xf32, #tpu.memory_space<hbm>>
    tpu.enqueue_indirect_dma source(%dma_start3A_51 : memref<6400000xf32, #tpu.memory_space<hbm>>) target(%dma_start3A_47 : memref<128xf32, #tpu.memory_space<vmem>>) offsets(%dma_start3A_49 : memref<128xi32, #tpu.memory_space<vmem>>) semaphore(%arg18 : memref<!tpu.dma_semaphore, #tpu.memory_space<semaphore_mem>>)
    %dma_start3A_52 = arith.constant 768 : i32
    %dma_start3A_53 = tpu.memref_slice %arg13[%dma_start3A_52] : memref<1024xf32, #tpu.memory_space<vmem>> -> memref<128xf32, #tpu.memory_space<vmem>>
    %dma_start3A_54 = arith.constant 768 : i32
    %dma_start3A_55 = tpu.memref_slice %arg11[%dma_start3A_54] : memref<1024xi32, #tpu.memory_space<vmem>> -> memref<128xi32, #tpu.memory_space<vmem>>
    %dma_start3A_56 = arith.constant 0 : i32
    %dma_start3A_57 = tpu.memref_slice %arg2[%dma_start3A_56] : memref<6400000xf32, #tpu.memory_space<hbm>> -> memref<6400000xf32, #tpu.memory_space<hbm>>
    tpu.enqueue_indirect_dma source(%dma_start3A_57 : memref<6400000xf32, #tpu.memory_space<hbm>>) target(%dma_start3A_53 : memref<128xf32, #tpu.memory_space<vmem>>) offsets(%dma_start3A_55 : memref<128xi32, #tpu.memory_space<vmem>>) semaphore(%arg18 : memref<!tpu.dma_semaphore, #tpu.memory_space<semaphore_mem>>)
    %dma_start3A_58 = arith.constant 896 : i32
    %dma_start3A_59 = tpu.memref_slice %arg13[%dma_start3A_58] : memref<1024xf32, #tpu.memory_space<vmem>> -> memref<128xf32, #tpu.memory_space<vmem>>
    %dma_start3A_60 = arith.constant 896 : i32
    %dma_start3A_61 = tpu.memref_slice %arg11[%dma_start3A_60] : memref<1024xi32, #tpu.memory_space<vmem>> -> memref<128xi32, #tpu.memory_space<vmem>>
    %dma_start3A_62 = arith.constant 0 : i32
    %dma_start3A_63 = tpu.memref_slice %arg2[%dma_start3A_62] : memref<6400000xf32, #tpu.memory_space<hbm>> -> memref<6400000xf32, #tpu.memory_space<hbm>>
    tpu.enqueue_indirect_dma source(%dma_start3A_63 : memref<6400000xf32, #tpu.memory_space<hbm>>) target(%dma_start3A_59 : memref<128xf32, #tpu.memory_space<vmem>>) offsets(%dma_start3A_61 : memref<128xi32, #tpu.memory_space<vmem>>) semaphore(%arg18 : memref<!tpu.dma_semaphore, #tpu.memory_space<semaphore_mem>>)
    %dma_start3A_64 = arith.constant 0 : i32
    %dma_start3A_65 = tpu.memref_slice %arg14[%dma_start3A_64] : memref<1024xf32, #tpu.memory_space<vmem>> -> memref<128xf32, #tpu.memory_space<vmem>>
    %dma_start3A_66 = arith.constant 0 : i32
    %dma_start3A_67 = tpu.memref_slice %arg12[%dma_start3A_66] : memref<1024xi32, #tpu.memory_space<vmem>> -> memref<128xi32, #tpu.memory_space<vmem>>
    %dma_start3A_68 = arith.constant 0 : i32
    %dma_start3A_69 = tpu.memref_slice %arg3[%dma_start3A_68] : memref<6400000xf32, #tpu.memory_space<hbm>> -> memref<6400000xf32, #tpu.memory_space<hbm>>
    tpu.enqueue_indirect_dma source(%dma_start3A_69 : memref<6400000xf32, #tpu.memory_space<hbm>>) target(%dma_start3A_65 : memref<128xf32, #tpu.memory_space<vmem>>) offsets(%dma_start3A_67 : memref<128xi32, #tpu.memory_space<vmem>>) semaphore(%arg18 : memref<!tpu.dma_semaphore, #tpu.memory_space<semaphore_mem>>)
    %dma_start3A_70 = arith.constant 128 : i32
    %dma_start3A_71 = tpu.memref_slice %arg14[%dma_start3A_70] : memref<1024xf32, #tpu.memory_space<vmem>> -> memref<128xf32, #tpu.memory_space<vmem>>
    %dma_start3A_72 = arith.constant 128 : i32
    %dma_start3A_73 = tpu.memref_slice %arg12[%dma_start3A_72] : memref<1024xi32, #tpu.memory_space<vmem>> -> memref<128xi32, #tpu.memory_space<vmem>>
    %dma_start3A_74 = arith.constant 0 : i32
    %dma_start3A_75 = tpu.memref_slice %arg3[%dma_start3A_74] : memref<6400000xf32, #tpu.memory_space<hbm>> -> memref<6400000xf32, #tpu.memory_space<hbm>>
    tpu.enqueue_indirect_dma source(%dma_start3A_75 : memref<6400000xf32, #tpu.memory_space<hbm>>) target(%dma_start3A_71 : memref<128xf32, #tpu.memory_space<vmem>>) offsets(%dma_start3A_73 : memref<128xi32, #tpu.memory_space<vmem>>) semaphore(%arg18 : memref<!tpu.dma_semaphore, #tpu.memory_space<semaphore_mem>>)
    %dma_start3A_76 = arith.constant 256 : i32
    %dma_start3A_77 = tpu.memref_slice %arg14[%dma_start3A_76] : memref<1024xf32, #tpu.memory_space<vmem>> -> memref<128xf32, #tpu.memory_space<vmem>>
    %dma_start3A_78 = arith.constant 256 : i32
    %dma_start3A_79 = tpu.memref_slice %arg12[%dma_start3A_78] : memref<1024xi32, #tpu.memory_space<vmem>> -> memref<128xi32, #tpu.memory_space<vmem>>
    %dma_start3A_80 = arith.constant 0 : i32
    %dma_start3A_81 = tpu.memref_slice %arg3[%dma_start3A_80] : memref<6400000xf32, #tpu.memory_space<hbm>> -> memref<6400000xf32, #tpu.memory_space<hbm>>
    tpu.enqueue_indirect_dma source(%dma_start3A_81 : memref<6400000xf32, #tpu.memory_space<hbm>>) target(%dma_start3A_77 : memref<128xf32, #tpu.memory_space<vmem>>) offsets(%dma_start3A_79 : memref<128xi32, #tpu.memory_space<vmem>>) semaphore(%arg18 : memref<!tpu.dma_semaphore, #tpu.memory_space<semaphore_mem>>)
    %dma_start3A_82 = arith.constant 384 : i32
    %dma_start3A_83 = tpu.memref_slice %arg14[%dma_start3A_82] : memref<1024xf32, #tpu.memory_space<vmem>> -> memref<128xf32, #tpu.memory_space<vmem>>
    %dma_start3A_84 = arith.constant 384 : i32
    %dma_start3A_85 = tpu.memref_slice %arg12[%dma_start3A_84] : memref<1024xi32, #tpu.memory_space<vmem>> -> memref<128xi32, #tpu.memory_space<vmem>>
    %dma_start3A_86 = arith.constant 0 : i32
    %dma_start3A_87 = tpu.memref_slice %arg3[%dma_start3A_86] : memref<6400000xf32, #tpu.memory_space<hbm>> -> memref<6400000xf32, #tpu.memory_space<hbm>>
    tpu.enqueue_indirect_dma source(%dma_start3A_87 : memref<6400000xf32, #tpu.memory_space<hbm>>) target(%dma_start3A_83 : memref<128xf32, #tpu.memory_space<vmem>>) offsets(%dma_start3A_85 : memref<128xi32, #tpu.memory_space<vmem>>) semaphore(%arg18 : memref<!tpu.dma_semaphore, #tpu.memory_space<semaphore_mem>>)
    %dma_start3A_88 = arith.constant 512 : i32
    %dma_start3A_89 = tpu.memref_slice %arg14[%dma_start3A_88] : memref<1024xf32, #tpu.memory_space<vmem>> -> memref<128xf32, #tpu.memory_space<vmem>>
    %dma_start3A_90 = arith.constant 512 : i32
    %dma_start3A_91 = tpu.memref_slice %arg12[%dma_start3A_90] : memref<1024xi32, #tpu.memory_space<vmem>> -> memref<128xi32, #tpu.memory_space<vmem>>
    %dma_start3A_92 = arith.constant 0 : i32
    %dma_start3A_93 = tpu.memref_slice %arg3[%dma_start3A_92] : memref<6400000xf32, #tpu.memory_space<hbm>> -> memref<6400000xf32, #tpu.memory_space<hbm>>
    tpu.enqueue_indirect_dma source(%dma_start3A_93 : memref<6400000xf32, #tpu.memory_space<hbm>>) target(%dma_start3A_89 : memref<128xf32, #tpu.memory_space<vmem>>) offsets(%dma_start3A_91 : memref<128xi32, #tpu.memory_space<vmem>>) semaphore(%arg18 : memref<!tpu.dma_semaphore, #tpu.memory_space<semaphore_mem>>)
    %dma_start3A_94 = arith.constant 640 : i32
    %dma_start3A_95 = tpu.memref_slice %arg14[%dma_start3A_94] : memref<1024xf32, #tpu.memory_space<vmem>> -> memref<128xf32, #tpu.memory_space<vmem>>
    %dma_start3A_96 = arith.constant 640 : i32
    %dma_start3A_97 = tpu.memref_slice %arg12[%dma_start3A_96] : memref<1024xi32, #tpu.memory_space<vmem>> -> memref<128xi32, #tpu.memory_space<vmem>>
    %dma_start3A_98 = arith.constant 0 : i32
    %dma_start3A_99 = tpu.memref_slice %arg3[%dma_start3A_98] : memref<6400000xf32, #tpu.memory_space<hbm>> -> memref<6400000xf32, #tpu.memory_space<hbm>>
    tpu.enqueue_indirect_dma source(%dma_start3A_99 : memref<6400000xf32, #tpu.memory_space<hbm>>) target(%dma_start3A_95 : memref<128xf32, #tpu.memory_space<vmem>>) offsets(%dma_start3A_97 : memref<128xi32, #tpu.memory_space<vmem>>) semaphore(%arg18 : memref<!tpu.dma_semaphore, #tpu.memory_space<semaphore_mem>>)
    %dma_start3A_100 = arith.constant 768 : i32
    %dma_start3A_101 = tpu.memref_slice %arg14[%dma_start3A_100] : memref<1024xf32, #tpu.memory_space<vmem>> -> memref<128xf32, #tpu.memory_space<vmem>>
    %dma_start3A_102 = arith.constant 768 : i32
    %dma_start3A_103 = tpu.memref_slice %arg12[%dma_start3A_102] : memref<1024xi32, #tpu.memory_space<vmem>> -> memref<128xi32, #tpu.memory_space<vmem>>
    %dma_start3A_104 = arith.constant 0 : i32
    %dma_start3A_105 = tpu.memref_slice %arg3[%dma_start3A_104] : memref<6400000xf32, #tpu.memory_space<hbm>> -> memref<6400000xf32, #tpu.memory_space<hbm>>
    tpu.enqueue_indirect_dma source(%dma_start3A_105 : memref<6400000xf32, #tpu.memory_space<hbm>>) target(%dma_start3A_101 : memref<128xf32, #tpu.memory_space<vmem>>) offsets(%dma_start3A_103 : memref<128xi32, #tpu.memory_space<vmem>>) semaphore(%arg18 : memref<!tpu.dma_semaphore, #tpu.memory_space<semaphore_mem>>)
    %dma_start3A_106 = arith.constant 896 : i32
    %dma_start3A_107 = tpu.memref_slice %arg14[%dma_start3A_106] : memref<1024xf32, #tpu.memory_space<vmem>> -> memref<128xf32, #tpu.memory_space<vmem>>
    %dma_start3A_108 = arith.constant 896 : i32
    %dma_start3A_109 = tpu.memref_slice %arg12[%dma_start3A_108] : memref<1024xi32, #tpu.memory_space<vmem>> -> memref<128xi32, #tpu.memory_space<vmem>>
    %dma_start3A_110 = arith.constant 0 : i32
    %dma_start3A_111 = tpu.memref_slice %arg3[%dma_start3A_110] : memref<6400000xf32, #tpu.memory_space<hbm>> -> memref<6400000xf32, #tpu.memory_space<hbm>>
    tpu.enqueue_indirect_dma source(%dma_start3A_111 : memref<6400000xf32, #tpu.memory_space<hbm>>) target(%dma_start3A_107 : memref<128xf32, #tpu.memory_space<vmem>>) offsets(%dma_start3A_109 : memref<128xi32, #tpu.memory_space<vmem>>) semaphore(%arg18 : memref<!tpu.dma_semaphore, #tpu.memory_space<semaphore_mem>>)
    %scan3A_112 = arith.constant 0 : i32
    %scan3A_113 = arith.constant 0 : i32
    %scan3A_114 = arith.constant 98 : i32
    %scan3A_115 = arith.addi %scan3A_113, %scan3A_114 : i32
    %scan3A_116 = arith.constant 1 : i32
    scf.for %scan3A_635 = %scan3A_113 to %scan3A_115 step %scan3A_116  : i32 {
      %mul3A_636 = arith.constant 128 : i32
      %mul3A_637 = arith.muli %scan3A_635, %mul3A_636 : i32
      %add3A_638 = arith.constant 0 : i32
      %add3A_639 = arith.addi %mul3A_637, %add3A_638 : i32
      %swap3A = arith.constant 0 : i32
      %swap3A_640 = arith.index_cast %swap3A : i32 to index
      %swap3A_641 = arith.index_cast %add3A_639 : i32 to index
      %swap3A_642 = tpu.vector_load %arg7[%swap3A_640, %swap3A_641] {strides = array<i32>} : memref<8x12544xf32, #tpu.memory_space<vmem>>, vector<16xf32>,
      tpu.vector_store %arg7[%swap3A_640, %swap3A_641], %broadcast_in_dim3A_7 {strides = array<i32>} : memref<8x12544xf32, #tpu.memory_space<vmem>>, vector<16xf32>,
      %add3A_643 = arith.constant 16 : i32
      %add3A_644 = arith.addi %mul3A_637, %add3A_643 : i32
      %swap3A_645 = arith.constant 0 : i32
      %swap3A_646 = arith.index_cast %swap3A_645 : i32 to index
      %swap3A_647 = arith.index_cast %add3A_644 : i32 to index
      %swap3A_648 = tpu.vector_load %arg7[%swap3A_646, %swap3A_647] {strides = array<i32>} : memref<8x12544xf32, #tpu.memory_space<vmem>>, vector<16xf32>,
      tpu.vector_store %arg7[%swap3A_646, %swap3A_647], %broadcast_in_dim3A_7 {strides = array<i32>} : memref<8x12544xf32, #tpu.memory_space<vmem>>, vector<16xf32>,
      %add3A_649 = arith.constant 32 : i32
      %add3A_650 = arith.addi %mul3A_637, %add3A_649 : i32
      %swap3A_651 = arith.constant 0 : i32
      %swap3A_652 = arith.index_cast %swap3A_651 : i32 to index
      %swap3A_653 = arith.index_cast %add3A_650 : i32 to index
      %swap3A_654 = tpu.vector_load %arg7[%swap3A_652, %swap3A_653] {strides = array<i32>} : memref<8x12544xf32, #tpu.memory_space<vmem>>, vector<16xf32>,
      tpu.vector_store %arg7[%swap3A_652, %swap3A_653], %broadcast_in_dim3A_7 {strides = array<i32>} : memref<8x12544xf32, #tpu.memory_space<vmem>>, vector<16xf32>,
      %add3A_655 = arith.constant 48 : i32
      %add3A_656 = arith.addi %mul3A_637, %add3A_655 : i32
      %swap3A_657 = arith.constant 0 : i32
      %swap3A_658 = arith.index_cast %swap3A_657 : i32 to index
      %swap3A_659 = arith.index_cast %add3A_656 : i32 to index
      %swap3A_660 = tpu.vector_load %arg7[%swap3A_658, %swap3A_659] {strides = array<i32>} : memref<8x12544xf32, #tpu.memory_space<vmem>>, vector<16xf32>,
      tpu.vector_store %arg7[%swap3A_658, %swap3A_659], %broadcast_in_dim3A_7 {strides = array<i32>} : memref<8x12544xf32, #tpu.memory_space<vmem>>, vector<16xf32>,
      %add3A_661 = arith.constant 64 : i32
      %add3A_662 = arith.addi %mul3A_637, %add3A_661 : i32
      %swap3A_663 = arith.constant 0 : i32
      %swap3A_664 = arith.index_cast %swap3A_663 : i32 to index
      %swap3A_665 = arith.index_cast %add3A_662 : i32 to index
      %swap3A_666 = tpu.vector_load %arg7[%swap3A_664, %swap3A_665] {strides = array<i32>} : memref<8x12544xf32, #tpu.memory_space<vmem>>, vector<16xf32>,
      tpu.vector_store %arg7[%swap3A_664, %swap3A_665], %broadcast_in_dim3A_7 {strides = array<i32>} : memref<8x12544xf32, #tpu.memory_space<vmem>>, vector<16xf32>,
      %add3A_667 = arith.constant 80 : i32
      %add3A_668 = arith.addi %mul3A_637, %add3A_667 : i32
      %swap3A_669 = arith.constant 0 : i32
      %swap3A_670 = arith.index_cast %swap3A_669 : i32 to index
      %swap3A_671 = arith.index_cast %add3A_668 : i32 to index
      %swap3A_672 = tpu.vector_load %arg7[%swap3A_670, %swap3A_671] {strides = array<i32>} : memref<8x12544xf32, #tpu.memory_space<vmem>>, vector<16xf32>,
      tpu.vector_store %arg7[%swap3A_670, %swap3A_671], %broadcast_in_dim3A_7 {strides = array<i32>} : memref<8x12544xf32, #tpu.memory_space<vmem>>, vector<16xf32>,
      %add3A_673 = arith.constant 96 : i32
      %add3A_674 = arith.addi %mul3A_637, %add3A_673 : i32
      %swap3A_675 = arith.constant 0 : i32
      %swap3A_676 = arith.index_cast %swap3A_675 : i32 to index
      %swap3A_677 = arith.index_cast %add3A_674 : i32 to index
      %swap3A_678 = tpu.vector_load %arg7[%swap3A_676, %swap3A_677] {strides = array<i32>} : memref<8x12544xf32, #tpu.memory_space<vmem>>, vector<16xf32>,
      tpu.vector_store %arg7[%swap3A_676, %swap3A_677], %broadcast_in_dim3A_7 {strides = array<i32>} : memref<8x12544xf32, #tpu.memory_space<vmem>>, vector<16xf32>,
      %add3A_679 = arith.constant 112 : i32
      %add3A_680 = arith.addi %mul3A_637, %add3A_679 : i32
      %swap3A_681 = arith.constant 0 : i32
      %swap3A_682 = arith.index_cast %swap3A_681 : i32 to index
      %swap3A_683 = arith.index_cast %add3A_680 : i32 to index
      %swap3A_684 = tpu.vector_load %arg7[%swap3A_682, %swap3A_683] {strides = array<i32>} : memref<8x12544xf32, #tpu.memory_space<vmem>>, vector<16xf32>,
      tpu.vector_store %arg7[%swap3A_682, %swap3A_683], %broadcast_in_dim3A_7 {strides = array<i32>} : memref<8x12544xf32, #tpu.memory_space<vmem>>, vector<16xf32>,
      %add3A_685 = arith.constant 0 : i32
      %add3A_686 = arith.addi %mul3A_637, %add3A_685 : i32
      %swap3A_687 = arith.constant 1 : i32
      %swap3A_688 = arith.index_cast %swap3A_687 : i32 to index
      %swap3A_689 = arith.index_cast %add3A_686 : i32 to index
      %swap3A_690 = tpu.vector_load %arg7[%swap3A_688, %swap3A_689] {strides = array<i32>} : memref<8x12544xf32, #tpu.memory_space<vmem>>, vector<16xf32>,
      tpu.vector_store %arg7[%swap3A_688, %swap3A_689], %broadcast_in_dim3A_7 {strides = array<i32>} : memref<8x12544xf32, #tpu.memory_space<vmem>>, vector<16xf32>,
      %add3A_691 = arith.constant 16 : i32
      %add3A_692 = arith.addi %mul3A_637, %add3A_691 : i32
      %swap3A_693 = arith.constant 1 : i32
      %swap3A_694 = arith.index_cast %swap3A_693 : i32 to index
      %swap3A_695 = arith.index_cast %add3A_692 : i32 to index
      %swap3A_696 = tpu.vector_load %arg7[%swap3A_694, %swap3A_695] {strides = array<i32>} : memref<8x12544xf32, #tpu.memory_space<vmem>>, vector<16xf32>,
      tpu.vector_store %arg7[%swap3A_694, %swap3A_695], %broadcast_in_dim3A_7 {strides = array<i32>} : memref<8x12544xf32, #tpu.memory_space<vmem>>, vector<16xf32>,
      %add3A_697 = arith.constant 32 : i32
      %add3A_698 = arith.addi %mul3A_637, %add3A_697 : i32
      %swap3A_699 = arith.constant 1 : i32
      %swap3A_700 = arith.index_cast %swap3A_699 : i32 to index
      %swap3A_701 = arith.index_cast %add3A_698 : i32 to index
      %swap3A_702 = tpu.vector_load %arg7[%swap3A_700, %swap3A_701] {strides = array<i32>} : memref<8x12544xf32, #tpu.memory_space<vmem>>, vector<16xf32>,
      tpu.vector_store %arg7[%swap3A_700, %swap3A_701], %broadcast_in_dim3A_7 {strides = array<i32>} : memref<8x12544xf32, #tpu.memory_space<vmem>>, vector<16xf32>,
      %add3A_703 = arith.constant 48 : i32
      %add3A_704 = arith.addi %mul3A_637, %add3A_703 : i32
      %swap3A_705 = arith.constant 1 : i32
      %swap3A_706 = arith.index_cast %swap3A_705 : i32 to index
      %swap3A_707 = arith.index_cast %add3A_704 : i32 to index
      %swap3A_708 = tpu.vector_load %arg7[%swap3A_706, %swap3A_707] {strides = array<i32>} : memref<8x12544xf32, #tpu.memory_space<vmem>>, vector<16xf32>,
      tpu.vector_store %arg7[%swap3A_706, %swap3A_707], %broadcast_in_dim3A_7 {strides = array<i32>} : memref<8x12544xf32, #tpu.memory_space<vmem>>, vector<16xf32>,
      %add3A_709 = arith.constant 64 : i32
      %add3A_710 = arith.addi %mul3A_637, %add3A_709 : i32
      %swap3A_711 = arith.constant 1 : i32
      %swap3A_712 = arith.index_cast %swap3A_711 : i32 to index
      %swap3A_713 = arith.index_cast %add3A_710 : i32 to index
      %swap3A_714 = tpu.vector_load %arg7[%swap3A_712, %swap3A_713] {strides = array<i32>} : memref<8x12544xf32, #tpu.memory_space<vmem>>, vector<16xf32>,
      tpu.vector_store %arg7[%swap3A_712, %swap3A_713], %broadcast_in_dim3A_7 {strides = array<i32>} : memref<8x12544xf32, #tpu.memory_space<vmem>>, vector<16xf32>,
      %add3A_715 = arith.constant 80 : i32
      %add3A_716 = arith.addi %mul3A_637, %add3A_715 : i32
      %swap3A_717 = arith.constant 1 : i32
      %swap3A_718 = arith.index_cast %swap3A_717 : i32 to index
      %swap3A_719 = arith.index_cast %add3A_716 : i32 to index
      %swap3A_720 = tpu.vector_load %arg7[%swap3A_718, %swap3A_719] {strides = array<i32>} : memref<8x12544xf32, #tpu.memory_space<vmem>>, vector<16xf32>,
      tpu.vector_store %arg7[%swap3A_718, %swap3A_719], %broadcast_in_dim3A_7 {strides = array<i32>} : memref<8x12544xf32, #tpu.memory_space<vmem>>, vector<16xf32>,
      %add3A_721 = arith.constant 96 : i32
      %add3A_722 = arith.addi %mul3A_637, %add3A_721 : i32
      %swap3A_723 = arith.constant 1 : i32
      %swap3A_724 = arith.index_cast %swap3A_723 : i32 to index
      %swap3A_725 = arith.index_cast %add3A_722 : i32 to index
      %swap3A_726 = tpu.vector_load %arg7[%swap3A_724, %swap3A_725] {strides = array<i32>} : memref<8x12544xf32, #tpu.memory_space<vmem>>, vector<16xf32>,
      tpu.vector_store %arg7[%swap3A_724, %swap3A_725], %broadcast_in_dim3A_7 {strides = array<i32>} : memref<8x12544xf32, #tpu.memory_space<vmem>>, vector<16xf32>,
      %add3A_727 = arith.constant 112 : i32
      %add3A_728 = arith.addi %mul3A_637, %add3A_727 : i32
      %swap3A_729 = arith.constant 1 : i32
      %swap3A_730 = arith.index_cast %swap3A_729 : i32 to index
      %swap3A_731 = arith.index_cast %add3A_728 : i32 to index
      %swap3A_732 = tpu.vector_load %arg7[%swap3A_730, %swap3A_731] {strides = array<i32>} : memref<8x12544xf32, #tpu.memory_space<vmem>>, vector<16xf32>,
      tpu.vector_store %arg7[%swap3A_730, %swap3A_731], %broadcast_in_dim3A_7 {strides = array<i32>} : memref<8x12544xf32, #tpu.memory_space<vmem>>, vector<16xf32>,
      %add3A_733 = arith.constant 0 : i32
      %add3A_734 = arith.addi %mul3A_637, %add3A_733 : i32
      %swap3A_735 = arith.constant 2 : i32
      %swap3A_736 = arith.index_cast %swap3A_735 : i32 to index
      %swap3A_737 = arith.index_cast %add3A_734 : i32 to index
      %swap3A_738 = tpu.vector_load %arg7[%swap3A_736, %swap3A_737] {strides = array<i32>} : memref<8x12544xf32, #tpu.memory_space<vmem>>, vector<16xf32>,
      tpu.vector_store %arg7[%swap3A_736, %swap3A_737], %broadcast_in_dim3A_7 {strides = array<i32>} : memref<8x12544xf32, #tpu.memory_space<vmem>>, vector<16xf32>,
      %add3A_739 = arith.constant 16 : i32
      %add3A_740 = arith.addi %mul3A_637, %add3A_739 : i32
      %swap3A_741 = arith.constant 2 : i32
      %swap3A_742 = arith.index_cast %swap3A_741 : i32 to index
      %swap3A_743 = arith.index_cast %add3A_740 : i32 to index
      %swap3A_744 = tpu.vector_load %arg7[%swap3A_742, %swap3A_743] {strides = array<i32>} : memref<8x12544xf32, #tpu.memory_space<vmem>>, vector<16xf32>,
      tpu.vector_store %arg7[%swap3A_742, %swap3A_743], %broadcast_in_dim3A_7 {strides = array<i32>} : memref<8x12544xf32, #tpu.memory_space<vmem>>, vector<16xf32>,
      %add3A_745 = arith.constant 32 : i32
      %add3A_746 = arith.addi %mul3A_637, %add3A_745 : i32
      %swap3A_747 = arith.constant 2 : i32
      %swap3A_748 = arith.index_cast %swap3A_747 : i32 to index
      %swap3A_749 = arith.index_cast %add3A_746 : i32 to index
      %swap3A_750 = tpu.vector_load %arg7[%swap3A_748, %swap3A_749] {strides = array<i32>} : memref<8x12544xf32, #tpu.memory_space<vmem>>, vector<16xf32>,
      tpu.vector_store %arg7[%swap3A_748, %swap3A_749], %broadcast_in_dim3A_7 {strides = array<i32>} : memref<8x12544xf32, #tpu.memory_space<vmem>>, vector<16xf32>,
      %add3A_751 = arith.constant 48 : i32
      %add3A_752 = arith.addi %mul3A_637, %add3A_751 : i32
      %swap3A_753 = arith.constant 2 : i32
      %swap3A_754 = arith.index_cast %swap3A_753 : i32 to index
      %swap3A_755 = arith.index_cast %add3A_752 : i32 to index
      %swap3A_756 = tpu.vector_load %arg7[%swap3A_754, %swap3A_755] {strides = array<i32>} : memref<8x12544xf32, #tpu.memory_space<vmem>>, vector<16xf32>,
      tpu.vector_store %arg7[%swap3A_754, %swap3A_755], %broadcast_in_dim3A_7 {strides = array<i32>} : memref<8x12544xf32, #tpu.memory_space<vmem>>, vector<16xf32>,
      %add3A_757 = arith.constant 64 : i32
      %add3A_758 = arith.addi %mul3A_637, %add3A_757 : i32
      %swap3A_759 = arith.constant 2 : i32
      %swap3A_760 = arith.index_cast %swap3A_759 : i32 to index
      %swap3A_761 = arith.index_cast %add3A_758 : i32 to index
      %swap3A_762 = tpu.vector_load %arg7[%swap3A_760, %swap3A_761] {strides = array<i32>} : memref<8x12544xf32, #tpu.memory_space<vmem>>, vector<16xf32>,
      tpu.vector_store %arg7[%swap3A_760, %swap3A_761], %broadcast_in_dim3A_7 {strides = array<i32>} : memref<8x12544xf32, #tpu.memory_space<vmem>>, vector<16xf32>,
      %add3A_763 = arith.constant 80 : i32
      %add3A_764 = arith.addi %mul3A_637, %add3A_763 : i32
      %swap3A_765 = arith.constant 2 : i32
      %swap3A_766 = arith.index_cast %swap3A_765 : i32 to index
      %swap3A_767 = arith.index_cast %add3A_764 : i32 to index
      %swap3A_768 = tpu.vector_load %arg7[%swap3A_766, %swap3A_767] {strides = array<i32>} : memref<8x12544xf32, #tpu.memory_space<vmem>>, vector<16xf32>,
      tpu.vector_store %arg7[%swap3A_766, %swap3A_767], %broadcast_in_dim3A_7 {strides = array<i32>} : memref<8x12544xf32, #tpu.memory_space<vmem>>, vector<16xf32>,
      %add3A_769 = arith.constant 96 : i32
      %add3A_770 = arith.addi %mul3A_637, %add3A_769 : i32
      %swap3A_771 = arith.constant 2 : i32
      %swap3A_772 = arith.index_cast %swap3A_771 : i32 to index
      %swap3A_773 = arith.index_cast %add3A_770 : i32 to index
      %swap3A_774 = tpu.vector_load %arg7[%swap3A_772, %swap3A_773] {strides = array<i32>} : memref<8x12544xf32, #tpu.memory_space<vmem>>, vector<16xf32>,
      tpu.vector_store %arg7[%swap3A_772, %swap3A_773], %broadcast_in_dim3A_7 {strides = array<i32>} : memref<8x12544xf32, #tpu.memory_space<vmem>>, vector<16xf32>,
      %add3A_775 = arith.constant 112 : i32
      %add3A_776 = arith.addi %mul3A_637, %add3A_775 : i32
      %swap3A_777 = arith.constant 2 : i32
      %swap3A_778 = arith.index_cast %swap3A_777 : i32 to index
      %swap3A_779 = arith.index_cast %add3A_776 : i32 to index
      %swap3A_780 = tpu.vector_load %arg7[%swap3A_778, %swap3A_779] {strides = array<i32>} : memref<8x12544xf32, #tpu.memory_space<vmem>>, vector<16xf32>,
      tpu.vector_store %arg7[%swap3A_778, %swap3A_779], %broadcast_in_dim3A_7 {strides = array<i32>} : memref<8x12544xf32, #tpu.memory_space<vmem>>, vector<16xf32>,
      %add3A_781 = arith.constant 0 : i32
      %add3A_782 = arith.addi %mul3A_637, %add3A_781 : i32
      %swap3A_783 = arith.constant 3 : i32
      %swap3A_784 = arith.index_cast %swap3A_783 : i32 to index
      %swap3A_785 = arith.index_cast %add3A_782 : i32 to index
      %swap3A_786 = tpu.vector_load %arg7[%swap3A_784, %swap3A_785] {strides = array<i32>} : memref<8x12544xf32, #tpu.memory_space<vmem>>, vector<16xf32>,
      tpu.vector_store %arg7[%swap3A_784, %swap3A_785], %broadcast_in_dim3A_7 {strides = array<i32>} : memref<8x12544xf32, #tpu.memory_space<vmem>>, vector<16xf32>,
      %add3A_787 = arith.constant 16 : i32
      %add3A_788 = arith.addi %mul3A_637, %add3A_787 : i32
      %swap3A_789 = arith.constant 3 : i32
      %swap3A_790 = arith.index_cast %swap3A_789 : i32 to index
      %swap3A_791 = arith.index_cast %add3A_788 : i32 to index
      %swap3A_792 = tpu.vector_load %arg7[%swap3A_790, %swap3A_791] {strides = array<i32>} : memref<8x12544xf32, #tpu.memory_space<vmem>>, vector<16xf32>,
      tpu.vector_store %arg7[%swap3A_790, %swap3A_791], %broadcast_in_dim3A_7 {strides = array<i32>} : memref<8x12544xf32, #tpu.memory_space<vmem>>, vector<16xf32>,
      %add3A_793 = arith.constant 32 : i32
      %add3A_794 = arith.addi %mul3A_637, %add3A_793 : i32
      %swap3A_795 = arith.constant 3 : i32
      %swap3A_796 = arith.index_cast %swap3A_795 : i32 to index
      %swap3A_797 = arith.index_cast %add3A_794 : i32 to index
      %swap3A_798 = tpu.vector_load %arg7[%swap3A_796, %swap3A_797] {strides = array<i32>} : memref<8x12544xf32, #tpu.memory_space<vmem>>, vector<16xf32>,
      tpu.vector_store %arg7[%swap3A_796, %swap3A_797], %broadcast_in_dim3A_7 {strides = array<i32>} : memref<8x12544xf32, #tpu.memory_space<vmem>>, vector<16xf32>,
      %add3A_799 = arith.constant 48 : i32
      %add3A_800 = arith.addi %mul3A_637, %add3A_799 : i32
      %swap3A_801 = arith.constant 3 : i32
      %swap3A_802 = arith.index_cast %swap3A_801 : i32 to index
      %swap3A_803 = arith.index_cast %add3A_800 : i32 to index
      %swap3A_804 = tpu.vector_load %arg7[%swap3A_802, %swap3A_803] {strides = array<i32>} : memref<8x12544xf32, #tpu.memory_space<vmem>>, vector<16xf32>,
      tpu.vector_store %arg7[%swap3A_802, %swap3A_803], %broadcast_in_dim3A_7 {strides = array<i32>} : memref<8x12544xf32, #tpu.memory_space<vmem>>, vector<16xf32>,
      %add3A_805 = arith.constant 64 : i32
      %add3A_806 = arith.addi %mul3A_637, %add3A_805 : i32
      %swap3A_807 = arith.constant 3 : i32
      %swap3A_808 = arith.index_cast %swap3A_807 : i32 to index
      %swap3A_809 = arith.index_cast %add3A_806 : i32 to index
      %swap3A_810 = tpu.vector_load %arg7[%swap3A_808, %swap3A_809] {strides = array<i32>} : memref<8x12544xf32, #tpu.memory_space<vmem>>, vector<16xf32>,
      tpu.vector_store %arg7[%swap3A_808, %swap3A_809], %broadcast_in_dim3A_7 {strides = array<i32>} : memref<8x12544xf32, #tpu.memory_space<vmem>>, vector<16xf32>,
      %add3A_811 = arith.constant 80 : i32
      %add3A_812 = arith.addi %mul3A_637, %add3A_811 : i32
      %swap3A_813 = arith.constant 3 : i32
      %swap3A_814 = arith.index_cast %swap3A_813 : i32 to index
      %swap3A_815 = arith.index_cast %add3A_812 : i32 to index
      %swap3A_816 = tpu.vector_load %arg7[%swap3A_814, %swap3A_815] {strides = array<i32>} : memref<8x12544xf32, #tpu.memory_space<vmem>>, vector<16xf32>,
      tpu.vector_store %arg7[%swap3A_814, %swap3A_815], %broadcast_in_dim3A_7 {strides = array<i32>} : memref<8x12544xf32, #tpu.memory_space<vmem>>, vector<16xf32>,
      %add3A_817 = arith.constant 96 : i32
      %add3A_818 = arith.addi %mul3A_637, %add3A_817 : i32
      %swap3A_819 = arith.constant 3 : i32
      %swap3A_820 = arith.index_cast %swap3A_819 : i32 to index
      %swap3A_821 = arith.index_cast %add3A_818 : i32 to index
      %swap3A_822 = tpu.vector_load %arg7[%swap3A_820, %swap3A_821] {strides = array<i32>} : memref<8x12544xf32, #tpu.memory_space<vmem>>, vector<16xf32>,
      tpu.vector_store %arg7[%swap3A_820, %swap3A_821], %broadcast_in_dim3A_7 {strides = array<i32>} : memref<8x12544xf32, #tpu.memory_space<vmem>>, vector<16xf32>,
      %add3A_823 = arith.constant 112 : i32
      %add3A_824 = arith.addi %mul3A_637, %add3A_823 : i32
      %swap3A_825 = arith.constant 3 : i32
      %swap3A_826 = arith.index_cast %swap3A_825 : i32 to index
      %swap3A_827 = arith.index_cast %add3A_824 : i32 to index
      %swap3A_828 = tpu.vector_load %arg7[%swap3A_826, %swap3A_827] {strides = array<i32>} : memref<8x12544xf32, #tpu.memory_space<vmem>>, vector<16xf32>,
      tpu.vector_store %arg7[%swap3A_826, %swap3A_827], %broadcast_in_dim3A_7 {strides = array<i32>} : memref<8x12544xf32, #tpu.memory_space<vmem>>, vector<16xf32>,
      %add3A_829 = arith.constant 0 : i32
      %add3A_830 = arith.addi %mul3A_637, %add3A_829 : i32
      %swap3A_831 = arith.constant 4 : i32
      %swap3A_832 = arith.index_cast %swap3A_831 : i32 to index
      %swap3A_833 = arith.index_cast %add3A_830 : i32 to index
      %swap3A_834 = tpu.vector_load %arg7[%swap3A_832, %swap3A_833] {strides = array<i32>} : memref<8x12544xf32, #tpu.memory_space<vmem>>, vector<16xf32>,
      tpu.vector_store %arg7[%swap3A_832, %swap3A_833], %broadcast_in_dim3A_7 {strides = array<i32>} : memref<8x12544xf32, #tpu.memory_space<vmem>>, vector<16xf32>,
      %add3A_835 = arith.constant 16 : i32
      %add3A_836 = arith.addi %mul3A_637, %add3A_835 : i32
      %swap3A_837 = arith.constant 4 : i32
      %swap3A_838 = arith.index_cast %swap3A_837 : i32 to index
      %swap3A_839 = arith.index_cast %add3A_836 : i32 to index
      %swap3A_840 = tpu.vector_load %arg7[%swap3A_838, %swap3A_839] {strides = array<i32>} : memref<8x12544xf32, #tpu.memory_space<vmem>>, vector<16xf32>,
      tpu.vector_store %arg7[%swap3A_838, %swap3A_839], %broadcast_in_dim3A_7 {strides = array<i32>} : memref<8x12544xf32, #tpu.memory_space<vmem>>, vector<16xf32>,
      %add3A_841 = arith.constant 32 : i32
      %add3A_842 = arith.addi %mul3A_637, %add3A_841 : i32
      %swap3A_843 = arith.constant 4 : i32
      %swap3A_844 = arith.index_cast %swap3A_843 : i32 to index
      %swap3A_845 = arith.index_cast %add3A_842 : i32 to index
      %swap3A_846 = tpu.vector_load %arg7[%swap3A_844, %swap3A_845] {strides = array<i32>} : memref<8x12544xf32, #tpu.memory_space<vmem>>, vector<16xf32>,
      tpu.vector_store %arg7[%swap3A_844, %swap3A_845], %broadcast_in_dim3A_7 {strides = array<i32>} : memref<8x12544xf32, #tpu.memory_space<vmem>>, vector<16xf32>,
      %add3A_847 = arith.constant 48 : i32
      %add3A_848 = arith.addi %mul3A_637, %add3A_847 : i32
      %swap3A_849 = arith.constant 4 : i32
      %swap3A_850 = arith.index_cast %swap3A_849 : i32 to index
      %swap3A_851 = arith.index_cast %add3A_848 : i32 to index
      %swap3A_852 = tpu.vector_load %arg7[%swap3A_850, %swap3A_851] {strides = array<i32>} : memref<8x12544xf32, #tpu.memory_space<vmem>>, vector<16xf32>,
      tpu.vector_store %arg7[%swap3A_850, %swap3A_851], %broadcast_in_dim3A_7 {strides = array<i32>} : memref<8x12544xf32, #tpu.memory_space<vmem>>, vector<16xf32>,
      %add3A_853 = arith.constant 64 : i32
      %add3A_854 = arith.addi %mul3A_637, %add3A_853 : i32
      %swap3A_855 = arith.constant 4 : i32
      %swap3A_856 = arith.index_cast %swap3A_855 : i32 to index
      %swap3A_857 = arith.index_cast %add3A_854 : i32 to index
      %swap3A_858 = tpu.vector_load %arg7[%swap3A_856, %swap3A_857] {strides = array<i32>} : memref<8x12544xf32, #tpu.memory_space<vmem>>, vector<16xf32>,
      tpu.vector_store %arg7[%swap3A_856, %swap3A_857], %broadcast_in_dim3A_7 {strides = array<i32>} : memref<8x12544xf32, #tpu.memory_space<vmem>>, vector<16xf32>,
      %add3A_859 = arith.constant 80 : i32
      %add3A_860 = arith.addi %mul3A_637, %add3A_859 : i32
      %swap3A_861 = arith.constant 4 : i32
      %swap3A_862 = arith.index_cast %swap3A_861 : i32 to index
      %swap3A_863 = arith.index_cast %add3A_860 : i32 to index
      %swap3A_864 = tpu.vector_load %arg7[%swap3A_862, %swap3A_863] {strides = array<i32>} : memref<8x12544xf32, #tpu.memory_space<vmem>>, vector<16xf32>,
      tpu.vector_store %arg7[%swap3A_862, %swap3A_863], %broadcast_in_dim3A_7 {strides = array<i32>} : memref<8x12544xf32, #tpu.memory_space<vmem>>, vector<16xf32>,
      %add3A_865 = arith.constant 96 : i32
      %add3A_866 = arith.addi %mul3A_637, %add3A_865 : i32
      %swap3A_867 = arith.constant 4 : i32
      %swap3A_868 = arith.index_cast %swap3A_867 : i32 to index
      %swap3A_869 = arith.index_cast %add3A_866 : i32 to index
      %swap3A_870 = tpu.vector_load %arg7[%swap3A_868, %swap3A_869] {strides = array<i32>} : memref<8x12544xf32, #tpu.memory_space<vmem>>, vector<16xf32>,
      tpu.vector_store %arg7[%swap3A_868, %swap3A_869], %broadcast_in_dim3A_7 {strides = array<i32>} : memref<8x12544xf32, #tpu.memory_space<vmem>>, vector<16xf32>,
      %add3A_871 = arith.constant 112 : i32
      %add3A_872 = arith.addi %mul3A_637, %add3A_871 : i32
      %swap3A_873 = arith.constant 4 : i32
      %swap3A_874 = arith.index_cast %swap3A_873 : i32 to index
      %swap3A_875 = arith.index_cast %add3A_872 : i32 to index
      %swap3A_876 = tpu.vector_load %arg7[%swap3A_874, %swap3A_875] {strides = array<i32>} : memref<8x12544xf32, #tpu.memory_space<vmem>>, vector<16xf32>,
      tpu.vector_store %arg7[%swap3A_874, %swap3A_875], %broadcast_in_dim3A_7 {strides = array<i32>} : memref<8x12544xf32, #tpu.memory_space<vmem>>, vector<16xf32>,
      %add3A_877 = arith.constant 0 : i32
      %add3A_878 = arith.addi %mul3A_637, %add3A_877 : i32
      %swap3A_879 = arith.constant 5 : i32
      %swap3A_880 = arith.index_cast %swap3A_879 : i32 to index
      %swap3A_881 = arith.index_cast %add3A_878 : i32 to index
      %swap3A_882 = tpu.vector_load %arg7[%swap3A_880, %swap3A_881] {strides = array<i32>} : memref<8x12544xf32, #tpu.memory_space<vmem>>, vector<16xf32>,
      tpu.vector_store %arg7[%swap3A_880, %swap3A_881], %broadcast_in_dim3A_7 {strides = array<i32>} : memref<8x12544xf32, #tpu.memory_space<vmem>>, vector<16xf32>,
      %add3A_883 = arith.constant 16 : i32
      %add3A_884 = arith.addi %mul3A_637, %add3A_883 : i32
      %swap3A_885 = arith.constant 5 : i32
      %swap3A_886 = arith.index_cast %swap3A_885 : i32 to index
      %swap3A_887 = arith.index_cast %add3A_884 : i32 to index
      %swap3A_888 = tpu.vector_load %arg7[%swap3A_886, %swap3A_887] {strides = array<i32>} : memref<8x12544xf32, #tpu.memory_space<vmem>>, vector<16xf32>,
      tpu.vector_store %arg7[%swap3A_886, %swap3A_887], %broadcast_in_dim3A_7 {strides = array<i32>} : memref<8x12544xf32, #tpu.memory_space<vmem>>, vector<16xf32>,
      %add3A_889 = arith.constant 32 : i32
      %add3A_890 = arith.addi %mul3A_637, %add3A_889 : i32
      %swap3A_891 = arith.constant 5 : i32
      %swap3A_892 = arith.index_cast %swap3A_891 : i32 to index
      %swap3A_893 = arith.index_cast %add3A_890 : i32 to index
      %swap3A_894 = tpu.vector_load %arg7[%swap3A_892, %swap3A_893] {strides = array<i32>} : memref<8x12544xf32, #tpu.memory_space<vmem>>, vector<16xf32>,
      tpu.vector_store %arg7[%swap3A_892, %swap3A_893], %broadcast_in_dim3A_7 {strides = array<i32>} : memref<8x12544xf32, #tpu.memory_space<vmem>>, vector<16xf32>,
      %add3A_895 = arith.constant 48 : i32
      %add3A_896 = arith.addi %mul3A_637, %add3A_895 : i32
      %swap3A_897 = arith.constant 5 : i32
      %swap3A_898 = arith.index_cast %swap3A_897 : i32 to index
      %swap3A_899 = arith.index_cast %add3A_896 : i32 to index
      %swap3A_900 = tpu.vector_load %arg7[%swap3A_898, %swap3A_899] {strides = array<i32>} : memref<8x12544xf32, #tpu.memory_space<vmem>>, vector<16xf32>,
      tpu.vector_store %arg7[%swap3A_898, %swap3A_899], %broadcast_in_dim3A_7 {strides = array<i32>} : memref<8x12544xf32, #tpu.memory_space<vmem>>, vector<16xf32>,
      %add3A_901 = arith.constant 64 : i32
      %add3A_902 = arith.addi %mul3A_637, %add3A_901 : i32
      %swap3A_903 = arith.constant 5 : i32
      %swap3A_904 = arith.index_cast %swap3A_903 : i32 to index
      %swap3A_905 = arith.index_cast %add3A_902 : i32 to index
      %swap3A_906 = tpu.vector_load %arg7[%swap3A_904, %swap3A_905] {strides = array<i32>} : memref<8x12544xf32, #tpu.memory_space<vmem>>, vector<16xf32>,
      tpu.vector_store %arg7[%swap3A_904, %swap3A_905], %broadcast_in_dim3A_7 {strides = array<i32>} : memref<8x12544xf32, #tpu.memory_space<vmem>>, vector<16xf32>,
      %add3A_907 = arith.constant 80 : i32
      %add3A_908 = arith.addi %mul3A_637, %add3A_907 : i32
      %swap3A_909 = arith.constant 5 : i32
      %swap3A_910 = arith.index_cast %swap3A_909 : i32 to index
      %swap3A_911 = arith.index_cast %add3A_908 : i32 to index
      %swap3A_912 = tpu.vector_load %arg7[%swap3A_910, %swap3A_911] {strides = array<i32>} : memref<8x12544xf32, #tpu.memory_space<vmem>>, vector<16xf32>,
      tpu.vector_store %arg7[%swap3A_910, %swap3A_911], %broadcast_in_dim3A_7 {strides = array<i32>} : memref<8x12544xf32, #tpu.memory_space<vmem>>, vector<16xf32>,
      %add3A_913 = arith.constant 96 : i32
      %add3A_914 = arith.addi %mul3A_637, %add3A_913 : i32
      %swap3A_915 = arith.constant 5 : i32
      %swap3A_916 = arith.index_cast %swap3A_915 : i32 to index
      %swap3A_917 = arith.index_cast %add3A_914 : i32 to index
      %swap3A_918 = tpu.vector_load %arg7[%swap3A_916, %swap3A_917] {strides = array<i32>} : memref<8x12544xf32, #tpu.memory_space<vmem>>, vector<16xf32>,
      tpu.vector_store %arg7[%swap3A_916, %swap3A_917], %broadcast_in_dim3A_7 {strides = array<i32>} : memref<8x12544xf32, #tpu.memory_space<vmem>>, vector<16xf32>,
      %add3A_919 = arith.constant 112 : i32
      %add3A_920 = arith.addi %mul3A_637, %add3A_919 : i32
      %swap3A_921 = arith.constant 5 : i32
      %swap3A_922 = arith.index_cast %swap3A_921 : i32 to index
      %swap3A_923 = arith.index_cast %add3A_920 : i32 to index
      %swap3A_924 = tpu.vector_load %arg7[%swap3A_922, %swap3A_923] {strides = array<i32>} : memref<8x12544xf32, #tpu.memory_space<vmem>>, vector<16xf32>,
      tpu.vector_store %arg7[%swap3A_922, %swap3A_923], %broadcast_in_dim3A_7 {strides = array<i32>} : memref<8x12544xf32, #tpu.memory_space<vmem>>, vector<16xf32>,
      %add3A_925 = arith.constant 0 : i32
      %add3A_926 = arith.addi %mul3A_637, %add3A_925 : i32
      %swap3A_927 = arith.constant 6 : i32
      %swap3A_928 = arith.index_cast %swap3A_927 : i32 to index
      %swap3A_929 = arith.index_cast %add3A_926 : i32 to index
      %swap3A_930 = tpu.vector_load %arg7[%swap3A_928, %swap3A_929] {strides = array<i32>} : memref<8x12544xf32, #tpu.memory_space<vmem>>, vector<16xf32>,
      tpu.vector_store %arg7[%swap3A_928, %swap3A_929], %broadcast_in_dim3A_7 {strides = array<i32>} : memref<8x12544xf32, #tpu.memory_space<vmem>>, vector<16xf32>,
      %add3A_931 = arith.constant 16 : i32
      %add3A_932 = arith.addi %mul3A_637, %add3A_931 : i32
      %swap3A_933 = arith.constant 6 : i32
      %swap3A_934 = arith.index_cast %swap3A_933 : i32 to index
      %swap3A_935 = arith.index_cast %add3A_932 : i32 to index
      %swap3A_936 = tpu.vector_load %arg7[%swap3A_934, %swap3A_935] {strides = array<i32>} : memref<8x12544xf32, #tpu.memory_space<vmem>>, vector<16xf32>,
      tpu.vector_store %arg7[%swap3A_934, %swap3A_935], %broadcast_in_dim3A_7 {strides = array<i32>} : memref<8x12544xf32, #tpu.memory_space<vmem>>, vector<16xf32>,
      %add3A_937 = arith.constant 32 : i32
      %add3A_938 = arith.addi %mul3A_637, %add3A_937 : i32
      %swap3A_939 = arith.constant 6 : i32
      %swap3A_940 = arith.index_cast %swap3A_939 : i32 to index
      %swap3A_941 = arith.index_cast %add3A_938 : i32 to index
      %swap3A_942 = tpu.vector_load %arg7[%swap3A_940, %swap3A_941] {strides = array<i32>} : memref<8x12544xf32, #tpu.memory_space<vmem>>, vector<16xf32>,
      tpu.vector_store %arg7[%swap3A_940, %swap3A_941], %broadcast_in_dim3A_7 {strides = array<i32>} : memref<8x12544xf32, #tpu.memory_space<vmem>>, vector<16xf32>,
      %add3A_943 = arith.constant 48 : i32
      %add3A_944 = arith.addi %mul3A_637, %add3A_943 : i32
      %swap3A_945 = arith.constant 6 : i32
      %swap3A_946 = arith.index_cast %swap3A_945 : i32 to index
      %swap3A_947 = arith.index_cast %add3A_944 : i32 to index
      %swap3A_948 = tpu.vector_load %arg7[%swap3A_946, %swap3A_947] {strides = array<i32>} : memref<8x12544xf32, #tpu.memory_space<vmem>>, vector<16xf32>,
      tpu.vector_store %arg7[%swap3A_946, %swap3A_947], %broadcast_in_dim3A_7 {strides = array<i32>} : memref<8x12544xf32, #tpu.memory_space<vmem>>, vector<16xf32>,
      %add3A_949 = arith.constant 64 : i32
      %add3A_950 = arith.addi %mul3A_637, %add3A_949 : i32
      %swap3A_951 = arith.constant 6 : i32
      %swap3A_952 = arith.index_cast %swap3A_951 : i32 to index
      %swap3A_953 = arith.index_cast %add3A_950 : i32 to index
      %swap3A_954 = tpu.vector_load %arg7[%swap3A_952, %swap3A_953] {strides = array<i32>} : memref<8x12544xf32, #tpu.memory_space<vmem>>, vector<16xf32>,
      tpu.vector_store %arg7[%swap3A_952, %swap3A_953], %broadcast_in_dim3A_7 {strides = array<i32>} : memref<8x12544xf32, #tpu.memory_space<vmem>>, vector<16xf32>,
      %add3A_955 = arith.constant 80 : i32
      %add3A_956 = arith.addi %mul3A_637, %add3A_955 : i32
      %swap3A_957 = arith.constant 6 : i32
      %swap3A_958 = arith.index_cast %swap3A_957 : i32 to index
      %swap3A_959 = arith.index_cast %add3A_956 : i32 to index
      %swap3A_960 = tpu.vector_load %arg7[%swap3A_958, %swap3A_959] {strides = array<i32>} : memref<8x12544xf32, #tpu.memory_space<vmem>>, vector<16xf32>,
      tpu.vector_store %arg7[%swap3A_958, %swap3A_959], %broadcast_in_dim3A_7 {strides = array<i32>} : memref<8x12544xf32, #tpu.memory_space<vmem>>, vector<16xf32>,
      %add3A_961 = arith.constant 96 : i32
      %add3A_962 = arith.addi %mul3A_637, %add3A_961 : i32
      %swap3A_963 = arith.constant 6 : i32
      %swap3A_964 = arith.index_cast %swap3A_963 : i32 to index
      %swap3A_965 = arith.index_cast %add3A_962 : i32 to index
      %swap3A_966 = tpu.vector_load %arg7[%swap3A_964, %swap3A_965] {strides = array<i32>} : memref<8x12544xf32, #tpu.memory_space<vmem>>, vector<16xf32>,
      tpu.vector_store %arg7[%swap3A_964, %swap3A_965], %broadcast_in_dim3A_7 {strides = array<i32>} : memref<8x12544xf32, #tpu.memory_space<vmem>>, vector<16xf32>,
      %add3A_967 = arith.constant 112 : i32
      %add3A_968 = arith.addi %mul3A_637, %add3A_967 : i32
      %swap3A_969 = arith.constant 6 : i32
      %swap3A_970 = arith.index_cast %swap3A_969 : i32 to index
      %swap3A_971 = arith.index_cast %add3A_968 : i32 to index
      %swap3A_972 = tpu.vector_load %arg7[%swap3A_970, %swap3A_971] {strides = array<i32>} : memref<8x12544xf32, #tpu.memory_space<vmem>>, vector<16xf32>,
      tpu.vector_store %arg7[%swap3A_970, %swap3A_971], %broadcast_in_dim3A_7 {strides = array<i32>} : memref<8x12544xf32, #tpu.memory_space<vmem>>, vector<16xf32>,
      %add3A_973 = arith.constant 0 : i32
      %add3A_974 = arith.addi %mul3A_637, %add3A_973 : i32
      %swap3A_975 = arith.constant 7 : i32
      %swap3A_976 = arith.index_cast %swap3A_975 : i32 to index
      %swap3A_977 = arith.index_cast %add3A_974 : i32 to index
      %swap3A_978 = tpu.vector_load %arg7[%swap3A_976, %swap3A_977] {strides = array<i32>} : memref<8x12544xf32, #tpu.memory_space<vmem>>, vector<16xf32>,
      tpu.vector_store %arg7[%swap3A_976, %swap3A_977], %broadcast_in_dim3A_7 {strides = array<i32>} : memref<8x12544xf32, #tpu.memory_space<vmem>>, vector<16xf32>,
      %add3A_979 = arith.constant 16 : i32
      %add3A_980 = arith.addi %mul3A_637, %add3A_979 : i32
      %swap3A_981 = arith.constant 7 : i32
      %swap3A_982 = arith.index_cast %swap3A_981 : i32 to index
      %swap3A_983 = arith.index_cast %add3A_980 : i32 to index
      %swap3A_984 = tpu.vector_load %arg7[%swap3A_982, %swap3A_983] {strides = array<i32>} : memref<8x12544xf32, #tpu.memory_space<vmem>>, vector<16xf32>,
      tpu.vector_store %arg7[%swap3A_982, %swap3A_983], %broadcast_in_dim3A_7 {strides = array<i32>} : memref<8x12544xf32, #tpu.memory_space<vmem>>, vector<16xf32>,
      %add3A_985 = arith.constant 32 : i32
      %add3A_986 = arith.addi %mul3A_637, %add3A_985 : i32
      %swap3A_987 = arith.constant 7 : i32
      %swap3A_988 = arith.index_cast %swap3A_987 : i32 to index
      %swap3A_989 = arith.index_cast %add3A_986 : i32 to index
      %swap3A_990 = tpu.vector_load %arg7[%swap3A_988, %swap3A_989] {strides = array<i32>} : memref<8x12544xf32, #tpu.memory_space<vmem>>, vector<16xf32>,
      tpu.vector_store %arg7[%swap3A_988, %swap3A_989], %broadcast_in_dim3A_7 {strides = array<i32>} : memref<8x12544xf32, #tpu.memory_space<vmem>>, vector<16xf32>,
      %add3A_991 = arith.constant 48 : i32
      %add3A_992 = arith.addi %mul3A_637, %add3A_991 : i32
      %swap3A_993 = arith.constant 7 : i32
      %swap3A_994 = arith.index_cast %swap3A_993 : i32 to index
      %swap3A_995 = arith.index_cast %add3A_992 : i32 to index
      %swap3A_996 = tpu.vector_load %arg7[%swap3A_994, %swap3A_995] {strides = array<i32>} : memref<8x12544xf32, #tpu.memory_space<vmem>>, vector<16xf32>,
      tpu.vector_store %arg7[%swap3A_994, %swap3A_995], %broadcast_in_dim3A_7 {strides = array<i32>} : memref<8x12544xf32, #tpu.memory_space<vmem>>, vector<16xf32>,
      %add3A_997 = arith.constant 64 : i32
      %add3A_998 = arith.addi %mul3A_637, %add3A_997 : i32
      %swap3A_999 = arith.constant 7 : i32
      %swap3A_1000 = arith.index_cast %swap3A_999 : i32 to index
      %swap3A_1001 = arith.index_cast %add3A_998 : i32 to index
      %swap3A_1002 = tpu.vector_load %arg7[%swap3A_1000, %swap3A_1001] {strides = array<i32>} : memref<8x12544xf32, #tpu.memory_space<vmem>>, vector<16xf32>,
      tpu.vector_store %arg7[%swap3A_1000, %swap3A_1001], %broadcast_in_dim3A_7 {strides = array<i32>} : memref<8x12544xf32, #tpu.memory_space<vmem>>, vector<16xf32>,
      %add3A_1003 = arith.constant 80 : i32
      %add3A_1004 = arith.addi %mul3A_637, %add3A_1003 : i32
      %swap3A_1005 = arith.constant 7 : i32
      %swap3A_1006 = arith.index_cast %swap3A_1005 : i32 to index
      %swap3A_1007 = arith.index_cast %add3A_1004 : i32 to index
      %swap3A_1008 = tpu.vector_load %arg7[%swap3A_1006, %swap3A_1007] {strides = array<i32>} : memref<8x12544xf32, #tpu.memory_space<vmem>>, vector<16xf32>,
      tpu.vector_store %arg7[%swap3A_1006, %swap3A_1007], %broadcast_in_dim3A_7 {strides = array<i32>} : memref<8x12544xf32, #tpu.memory_space<vmem>>, vector<16xf32>,
      %add3A_1009 = arith.constant 96 : i32
      %add3A_1010 = arith.addi %mul3A_637, %add3A_1009 : i32
      %swap3A_1011 = arith.constant 7 : i32
      %swap3A_1012 = arith.index_cast %swap3A_1011 : i32 to index
      %swap3A_1013 = arith.index_cast %add3A_1010 : i32 to index
      %swap3A_1014 = tpu.vector_load %arg7[%swap3A_1012, %swap3A_1013] {strides = array<i32>} : memref<8x12544xf32, #tpu.memory_space<vmem>>, vector<16xf32>,
      tpu.vector_store %arg7[%swap3A_1012, %swap3A_1013], %broadcast_in_dim3A_7 {strides = array<i32>} : memref<8x12544xf32, #tpu.memory_space<vmem>>, vector<16xf32>,
      %add3A_1015 = arith.constant 112 : i32
      %add3A_1016 = arith.addi %mul3A_637, %add3A_1015 : i32
      %swap3A_1017 = arith.constant 7 : i32
      %swap3A_1018 = arith.index_cast %swap3A_1017 : i32 to index
      %swap3A_1019 = arith.index_cast %add3A_1016 : i32 to index
      %swap3A_1020 = tpu.vector_load %arg7[%swap3A_1018, %swap3A_1019] {strides = array<i32>} : memref<8x12544xf32, #tpu.memory_space<vmem>>, vector<16xf32>,
      tpu.vector_store %arg7[%swap3A_1018, %swap3A_1019], %broadcast_in_dim3A_7 {strides = array<i32>} : memref<8x12544xf32, #tpu.memory_space<vmem>>, vector<16xf32>,
    }
    %scan3A_117 = arith.constant 98 : i32
    %broadcast_in_dim3A_118 = arith.constant 0 : i32
    %broadcast_in_dim3A_119 = vector.broadcast %broadcast_in_dim3A_118 : i32 to vector<16xi32>
    %add3A_120 = arith.constant 0 : i32
    %add3A_121 = vector.broadcast %add3A_120 : i32 to vector<16xi32>
    %add3A_122 = arith.addi %iota3A, %add3A_121 : vector<16xi32>
    %min3A = arith.constant 62 : i32
    %min3A_123 = vector.broadcast %min3A : i32 to vector<16xi32>
    %min3A_124 = arith.minsi %add3A_122, %min3A_123 : vector<16xi32>
    %lt3A = arith.constant 63 : i32
    %lt3A_125 = vector.broadcast %lt3A : i32 to vector<16xi32>
    %lt3A_126 = arith.cmpi slt, %add3A_122, %lt3A_125 : vector<16xi32>
    tpu.vector_store_idx %arg8[%broadcast_in_dim3A_119, %min3A_124], %broadcast_in_dim3A_7 masked %lt3A_126 : memref<8x63xf32, #tpu.memory_space<vmem>>[vector<16xi32>, vector<16xi32>], vector<16xf32>, vector<16xi1>
    %add3A_127 = arith.constant 16 : i32
    %add3A_128 = vector.broadcast %add3A_127 : i32 to vector<16xi32>
    %add3A_129 = arith.addi %iota3A, %add3A_128 : vector<16xi32>
    %min3A_130 = arith.constant 62 : i32
    %min3A_131 = vector.broadcast %min3A_130 : i32 to vector<16xi32>
    %min3A_132 = arith.minsi %add3A_129, %min3A_131 : vector<16xi32>
    %lt3A_133 = arith.constant 63 : i32
    %lt3A_134 = vector.broadcast %lt3A_133 : i32 to vector<16xi32>
    %lt3A_135 = arith.cmpi slt, %add3A_129, %lt3A_134 : vector<16xi32>
    tpu.vector_store_idx %arg8[%broadcast_in_dim3A_119, %min3A_132], %broadcast_in_dim3A_7 masked %lt3A_135 : memref<8x63xf32, #tpu.memory_space<vmem>>[vector<16xi32>, vector<16xi32>], vector<16xf32>, vector<16xi1>
    %add3A_136 = arith.constant 32 : i32
    %add3A_137 = vector.broadcast %add3A_136 : i32 to vector<16xi32>
    %add3A_138 = arith.addi %iota3A, %add3A_137 : vector<16xi32>
    %min3A_139 = arith.constant 62 : i32
    %min3A_140 = vector.broadcast %min3A_139 : i32 to vector<16xi32>
    %min3A_141 = arith.minsi %add3A_138, %min3A_140 : vector<16xi32>
    %lt3A_142 = arith.constant 63 : i32
    %lt3A_143 = vector.broadcast %lt3A_142 : i32 to vector<16xi32>
    %lt3A_144 = arith.cmpi slt, %add3A_138, %lt3A_143 : vector<16xi32>
    tpu.vector_store_idx %arg8[%broadcast_in_dim3A_119, %min3A_141], %broadcast_in_dim3A_7 masked %lt3A_144 : memref<8x63xf32, #tpu.memory_space<vmem>>[vector<16xi32>, vector<16xi32>], vector<16xf32>, vector<16xi1>
    %add3A_145 = arith.constant 48 : i32
    %add3A_146 = vector.broadcast %add3A_145 : i32 to vector<16xi32>
    %add3A_147 = arith.addi %iota3A, %add3A_146 : vector<16xi32>
    %min3A_148 = arith.constant 62 : i32
    %min3A_149 = vector.broadcast %min3A_148 : i32 to vector<16xi32>
    %min3A_150 = arith.minsi %add3A_147, %min3A_149 : vector<16xi32>
    %lt3A_151 = arith.constant 63 : i32
    %lt3A_152 = vector.broadcast %lt3A_151 : i32 to vector<16xi32>
    %lt3A_153 = arith.cmpi slt, %add3A_147, %lt3A_152 : vector<16xi32>
    tpu.vector_store_idx %arg8[%broadcast_in_dim3A_119, %min3A_150], %broadcast_in_dim3A_7 masked %lt3A_153 : memref<8x63xf32, #tpu.memory_space<vmem>>[vector<16xi32>, vector<16xi32>], vector<16xf32>, vector<16xi1>
    %broadcast_in_dim3A_154 = arith.constant 1 : i32
    %broadcast_in_dim3A_155 = vector.broadcast %broadcast_in_dim3A_154 : i32 to vector<16xi32>
    %add3A_156 = arith.constant 0 : i32
    %add3A_157 = vector.broadcast %add3A_156 : i32 to vector<16xi32>
    %add3A_158 = arith.addi %iota3A, %add3A_157 : vector<16xi32>
    %min3A_159 = arith.constant 62 : i32
    %min3A_160 = vector.broadcast %min3A_159 : i32 to vector<16xi32>
    %min3A_161 = arith.minsi %add3A_158, %min3A_160 : vector<16xi32>
    %lt3A_162 = arith.constant 63 : i32
    %lt3A_163 = vector.broadcast %lt3A_162 : i32 to vector<16xi32>
    %lt3A_164 = arith.cmpi slt, %add3A_158, %lt3A_163 : vector<16xi32>
    tpu.vector_store_idx %arg8[%broadcast_in_dim3A_155, %min3A_161], %broadcast_in_dim3A_7 masked %lt3A_164 : memref<8x63xf32, #tpu.memory_space<vmem>>[vector<16xi32>, vector<16xi32>], vector<16xf32>, vector<16xi1>
    %add3A_165 = arith.constant 16 : i32
    %add3A_166 = vector.broadcast %add3A_165 : i32 to vector<16xi32>
    %add3A_167 = arith.addi %iota3A, %add3A_166 : vector<16xi32>
    %min3A_168 = arith.constant 62 : i32
    %min3A_169 = vector.broadcast %min3A_168 : i32 to vector<16xi32>
    %min3A_170 = arith.minsi %add3A_167, %min3A_169 : vector<16xi32>
    %lt3A_171 = arith.constant 63 : i32
    %lt3A_172 = vector.broadcast %lt3A_171 : i32 to vector<16xi32>
    %lt3A_173 = arith.cmpi slt, %add3A_167, %lt3A_172 : vector<16xi32>
    tpu.vector_store_idx %arg8[%broadcast_in_dim3A_155, %min3A_170], %broadcast_in_dim3A_7 masked %lt3A_173 : memref<8x63xf32, #tpu.memory_space<vmem>>[vector<16xi32>, vector<16xi32>], vector<16xf32>, vector<16xi1>
    %add3A_174 = arith.constant 32 : i32
    %add3A_175 = vector.broadcast %add3A_174 : i32 to vector<16xi32>
    %add3A_176 = arith.addi %iota3A, %add3A_175 : vector<16xi32>
    %min3A_177 = arith.constant 62 : i32
    %min3A_178 = vector.broadcast %min3A_177 : i32 to vector<16xi32>
    %min3A_179 = arith.minsi %add3A_176, %min3A_178 : vector<16xi32>
    %lt3A_180 = arith.constant 63 : i32
    %lt3A_181 = vector.broadcast %lt3A_180 : i32 to vector<16xi32>
    %lt3A_182 = arith.cmpi slt, %add3A_176, %lt3A_181 : vector<16xi32>
    tpu.vector_store_idx %arg8[%broadcast_in_dim3A_155, %min3A_179], %broadcast_in_dim3A_7 masked %lt3A_182 : memref<8x63xf32, #tpu.memory_space<vmem>>[vector<16xi32>, vector<16xi32>], vector<16xf32>, vector<16xi1>
    %add3A_183 = arith.constant 48 : i32
    %add3A_184 = vector.broadcast %add3A_183 : i32 to vector<16xi32>
    %add3A_185 = arith.addi %iota3A, %add3A_184 : vector<16xi32>
    %min3A_186 = arith.constant 62 : i32
    %min3A_187 = vector.broadcast %min3A_186 : i32 to vector<16xi32>
    %min3A_188 = arith.minsi %add3A_185, %min3A_187 : vector<16xi32>
    %lt3A_189 = arith.constant 63 : i32
    %lt3A_190 = vector.broadcast %lt3A_189 : i32 to vector<16xi32>
    %lt3A_191 = arith.cmpi slt, %add3A_185, %lt3A_190 : vector<16xi32>
    tpu.vector_store_idx %arg8[%broadcast_in_dim3A_155, %min3A_188], %broadcast_in_dim3A_7 masked %lt3A_191 : memref<8x63xf32, #tpu.memory_space<vmem>>[vector<16xi32>, vector<16xi32>], vector<16xf32>, vector<16xi1>
    %broadcast_in_dim3A_192 = arith.constant 2 : i32
    %broadcast_in_dim3A_193 = vector.broadcast %broadcast_in_dim3A_192 : i32 to vector<16xi32>
    %add3A_194 = arith.constant 0 : i32
    %add3A_195 = vector.broadcast %add3A_194 : i32 to vector<16xi32>
    %add3A_196 = arith.addi %iota3A, %add3A_195 : vector<16xi32>
    %min3A_197 = arith.constant 62 : i32
    %min3A_198 = vector.broadcast %min3A_197 : i32 to vector<16xi32>
    %min3A_199 = arith.minsi %add3A_196, %min3A_198 : vector<16xi32>
    %lt3A_200 = arith.constant 63 : i32
    %lt3A_201 = vector.broadcast %lt3A_200 : i32 to vector<16xi32>
    %lt3A_202 = arith.cmpi slt, %add3A_196, %lt3A_201 : vector<16xi32>
    tpu.vector_store_idx %arg8[%broadcast_in_dim3A_193, %min3A_199], %broadcast_in_dim3A_7 masked %lt3A_202 : memref<8x63xf32, #tpu.memory_space<vmem>>[vector<16xi32>, vector<16xi32>], vector<16xf32>, vector<16xi1>
    %add3A_203 = arith.constant 16 : i32
    %add3A_204 = vector.broadcast %add3A_203 : i32 to vector<16xi32>
    %add3A_205 = arith.addi %iota3A, %add3A_204 : vector<16xi32>
    %min3A_206 = arith.constant 62 : i32
    %min3A_207 = vector.broadcast %min3A_206 : i32 to vector<16xi32>
    %min3A_208 = arith.minsi %add3A_205, %min3A_207 : vector<16xi32>
    %lt3A_209 = arith.constant 63 : i32
    %lt3A_210 = vector.broadcast %lt3A_209 : i32 to vector<16xi32>
    %lt3A_211 = arith.cmpi slt, %add3A_205, %lt3A_210 : vector<16xi32>
    tpu.vector_store_idx %arg8[%broadcast_in_dim3A_193, %min3A_208], %broadcast_in_dim3A_7 masked %lt3A_211 : memref<8x63xf32, #tpu.memory_space<vmem>>[vector<16xi32>, vector<16xi32>], vector<16xf32>, vector<16xi1>
    %add3A_212 = arith.constant 32 : i32
    %add3A_213 = vector.broadcast %add3A_212 : i32 to vector<16xi32>
    %add3A_214 = arith.addi %iota3A, %add3A_213 : vector<16xi32>
    %min3A_215 = arith.constant 62 : i32
    %min3A_216 = vector.broadcast %min3A_215 : i32 to vector<16xi32>
    %min3A_217 = arith.minsi %add3A_214, %min3A_216 : vector<16xi32>
    %lt3A_218 = arith.constant 63 : i32
    %lt3A_219 = vector.broadcast %lt3A_218 : i32 to vector<16xi32>
    %lt3A_220 = arith.cmpi slt, %add3A_214, %lt3A_219 : vector<16xi32>
    tpu.vector_store_idx %arg8[%broadcast_in_dim3A_193, %min3A_217], %broadcast_in_dim3A_7 masked %lt3A_220 : memref<8x63xf32, #tpu.memory_space<vmem>>[vector<16xi32>, vector<16xi32>], vector<16xf32>, vector<16xi1>
    %add3A_221 = arith.constant 48 : i32
    %add3A_222 = vector.broadcast %add3A_221 : i32 to vector<16xi32>
    %add3A_223 = arith.addi %iota3A, %add3A_222 : vector<16xi32>
    %min3A_224 = arith.constant 62 : i32
    %min3A_225 = vector.broadcast %min3A_224 : i32 to vector<16xi32>
    %min3A_226 = arith.minsi %add3A_223, %min3A_225 : vector<16xi32>
    %lt3A_227 = arith.constant 63 : i32
    %lt3A_228 = vector.broadcast %lt3A_227 : i32 to vector<16xi32>
    %lt3A_229 = arith.cmpi slt, %add3A_223, %lt3A_228 : vector<16xi32>
    tpu.vector_store_idx %arg8[%broadcast_in_dim3A_193, %min3A_226], %broadcast_in_dim3A_7 masked %lt3A_229 : memref<8x63xf32, #tpu.memory_space<vmem>>[vector<16xi32>, vector<16xi32>], vector<16xf32>, vector<16xi1>
    %broadcast_in_dim3A_230 = arith.constant 3 : i32
    %broadcast_in_dim3A_231 = vector.broadcast %broadcast_in_dim3A_230 : i32 to vector<16xi32>
    %add3A_232 = arith.constant 0 : i32
    %add3A_233 = vector.broadcast %add3A_232 : i32 to vector<16xi32>
    %add3A_234 = arith.addi %iota3A, %add3A_233 : vector<16xi32>
    %min3A_235 = arith.constant 62 : i32
    %min3A_236 = vector.broadcast %min3A_235 : i32 to vector<16xi32>
    %min3A_237 = arith.minsi %add3A_234, %min3A_236 : vector<16xi32>
    %lt3A_238 = arith.constant 63 : i32
    %lt3A_239 = vector.broadcast %lt3A_238 : i32 to vector<16xi32>
    %lt3A_240 = arith.cmpi slt, %add3A_234, %lt3A_239 : vector<16xi32>
    tpu.vector_store_idx %arg8[%broadcast_in_dim3A_231, %min3A_237], %broadcast_in_dim3A_7 masked %lt3A_240 : memref<8x63xf32, #tpu.memory_space<vmem>>[vector<16xi32>, vector<16xi32>], vector<16xf32>, vector<16xi1>
    %add3A_241 = arith.constant 16 : i32
    %add3A_242 = vector.broadcast %add3A_241 : i32 to vector<16xi32>
    %add3A_243 = arith.addi %iota3A, %add3A_242 : vector<16xi32>
    %min3A_244 = arith.constant 62 : i32
    %min3A_245 = vector.broadcast %min3A_244 : i32 to vector<16xi32>
    %min3A_246 = arith.minsi %add3A_243, %min3A_245 : vector<16xi32>
    %lt3A_247 = arith.constant 63 : i32
    %lt3A_248 = vector.broadcast %lt3A_247 : i32 to vector<16xi32>
    %lt3A_249 = arith.cmpi slt, %add3A_243, %lt3A_248 : vector<16xi32>
    tpu.vector_store_idx %arg8[%broadcast_in_dim3A_231, %min3A_246], %broadcast_in_dim3A_7 masked %lt3A_249 : memref<8x63xf32, #tpu.memory_space<vmem>>[vector<16xi32>, vector<16xi32>], vector<16xf32>, vector<16xi1>
    %add3A_250 = arith.constant 32 : i32
    %add3A_251 = vector.broadcast %add3A_250 : i32 to vector<16xi32>
    %add3A_252 = arith.addi %iota3A, %add3A_251 : vector<16xi32>
    %min3A_253 = arith.constant 62 : i32
    %min3A_254 = vector.broadcast %min3A_253 : i32 to vector<16xi32>
    %min3A_255 = arith.minsi %add3A_252, %min3A_254 : vector<16xi32>
    %lt3A_256 = arith.constant 63 : i32
    %lt3A_257 = vector.broadcast %lt3A_256 : i32 to vector<16xi32>
    %lt3A_258 = arith.cmpi slt, %add3A_252, %lt3A_257 : vector<16xi32>
    tpu.vector_store_idx %arg8[%broadcast_in_dim3A_231, %min3A_255], %broadcast_in_dim3A_7 masked %lt3A_258 : memref<8x63xf32, #tpu.memory_space<vmem>>[vector<16xi32>, vector<16xi32>], vector<16xf32>, vector<16xi1>
    %add3A_259 = arith.constant 48 : i32
    %add3A_260 = vector.broadcast %add3A_259 : i32 to vector<16xi32>
    %add3A_261 = arith.addi %iota3A, %add3A_260 : vector<16xi32>
    %min3A_262 = arith.constant 62 : i32
    %min3A_263 = vector.broadcast %min3A_262 : i32 to vector<16xi32>
    %min3A_264 = arith.minsi %add3A_261, %min3A_263 : vector<16xi32>
    %lt3A_265 = arith.constant 63 : i32
    %lt3A_266 = vector.broadcast %lt3A_265 : i32 to vector<16xi32>
    %lt3A_267 = arith.cmpi slt, %add3A_261, %lt3A_266 : vector<16xi32>
    tpu.vector_store_idx %arg8[%broadcast_in_dim3A_231, %min3A_264], %broadcast_in_dim3A_7 masked %lt3A_267 : memref<8x63xf32, #tpu.memory_space<vmem>>[vector<16xi32>, vector<16xi32>], vector<16xf32>, vector<16xi1>
    %broadcast_in_dim3A_268 = arith.constant 4 : i32
    %broadcast_in_dim3A_269 = vector.broadcast %broadcast_in_dim3A_268 : i32 to vector<16xi32>
    %add3A_270 = arith.constant 0 : i32
    %add3A_271 = vector.broadcast %add3A_270 : i32 to vector<16xi32>
    %add3A_272 = arith.addi %iota3A, %add3A_271 : vector<16xi32>
    %min3A_273 = arith.constant 62 : i32
    %min3A_274 = vector.broadcast %min3A_273 : i32 to vector<16xi32>
    %min3A_275 = arith.minsi %add3A_272, %min3A_274 : vector<16xi32>
    %lt3A_276 = arith.constant 63 : i32
    %lt3A_277 = vector.broadcast %lt3A_276 : i32 to vector<16xi32>
    %lt3A_278 = arith.cmpi slt, %add3A_272, %lt3A_277 : vector<16xi32>
    tpu.vector_store_idx %arg8[%broadcast_in_dim3A_269, %min3A_275], %broadcast_in_dim3A_7 masked %lt3A_278 : memref<8x63xf32, #tpu.memory_space<vmem>>[vector<16xi32>, vector<16xi32>], vector<16xf32>, vector<16xi1>
    %add3A_279 = arith.constant 16 : i32
    %add3A_280 = vector.broadcast %add3A_279 : i32 to vector<16xi32>
    %add3A_281 = arith.addi %iota3A, %add3A_280 : vector<16xi32>
    %min3A_282 = arith.constant 62 : i32
    %min3A_283 = vector.broadcast %min3A_282 : i32 to vector<16xi32>
    %min3A_284 = arith.minsi %add3A_281, %min3A_283 : vector<16xi32>
    %lt3A_285 = arith.constant 63 : i32
    %lt3A_286 = vector.broadcast %lt3A_285 : i32 to vector<16xi32>
    %lt3A_287 = arith.cmpi slt, %add3A_281, %lt3A_286 : vector<16xi32>
    tpu.vector_store_idx %arg8[%broadcast_in_dim3A_269, %min3A_284], %broadcast_in_dim3A_7 masked %lt3A_287 : memref<8x63xf32, #tpu.memory_space<vmem>>[vector<16xi32>, vector<16xi32>], vector<16xf32>, vector<16xi1>
    %add3A_288 = arith.constant 32 : i32
    %add3A_289 = vector.broadcast %add3A_288 : i32 to vector<16xi32>
    %add3A_290 = arith.addi %iota3A, %add3A_289 : vector<16xi32>
    %min3A_291 = arith.constant 62 : i32
    %min3A_292 = vector.broadcast %min3A_291 : i32 to vector<16xi32>
    %min3A_293 = arith.minsi %add3A_290, %min3A_292 : vector<16xi32>
    %lt3A_294 = arith.constant 63 : i32
    %lt3A_295 = vector.broadcast %lt3A_294 : i32 to vector<16xi32>
    %lt3A_296 = arith.cmpi slt, %add3A_290, %lt3A_295 : vector<16xi32>
    tpu.vector_store_idx %arg8[%broadcast_in_dim3A_269, %min3A_293], %broadcast_in_dim3A_7 masked %lt3A_296 : memref<8x63xf32, #tpu.memory_space<vmem>>[vector<16xi32>, vector<16xi32>], vector<16xf32>, vector<16xi1>
    %add3A_297 = arith.constant 48 : i32
    %add3A_298 = vector.broadcast %add3A_297 : i32 to vector<16xi32>
    %add3A_299 = arith.addi %iota3A, %add3A_298 : vector<16xi32>
    %min3A_300 = arith.constant 62 : i32
    %min3A_301 = vector.broadcast %min3A_300 : i32 to vector<16xi32>
    %min3A_302 = arith.minsi %add3A_299, %min3A_301 : vector<16xi32>
    %lt3A_303 = arith.constant 63 : i32
    %lt3A_304 = vector.broadcast %lt3A_303 : i32 to vector<16xi32>
    %lt3A_305 = arith.cmpi slt, %add3A_299, %lt3A_304 : vector<16xi32>
    tpu.vector_store_idx %arg8[%broadcast_in_dim3A_269, %min3A_302], %broadcast_in_dim3A_7 masked %lt3A_305 : memref<8x63xf32, #tpu.memory_space<vmem>>[vector<16xi32>, vector<16xi32>], vector<16xf32>, vector<16xi1>
    %broadcast_in_dim3A_306 = arith.constant 5 : i32
    %broadcast_in_dim3A_307 = vector.broadcast %broadcast_in_dim3A_306 : i32 to vector<16xi32>
    %add3A_308 = arith.constant 0 : i32
    %add3A_309 = vector.broadcast %add3A_308 : i32 to vector<16xi32>
    %add3A_310 = arith.addi %iota3A, %add3A_309 : vector<16xi32>
    %min3A_311 = arith.constant 62 : i32
    %min3A_312 = vector.broadcast %min3A_311 : i32 to vector<16xi32>
    %min3A_313 = arith.minsi %add3A_310, %min3A_312 : vector<16xi32>
    %lt3A_314 = arith.constant 63 : i32
    %lt3A_315 = vector.broadcast %lt3A_314 : i32 to vector<16xi32>
    %lt3A_316 = arith.cmpi slt, %add3A_310, %lt3A_315 : vector<16xi32>
    tpu.vector_store_idx %arg8[%broadcast_in_dim3A_307, %min3A_313], %broadcast_in_dim3A_7 masked %lt3A_316 : memref<8x63xf32, #tpu.memory_space<vmem>>[vector<16xi32>, vector<16xi32>], vector<16xf32>, vector<16xi1>
    %add3A_317 = arith.constant 16 : i32
    %add3A_318 = vector.broadcast %add3A_317 : i32 to vector<16xi32>
    %add3A_319 = arith.addi %iota3A, %add3A_318 : vector<16xi32>
    %min3A_320 = arith.constant 62 : i32
    %min3A_321 = vector.broadcast %min3A_320 : i32 to vector<16xi32>
    %min3A_322 = arith.minsi %add3A_319, %min3A_321 : vector<16xi32>
    %lt3A_323 = arith.constant 63 : i32
    %lt3A_324 = vector.broadcast %lt3A_323 : i32 to vector<16xi32>
    %lt3A_325 = arith.cmpi slt, %add3A_319, %lt3A_324 : vector<16xi32>
    tpu.vector_store_idx %arg8[%broadcast_in_dim3A_307, %min3A_322], %broadcast_in_dim3A_7 masked %lt3A_325 : memref<8x63xf32, #tpu.memory_space<vmem>>[vector<16xi32>, vector<16xi32>], vector<16xf32>, vector<16xi1>
    %add3A_326 = arith.constant 32 : i32
    %add3A_327 = vector.broadcast %add3A_326 : i32 to vector<16xi32>
    %add3A_328 = arith.addi %iota3A, %add3A_327 : vector<16xi32>
    %min3A_329 = arith.constant 62 : i32
    %min3A_330 = vector.broadcast %min3A_329 : i32 to vector<16xi32>
    %min3A_331 = arith.minsi %add3A_328, %min3A_330 : vector<16xi32>
    %lt3A_332 = arith.constant 63 : i32
    %lt3A_333 = vector.broadcast %lt3A_332 : i32 to vector<16xi32>
    %lt3A_334 = arith.cmpi slt, %add3A_328, %lt3A_333 : vector<16xi32>
    tpu.vector_store_idx %arg8[%broadcast_in_dim3A_307, %min3A_331], %broadcast_in_dim3A_7 masked %lt3A_334 : memref<8x63xf32, #tpu.memory_space<vmem>>[vector<16xi32>, vector<16xi32>], vector<16xf32>, vector<16xi1>
    %add3A_335 = arith.constant 48 : i32
    %add3A_336 = vector.broadcast %add3A_335 : i32 to vector<16xi32>
    %add3A_337 = arith.addi %iota3A, %add3A_336 : vector<16xi32>
    %min3A_338 = arith.constant 62 : i32
    %min3A_339 = vector.broadcast %min3A_338 : i32 to vector<16xi32>
    %min3A_340 = arith.minsi %add3A_337, %min3A_339 : vector<16xi32>
    %lt3A_341 = arith.constant 63 : i32
    %lt3A_342 = vector.broadcast %lt3A_341 : i32 to vector<16xi32>
    %lt3A_343 = arith.cmpi slt, %add3A_337, %lt3A_342 : vector<16xi32>
    tpu.vector_store_idx %arg8[%broadcast_in_dim3A_307, %min3A_340], %broadcast_in_dim3A_7 masked %lt3A_343 : memref<8x63xf32, #tpu.memory_space<vmem>>[vector<16xi32>, vector<16xi32>], vector<16xf32>, vector<16xi1>
    %broadcast_in_dim3A_344 = arith.constant 6 : i32
    %broadcast_in_dim3A_345 = vector.broadcast %broadcast_in_dim3A_344 : i32 to vector<16xi32>
    %add3A_346 = arith.constant 0 : i32
    %add3A_347 = vector.broadcast %add3A_346 : i32 to vector<16xi32>
    %add3A_348 = arith.addi %iota3A, %add3A_347 : vector<16xi32>
    %min3A_349 = arith.constant 62 : i32
    %min3A_350 = vector.broadcast %min3A_349 : i32 to vector<16xi32>
    %min3A_351 = arith.minsi %add3A_348, %min3A_350 : vector<16xi32>
    %lt3A_352 = arith.constant 63 : i32
    %lt3A_353 = vector.broadcast %lt3A_352 : i32 to vector<16xi32>
    %lt3A_354 = arith.cmpi slt, %add3A_348, %lt3A_353 : vector<16xi32>
    tpu.vector_store_idx %arg8[%broadcast_in_dim3A_345, %min3A_351], %broadcast_in_dim3A_7 masked %lt3A_354 : memref<8x63xf32, #tpu.memory_space<vmem>>[vector<16xi32>, vector<16xi32>], vector<16xf32>, vector<16xi1>
    %add3A_355 = arith.constant 16 : i32
    %add3A_356 = vector.broadcast %add3A_355 : i32 to vector<16xi32>
    %add3A_357 = arith.addi %iota3A, %add3A_356 : vector<16xi32>
    %min3A_358 = arith.constant 62 : i32
    %min3A_359 = vector.broadcast %min3A_358 : i32 to vector<16xi32>
    %min3A_360 = arith.minsi %add3A_357, %min3A_359 : vector<16xi32>
    %lt3A_361 = arith.constant 63 : i32
    %lt3A_362 = vector.broadcast %lt3A_361 : i32 to vector<16xi32>
    %lt3A_363 = arith.cmpi slt, %add3A_357, %lt3A_362 : vector<16xi32>
    tpu.vector_store_idx %arg8[%broadcast_in_dim3A_345, %min3A_360], %broadcast_in_dim3A_7 masked %lt3A_363 : memref<8x63xf32, #tpu.memory_space<vmem>>[vector<16xi32>, vector<16xi32>], vector<16xf32>, vector<16xi1>
    %add3A_364 = arith.constant 32 : i32
    %add3A_365 = vector.broadcast %add3A_364 : i32 to vector<16xi32>
    %add3A_366 = arith.addi %iota3A, %add3A_365 : vector<16xi32>
    %min3A_367 = arith.constant 62 : i32
    %min3A_368 = vector.broadcast %min3A_367 : i32 to vector<16xi32>
    %min3A_369 = arith.minsi %add3A_366, %min3A_368 : vector<16xi32>
    %lt3A_370 = arith.constant 63 : i32
    %lt3A_371 = vector.broadcast %lt3A_370 : i32 to vector<16xi32>
    %lt3A_372 = arith.cmpi slt, %add3A_366, %lt3A_371 : vector<16xi32>
    tpu.vector_store_idx %arg8[%broadcast_in_dim3A_345, %min3A_369], %broadcast_in_dim3A_7 masked %lt3A_372 : memref<8x63xf32, #tpu.memory_space<vmem>>[vector<16xi32>, vector<16xi32>], vector<16xf32>, vector<16xi1>
    %add3A_373 = arith.constant 48 : i32
    %add3A_374 = vector.broadcast %add3A_373 : i32 to vector<16xi32>
    %add3A_375 = arith.addi %iota3A, %add3A_374 : vector<16xi32>
    %min3A_376 = arith.constant 62 : i32
    %min3A_377 = vector.broadcast %min3A_376 : i32 to vector<16xi32>
    %min3A_378 = arith.minsi %add3A_375, %min3A_377 : vector<16xi32>
    %lt3A_379 = arith.constant 63 : i32
    %lt3A_380 = vector.broadcast %lt3A_379 : i32 to vector<16xi32>
    %lt3A_381 = arith.cmpi slt, %add3A_375, %lt3A_380 : vector<16xi32>
    tpu.vector_store_idx %arg8[%broadcast_in_dim3A_345, %min3A_378], %broadcast_in_dim3A_7 masked %lt3A_381 : memref<8x63xf32, #tpu.memory_space<vmem>>[vector<16xi32>, vector<16xi32>], vector<16xf32>, vector<16xi1>
    %broadcast_in_dim3A_382 = arith.constant 7 : i32
    %broadcast_in_dim3A_383 = vector.broadcast %broadcast_in_dim3A_382 : i32 to vector<16xi32>
    %add3A_384 = arith.constant 0 : i32
    %add3A_385 = vector.broadcast %add3A_384 : i32 to vector<16xi32>
    %add3A_386 = arith.addi %iota3A, %add3A_385 : vector<16xi32>
    %min3A_387 = arith.constant 62 : i32
    %min3A_388 = vector.broadcast %min3A_387 : i32 to vector<16xi32>
    %min3A_389 = arith.minsi %add3A_386, %min3A_388 : vector<16xi32>
    %lt3A_390 = arith.constant 63 : i32
    %lt3A_391 = vector.broadcast %lt3A_390 : i32 to vector<16xi32>
    %lt3A_392 = arith.cmpi slt, %add3A_386, %lt3A_391 : vector<16xi32>
    tpu.vector_store_idx %arg8[%broadcast_in_dim3A_383, %min3A_389], %broadcast_in_dim3A_7 masked %lt3A_392 : memref<8x63xf32, #tpu.memory_space<vmem>>[vector<16xi32>, vector<16xi32>], vector<16xf32>, vector<16xi1>
    %add3A_393 = arith.constant 16 : i32
    %add3A_394 = vector.broadcast %add3A_393 : i32 to vector<16xi32>
    %add3A_395 = arith.addi %iota3A, %add3A_394 : vector<16xi32>
    %min3A_396 = arith.constant 62 : i32
    %min3A_397 = vector.broadcast %min3A_396 : i32 to vector<16xi32>
    %min3A_398 = arith.minsi %add3A_395, %min3A_397 : vector<16xi32>
    %lt3A_399 = arith.constant 63 : i32
    %lt3A_400 = vector.broadcast %lt3A_399 : i32 to vector<16xi32>
    %lt3A_401 = arith.cmpi slt, %add3A_395, %lt3A_400 : vector<16xi32>
    tpu.vector_store_idx %arg8[%broadcast_in_dim3A_383, %min3A_398], %broadcast_in_dim3A_7 masked %lt3A_401 : memref<8x63xf32, #tpu.memory_space<vmem>>[vector<16xi32>, vector<16xi32>], vector<16xf32>, vector<16xi1>
    %add3A_402 = arith.constant 32 : i32
    %add3A_403 = vector.broadcast %add3A_402 : i32 to vector<16xi32>
    %add3A_404 = arith.addi %iota3A, %add3A_403 : vector<16xi32>
    %min3A_405 = arith.constant 62 : i32
    %min3A_406 = vector.broadcast %min3A_405 : i32 to vector<16xi32>
    %min3A_407 = arith.minsi %add3A_404, %min3A_406 : vector<16xi32>
    %lt3A_408 = arith.constant 63 : i32
    %lt3A_409 = vector.broadcast %lt3A_408 : i32 to vector<16xi32>
    %lt3A_410 = arith.cmpi slt, %add3A_404, %lt3A_409 : vector<16xi32>
    tpu.vector_store_idx %arg8[%broadcast_in_dim3A_383, %min3A_407], %broadcast_in_dim3A_7 masked %lt3A_410 : memref<8x63xf32, #tpu.memory_space<vmem>>[vector<16xi32>, vector<16xi32>], vector<16xf32>, vector<16xi1>
    %add3A_411 = arith.constant 48 : i32
    %add3A_412 = vector.broadcast %add3A_411 : i32 to vector<16xi32>
    %add3A_413 = arith.addi %iota3A, %add3A_412 : vector<16xi32>
    %min3A_414 = arith.constant 62 : i32
    %min3A_415 = vector.broadcast %min3A_414 : i32 to vector<16xi32>
    %min3A_416 = arith.minsi %add3A_413, %min3A_415 : vector<16xi32>
    %lt3A_417 = arith.constant 63 : i32
    %lt3A_418 = vector.broadcast %lt3A_417 : i32 to vector<16xi32>
    %lt3A_419 = arith.cmpi slt, %add3A_413, %lt3A_418 : vector<16xi32>
    tpu.vector_store_idx %arg8[%broadcast_in_dim3A_383, %min3A_416], %broadcast_in_dim3A_7 masked %lt3A_419 : memref<8x63xf32, #tpu.memory_space<vmem>>[vector<16xi32>, vector<16xi32>], vector<16xf32>, vector<16xi1>
    %dma_wait3A = arith.constant 0 : i32
    %dma_wait3A_420 = tpu.memref_slice %arg13[%dma_wait3A] : memref<1024xf32, #tpu.memory_space<vmem>> -> memref<128xf32, #tpu.memory_space<vmem>>
    %dma_wait3A_421 = arith.constant 0 : i32
    %dma_wait3A_422 = tpu.memref_slice %arg11[%dma_wait3A_421] : memref<1024xi32, #tpu.memory_space<vmem>> -> memref<128xi32, #tpu.memory_space<vmem>>
    %dma_wait3A_423 = arith.constant 0 : i32
    %dma_wait3A_424 = tpu.memref_slice %arg2[%dma_wait3A_423] : memref<6400000xf32, #tpu.memory_space<hbm>> -> memref<6400000xf32, #tpu.memory_space<hbm>>
    tpu.wait_indirect_dma semaphore(%arg18 : memref<!tpu.dma_semaphore, #tpu.memory_space<semaphore_mem>>) src(%dma_wait3A_424 : memref<6400000xf32, #tpu.memory_space<hbm>>) dst(%dma_wait3A_420 : memref<128xf32, #tpu.memory_space<vmem>>)
    %dma_wait3A_425 = arith.constant 128 : i32
    %dma_wait3A_426 = tpu.memref_slice %arg13[%dma_wait3A_425] : memref<1024xf32, #tpu.memory_space<vmem>> -> memref<128xf32, #tpu.memory_space<vmem>>
    %dma_wait3A_427 = arith.constant 128 : i32
    %dma_wait3A_428 = tpu.memref_slice %arg11[%dma_wait3A_427] : memref<1024xi32, #tpu.memory_space<vmem>> -> memref<128xi32, #tpu.memory_space<vmem>>
    %dma_wait3A_429 = arith.constant 0 : i32
    %dma_wait3A_430 = tpu.memref_slice %arg2[%dma_wait3A_429] : memref<6400000xf32, #tpu.memory_space<hbm>> -> memref<6400000xf32, #tpu.memory_space<hbm>>
    tpu.wait_indirect_dma semaphore(%arg18 : memref<!tpu.dma_semaphore, #tpu.memory_space<semaphore_mem>>) src(%dma_wait3A_430 : memref<6400000xf32, #tpu.memory_space<hbm>>) dst(%dma_wait3A_426 : memref<128xf32, #tpu.memory_space<vmem>>)
    %dma_wait3A_431 = arith.constant 256 : i32
    %dma_wait3A_432 = tpu.memref_slice %arg13[%dma_wait3A_431] : memref<1024xf32, #tpu.memory_space<vmem>> -> memref<128xf32, #tpu.memory_space<vmem>>
    %dma_wait3A_433 = arith.constant 256 : i32
    %dma_wait3A_434 = tpu.memref_slice %arg11[%dma_wait3A_433] : memref<1024xi32, #tpu.memory_space<vmem>> -> memref<128xi32, #tpu.memory_space<vmem>>
    %dma_wait3A_435 = arith.constant 0 : i32
    %dma_wait3A_436 = tpu.memref_slice %arg2[%dma_wait3A_435] : memref<6400000xf32, #tpu.memory_space<hbm>> -> memref<6400000xf32, #tpu.memory_space<hbm>>
    tpu.wait_indirect_dma semaphore(%arg18 : memref<!tpu.dma_semaphore, #tpu.memory_space<semaphore_mem>>) src(%dma_wait3A_436 : memref<6400000xf32, #tpu.memory_space<hbm>>) dst(%dma_wait3A_432 : memref<128xf32, #tpu.memory_space<vmem>>)
    %dma_wait3A_437 = arith.constant 384 : i32
    %dma_wait3A_438 = tpu.memref_slice %arg13[%dma_wait3A_437] : memref<1024xf32, #tpu.memory_space<vmem>> -> memref<128xf32, #tpu.memory_space<vmem>>
    %dma_wait3A_439 = arith.constant 384 : i32
    %dma_wait3A_440 = tpu.memref_slice %arg11[%dma_wait3A_439] : memref<1024xi32, #tpu.memory_space<vmem>> -> memref<128xi32, #tpu.memory_space<vmem>>
    %dma_wait3A_441 = arith.constant 0 : i32
    %dma_wait3A_442 = tpu.memref_slice %arg2[%dma_wait3A_441] : memref<6400000xf32, #tpu.memory_space<hbm>> -> memref<6400000xf32, #tpu.memory_space<hbm>>
    tpu.wait_indirect_dma semaphore(%arg18 : memref<!tpu.dma_semaphore, #tpu.memory_space<semaphore_mem>>) src(%dma_wait3A_442 : memref<6400000xf32, #tpu.memory_space<hbm>>) dst(%dma_wait3A_438 : memref<128xf32, #tpu.memory_space<vmem>>)
    %dma_wait3A_443 = arith.constant 512 : i32
    %dma_wait3A_444 = tpu.memref_slice %arg13[%dma_wait3A_443] : memref<1024xf32, #tpu.memory_space<vmem>> -> memref<128xf32, #tpu.memory_space<vmem>>
    %dma_wait3A_445 = arith.constant 512 : i32
    %dma_wait3A_446 = tpu.memref_slice %arg11[%dma_wait3A_445] : memref<1024xi32, #tpu.memory_space<vmem>> -> memref<128xi32, #tpu.memory_space<vmem>>
    %dma_wait3A_447 = arith.constant 0 : i32
    %dma_wait3A_448 = tpu.memref_slice %arg2[%dma_wait3A_447] : memref<6400000xf32, #tpu.memory_space<hbm>> -> memref<6400000xf32, #tpu.memory_space<hbm>>
    tpu.wait_indirect_dma semaphore(%arg18 : memref<!tpu.dma_semaphore, #tpu.memory_space<semaphore_mem>>) src(%dma_wait3A_448 : memref<6400000xf32, #tpu.memory_space<hbm>>) dst(%dma_wait3A_444 : memref<128xf32, #tpu.memory_space<vmem>>)
    %dma_wait3A_449 = arith.constant 640 : i32
    %dma_wait3A_450 = tpu.memref_slice %arg13[%dma_wait3A_449] : memref<1024xf32, #tpu.memory_space<vmem>> -> memref<128xf32, #tpu.memory_space<vmem>>
    %dma_wait3A_451 = arith.constant 640 : i32
    %dma_wait3A_452 = tpu.memref_slice %arg11[%dma_wait3A_451] : memref<1024xi32, #tpu.memory_space<vmem>> -> memref<128xi32, #tpu.memory_space<vmem>>
    %dma_wait3A_453 = arith.constant 0 : i32
    %dma_wait3A_454 = tpu.memref_slice %arg2[%dma_wait3A_453] : memref<6400000xf32, #tpu.memory_space<hbm>> -> memref<6400000xf32, #tpu.memory_space<hbm>>
    tpu.wait_indirect_dma semaphore(%arg18 : memref<!tpu.dma_semaphore, #tpu.memory_space<semaphore_mem>>) src(%dma_wait3A_454 : memref<6400000xf32, #tpu.memory_space<hbm>>) dst(%dma_wait3A_450 : memref<128xf32, #tpu.memory_space<vmem>>)
    %dma_wait3A_455 = arith.constant 768 : i32
    %dma_wait3A_456 = tpu.memref_slice %arg13[%dma_wait3A_455] : memref<1024xf32, #tpu.memory_space<vmem>> -> memref<128xf32, #tpu.memory_space<vmem>>
    %dma_wait3A_457 = arith.constant 768 : i32
    %dma_wait3A_458 = tpu.memref_slice %arg11[%dma_wait3A_457] : memref<1024xi32, #tpu.memory_space<vmem>> -> memref<128xi32, #tpu.memory_space<vmem>>
    %dma_wait3A_459 = arith.constant 0 : i32
    %dma_wait3A_460 = tpu.memref_slice %arg2[%dma_wait3A_459] : memref<6400000xf32, #tpu.memory_space<hbm>> -> memref<6400000xf32, #tpu.memory_space<hbm>>
    tpu.wait_indirect_dma semaphore(%arg18 : memref<!tpu.dma_semaphore, #tpu.memory_space<semaphore_mem>>) src(%dma_wait3A_460 : memref<6400000xf32, #tpu.memory_space<hbm>>) dst(%dma_wait3A_456 : memref<128xf32, #tpu.memory_space<vmem>>)
    %dma_wait3A_461 = arith.constant 896 : i32
    %dma_wait3A_462 = tpu.memref_slice %arg13[%dma_wait3A_461] : memref<1024xf32, #tpu.memory_space<vmem>> -> memref<128xf32, #tpu.memory_space<vmem>>
    %dma_wait3A_463 = arith.constant 896 : i32
    %dma_wait3A_464 = tpu.memref_slice %arg11[%dma_wait3A_463] : memref<1024xi32, #tpu.memory_space<vmem>> -> memref<128xi32, #tpu.memory_space<vmem>>
    %dma_wait3A_465 = arith.constant 0 : i32
    %dma_wait3A_466 = tpu.memref_slice %arg2[%dma_wait3A_465] : memref<6400000xf32, #tpu.memory_space<hbm>> -> memref<6400000xf32, #tpu.memory_space<hbm>>
    tpu.wait_indirect_dma semaphore(%arg18 : memref<!tpu.dma_semaphore, #tpu.memory_space<semaphore_mem>>) src(%dma_wait3A_466 : memref<6400000xf32, #tpu.memory_space<hbm>>) dst(%dma_wait3A_462 : memref<128xf32, #tpu.memory_space<vmem>>)
    %dma_wait3A_467 = arith.constant 0 : i32
    %dma_wait3A_468 = tpu.memref_slice %arg14[%dma_wait3A_467] : memref<1024xf32, #tpu.memory_space<vmem>> -> memref<128xf32, #tpu.memory_space<vmem>>
    %dma_wait3A_469 = arith.constant 0 : i32
    %dma_wait3A_470 = tpu.memref_slice %arg12[%dma_wait3A_469] : memref<1024xi32, #tpu.memory_space<vmem>> -> memref<128xi32, #tpu.memory_space<vmem>>
    %dma_wait3A_471 = arith.constant 0 : i32
    %dma_wait3A_472 = tpu.memref_slice %arg3[%dma_wait3A_471] : memref<6400000xf32, #tpu.memory_space<hbm>> -> memref<6400000xf32, #tpu.memory_space<hbm>>
    tpu.wait_indirect_dma semaphore(%arg18 : memref<!tpu.dma_semaphore, #tpu.memory_space<semaphore_mem>>) src(%dma_wait3A_472 : memref<6400000xf32, #tpu.memory_space<hbm>>) dst(%dma_wait3A_468 : memref<128xf32, #tpu.memory_space<vmem>>)
    %dma_wait3A_473 = arith.constant 128 : i32
    %dma_wait3A_474 = tpu.memref_slice %arg14[%dma_wait3A_473] : memref<1024xf32, #tpu.memory_space<vmem>> -> memref<128xf32, #tpu.memory_space<vmem>>
    %dma_wait3A_475 = arith.constant 128 : i32
    %dma_wait3A_476 = tpu.memref_slice %arg12[%dma_wait3A_475] : memref<1024xi32, #tpu.memory_space<vmem>> -> memref<128xi32, #tpu.memory_space<vmem>>
    %dma_wait3A_477 = arith.constant 0 : i32
    %dma_wait3A_478 = tpu.memref_slice %arg3[%dma_wait3A_477] : memref<6400000xf32, #tpu.memory_space<hbm>> -> memref<6400000xf32, #tpu.memory_space<hbm>>
    tpu.wait_indirect_dma semaphore(%arg18 : memref<!tpu.dma_semaphore, #tpu.memory_space<semaphore_mem>>) src(%dma_wait3A_478 : memref<6400000xf32, #tpu.memory_space<hbm>>) dst(%dma_wait3A_474 : memref<128xf32, #tpu.memory_space<vmem>>)
    %dma_wait3A_479 = arith.constant 256 : i32
    %dma_wait3A_480 = tpu.memref_slice %arg14[%dma_wait3A_479] : memref<1024xf32, #tpu.memory_space<vmem>> -> memref<128xf32, #tpu.memory_space<vmem>>
    %dma_wait3A_481 = arith.constant 256 : i32
    %dma_wait3A_482 = tpu.memref_slice %arg12[%dma_wait3A_481] : memref<1024xi32, #tpu.memory_space<vmem>> -> memref<128xi32, #tpu.memory_space<vmem>>
    %dma_wait3A_483 = arith.constant 0 : i32
    %dma_wait3A_484 = tpu.memref_slice %arg3[%dma_wait3A_483] : memref<6400000xf32, #tpu.memory_space<hbm>> -> memref<6400000xf32, #tpu.memory_space<hbm>>
    tpu.wait_indirect_dma semaphore(%arg18 : memref<!tpu.dma_semaphore, #tpu.memory_space<semaphore_mem>>) src(%dma_wait3A_484 : memref<6400000xf32, #tpu.memory_space<hbm>>) dst(%dma_wait3A_480 : memref<128xf32, #tpu.memory_space<vmem>>)
    %dma_wait3A_485 = arith.constant 384 : i32
    %dma_wait3A_486 = tpu.memref_slice %arg14[%dma_wait3A_485] : memref<1024xf32, #tpu.memory_space<vmem>> -> memref<128xf32, #tpu.memory_space<vmem>>
    %dma_wait3A_487 = arith.constant 384 : i32
    %dma_wait3A_488 = tpu.memref_slice %arg12[%dma_wait3A_487] : memref<1024xi32, #tpu.memory_space<vmem>> -> memref<128xi32, #tpu.memory_space<vmem>>
    %dma_wait3A_489 = arith.constant 0 : i32
    %dma_wait3A_490 = tpu.memref_slice %arg3[%dma_wait3A_489] : memref<6400000xf32, #tpu.memory_space<hbm>> -> memref<6400000xf32, #tpu.memory_space<hbm>>
    tpu.wait_indirect_dma semaphore(%arg18 : memref<!tpu.dma_semaphore, #tpu.memory_space<semaphore_mem>>) src(%dma_wait3A_490 : memref<6400000xf32, #tpu.memory_space<hbm>>) dst(%dma_wait3A_486 : memref<128xf32, #tpu.memory_space<vmem>>)
    %dma_wait3A_491 = arith.constant 512 : i32
    %dma_wait3A_492 = tpu.memref_slice %arg14[%dma_wait3A_491] : memref<1024xf32, #tpu.memory_space<vmem>> -> memref<128xf32, #tpu.memory_space<vmem>>
    %dma_wait3A_493 = arith.constant 512 : i32
    %dma_wait3A_494 = tpu.memref_slice %arg12[%dma_wait3A_493] : memref<1024xi32, #tpu.memory_space<vmem>> -> memref<128xi32, #tpu.memory_space<vmem>>
    %dma_wait3A_495 = arith.constant 0 : i32
    %dma_wait3A_496 = tpu.memref_slice %arg3[%dma_wait3A_495] : memref<6400000xf32, #tpu.memory_space<hbm>> -> memref<6400000xf32, #tpu.memory_space<hbm>>
    tpu.wait_indirect_dma semaphore(%arg18 : memref<!tpu.dma_semaphore, #tpu.memory_space<semaphore_mem>>) src(%dma_wait3A_496 : memref<6400000xf32, #tpu.memory_space<hbm>>) dst(%dma_wait3A_492 : memref<128xf32, #tpu.memory_space<vmem>>)
    %dma_wait3A_497 = arith.constant 640 : i32
    %dma_wait3A_498 = tpu.memref_slice %arg14[%dma_wait3A_497] : memref<1024xf32, #tpu.memory_space<vmem>> -> memref<128xf32, #tpu.memory_space<vmem>>
    %dma_wait3A_499 = arith.constant 640 : i32
    %dma_wait3A_500 = tpu.memref_slice %arg12[%dma_wait3A_499] : memref<1024xi32, #tpu.memory_space<vmem>> -> memref<128xi32, #tpu.memory_space<vmem>>
    %dma_wait3A_501 = arith.constant 0 : i32
    %dma_wait3A_502 = tpu.memref_slice %arg3[%dma_wait3A_501] : memref<6400000xf32, #tpu.memory_space<hbm>> -> memref<6400000xf32, #tpu.memory_space<hbm>>
    tpu.wait_indirect_dma semaphore(%arg18 : memref<!tpu.dma_semaphore, #tpu.memory_space<semaphore_mem>>) src(%dma_wait3A_502 : memref<6400000xf32, #tpu.memory_space<hbm>>) dst(%dma_wait3A_498 : memref<128xf32, #tpu.memory_space<vmem>>)
    %dma_wait3A_503 = arith.constant 768 : i32
    %dma_wait3A_504 = tpu.memref_slice %arg14[%dma_wait3A_503] : memref<1024xf32, #tpu.memory_space<vmem>> -> memref<128xf32, #tpu.memory_space<vmem>>
    %dma_wait3A_505 = arith.constant 768 : i32
    %dma_wait3A_506 = tpu.memref_slice %arg12[%dma_wait3A_505] : memref<1024xi32, #tpu.memory_space<vmem>> -> memref<128xi32, #tpu.memory_space<vmem>>
    %dma_wait3A_507 = arith.constant 0 : i32
    %dma_wait3A_508 = tpu.memref_slice %arg3[%dma_wait3A_507] : memref<6400000xf32, #tpu.memory_space<hbm>> -> memref<6400000xf32, #tpu.memory_space<hbm>>
    tpu.wait_indirect_dma semaphore(%arg18 : memref<!tpu.dma_semaphore, #tpu.memory_space<semaphore_mem>>) src(%dma_wait3A_508 : memref<6400000xf32, #tpu.memory_space<hbm>>) dst(%dma_wait3A_504 : memref<128xf32, #tpu.memory_space<vmem>>)
    %dma_wait3A_509 = arith.constant 896 : i32
    %dma_wait3A_510 = tpu.memref_slice %arg14[%dma_wait3A_509] : memref<1024xf32, #tpu.memory_space<vmem>> -> memref<128xf32, #tpu.memory_space<vmem>>
    %dma_wait3A_511 = arith.constant 896 : i32
    %dma_wait3A_512 = tpu.memref_slice %arg12[%dma_wait3A_511] : memref<1024xi32, #tpu.memory_space<vmem>> -> memref<128xi32, #tpu.memory_space<vmem>>
    %dma_wait3A_513 = arith.constant 0 : i32
    %dma_wait3A_514 = tpu.memref_slice %arg3[%dma_wait3A_513] : memref<6400000xf32, #tpu.memory_space<hbm>> -> memref<6400000xf32, #tpu.memory_space<hbm>>
    tpu.wait_indirect_dma semaphore(%arg18 : memref<!tpu.dma_semaphore, #tpu.memory_space<semaphore_mem>>) src(%dma_wait3A_514 : memref<6400000xf32, #tpu.memory_space<hbm>>) dst(%dma_wait3A_510 : memref<128xf32, #tpu.memory_space<vmem>>)
    %scan3A_515 = arith.constant 0 : i32
    %scan3A_516 = arith.constant 0 : i32
    %scan3A_517 = arith.constant 8 : i32
    %scan3A_518 = arith.addi %scan3A_516, %scan3A_517 : i32
    %scan3A_519 = arith.constant 1 : i32
    scf.for %scan3A_635 = %scan3A_516 to %scan3A_518 step %scan3A_519  : i32 {
      %mul3A_636 = arith.constant 128 : i32
      %mul3A_637 = arith.muli %scan3A_635, %mul3A_636 : i32
      %add3A_638 = arith.constant 0 : i32
      %add3A_639 = arith.addi %mul3A_637, %add3A_638 : i32
      %add3A_640 = arith.constant 0 : i32
      %add3A_641 = vector.broadcast %add3A_640 : i32 to vector<16xi32>
      %add3A_642 = arith.addi %iota3A, %add3A_641 : vector<16xi32>
      %lt3A_643 = arith.constant 100 : i32
      %lt3A_644 = vector.broadcast %lt3A_643 : i32 to vector<16xi32>
      %lt3A_645 = arith.cmpi slt, %add3A_642, %lt3A_644 : vector<16xi32>
      %get3A = arith.index_cast %add3A_639 : i32 to index
      %get3A_646 = tpu.vector_load %arg13[%get3A] {strides = array<i32>} : memref<1024xf32, #tpu.memory_space<vmem>>, vector<16xf32>,
      %get3A_647 = arith.index_cast %add3A_639 : i32 to index
      %get3A_648 = tpu.vector_load %arg14[%get3A_647] {strides = array<i32>} : memref<1024xf32, #tpu.memory_space<vmem>>, vector<16xf32>,
      %mul3A_649 = arith.mulf %get3A_646, %get3A_648 : vector<16xf32>
      %jit3A = arith.constant 0.000000e+00 : f32
      %broadcast_in_dim3A_650 = vector.broadcast %jit3A : f32 to vector<16xf32>
      %select_n3A = arith.select %lt3A_645, %mul3A_649, %broadcast_in_dim3A_650 : vector<16xi1>, vector<16xf32>
      %add3A_651 = arith.addf %broadcast_in_dim3A_7, %select_n3A : vector<16xf32>
      %mul3A_652 = arith.constant 128 : i32
      %mul3A_653 = arith.muli %scan3A_635, %mul3A_652 : i32
      %add3A_654 = arith.constant 16 : i32
      %add3A_655 = arith.addi %mul3A_653, %add3A_654 : i32
      %add3A_656 = arith.constant 16 : i32
      %add3A_657 = vector.broadcast %add3A_656 : i32 to vector<16xi32>
      %add3A_658 = arith.addi %iota3A, %add3A_657 : vector<16xi32>
      %lt3A_659 = arith.constant 100 : i32
      %lt3A_660 = vector.broadcast %lt3A_659 : i32 to vector<16xi32>
      %lt3A_661 = arith.cmpi slt, %add3A_658, %lt3A_660 : vector<16xi32>
      %get3A_662 = arith.index_cast %add3A_655 : i32 to index
      %get3A_663 = tpu.vector_load %arg13[%get3A_662] {strides = array<i32>} : memref<1024xf32, #tpu.memory_space<vmem>>, vector<16xf32>,
      %get3A_664 = arith.index_cast %add3A_655 : i32 to index
      %get3A_665 = tpu.vector_load %arg14[%get3A_664] {strides = array<i32>} : memref<1024xf32, #tpu.memory_space<vmem>>, vector<16xf32>,
      %mul3A_666 = arith.mulf %get3A_663, %get3A_665 : vector<16xf32>
      %jit3A_667 = arith.constant 0.000000e+00 : f32
      %broadcast_in_dim3A_668 = vector.broadcast %jit3A_667 : f32 to vector<16xf32>
      %select_n3A_669 = arith.select %lt3A_661, %mul3A_666, %broadcast_in_dim3A_668 : vector<16xi1>, vector<16xf32>
      %add3A_670 = arith.addf %add3A_651, %select_n3A_669 : vector<16xf32>
      %mul3A_671 = arith.constant 128 : i32
      %mul3A_672 = arith.muli %scan3A_635, %mul3A_671 : i32
      %add3A_673 = arith.constant 32 : i32
      %add3A_674 = arith.addi %mul3A_672, %add3A_673 : i32
      %add3A_675 = arith.constant 32 : i32
      %add3A_676 = vector.broadcast %add3A_675 : i32 to vector<16xi32>
      %add3A_677 = arith.addi %iota3A, %add3A_676 : vector<16xi32>
      %lt3A_678 = arith.constant 100 : i32
      %lt3A_679 = vector.broadcast %lt3A_678 : i32 to vector<16xi32>
      %lt3A_680 = arith.cmpi slt, %add3A_677, %lt3A_679 : vector<16xi32>
      %get3A_681 = arith.index_cast %add3A_674 : i32 to index
      %get3A_682 = tpu.vector_load %arg13[%get3A_681] {strides = array<i32>} : memref<1024xf32, #tpu.memory_space<vmem>>, vector<16xf32>,
      %get3A_683 = arith.index_cast %add3A_674 : i32 to index
      %get3A_684 = tpu.vector_load %arg14[%get3A_683] {strides = array<i32>} : memref<1024xf32, #tpu.memory_space<vmem>>, vector<16xf32>,
      %mul3A_685 = arith.mulf %get3A_682, %get3A_684 : vector<16xf32>
      %jit3A_686 = arith.constant 0.000000e+00 : f32
      %broadcast_in_dim3A_687 = vector.broadcast %jit3A_686 : f32 to vector<16xf32>
      %select_n3A_688 = arith.select %lt3A_680, %mul3A_685, %broadcast_in_dim3A_687 : vector<16xi1>, vector<16xf32>
      %add3A_689 = arith.addf %add3A_670, %select_n3A_688 : vector<16xf32>
      %mul3A_690 = arith.constant 128 : i32
      %mul3A_691 = arith.muli %scan3A_635, %mul3A_690 : i32
      %add3A_692 = arith.constant 48 : i32
      %add3A_693 = arith.addi %mul3A_691, %add3A_692 : i32
      %add3A_694 = arith.constant 48 : i32
      %add3A_695 = vector.broadcast %add3A_694 : i32 to vector<16xi32>
      %add3A_696 = arith.addi %iota3A, %add3A_695 : vector<16xi32>
      %lt3A_697 = arith.constant 100 : i32
      %lt3A_698 = vector.broadcast %lt3A_697 : i32 to vector<16xi32>
      %lt3A_699 = arith.cmpi slt, %add3A_696, %lt3A_698 : vector<16xi32>
      %get3A_700 = arith.index_cast %add3A_693 : i32 to index
      %get3A_701 = tpu.vector_load %arg13[%get3A_700] {strides = array<i32>} : memref<1024xf32, #tpu.memory_space<vmem>>, vector<16xf32>,
      %get3A_702 = arith.index_cast %add3A_693 : i32 to index
      %get3A_703 = tpu.vector_load %arg14[%get3A_702] {strides = array<i32>} : memref<1024xf32, #tpu.memory_space<vmem>>, vector<16xf32>,
      %mul3A_704 = arith.mulf %get3A_701, %get3A_703 : vector<16xf32>
      %jit3A_705 = arith.constant 0.000000e+00 : f32
      %broadcast_in_dim3A_706 = vector.broadcast %jit3A_705 : f32 to vector<16xf32>
      %select_n3A_707 = arith.select %lt3A_699, %mul3A_704, %broadcast_in_dim3A_706 : vector<16xi1>, vector<16xf32>
      %add3A_708 = arith.addf %add3A_689, %select_n3A_707 : vector<16xf32>
      %mul3A_709 = arith.constant 128 : i32
      %mul3A_710 = arith.muli %scan3A_635, %mul3A_709 : i32
      %add3A_711 = arith.constant 64 : i32
      %add3A_712 = arith.addi %mul3A_710, %add3A_711 : i32
      %add3A_713 = arith.constant 64 : i32
      %add3A_714 = vector.broadcast %add3A_713 : i32 to vector<16xi32>
      %add3A_715 = arith.addi %iota3A, %add3A_714 : vector<16xi32>
      %lt3A_716 = arith.constant 100 : i32
      %lt3A_717 = vector.broadcast %lt3A_716 : i32 to vector<16xi32>
      %lt3A_718 = arith.cmpi slt, %add3A_715, %lt3A_717 : vector<16xi32>
      %get3A_719 = arith.index_cast %add3A_712 : i32 to index
      %get3A_720 = tpu.vector_load %arg13[%get3A_719] {strides = array<i32>} : memref<1024xf32, #tpu.memory_space<vmem>>, vector<16xf32>,
      %get3A_721 = arith.index_cast %add3A_712 : i32 to index
      %get3A_722 = tpu.vector_load %arg14[%get3A_721] {strides = array<i32>} : memref<1024xf32, #tpu.memory_space<vmem>>, vector<16xf32>,
      %mul3A_723 = arith.mulf %get3A_720, %get3A_722 : vector<16xf32>
      %jit3A_724 = arith.constant 0.000000e+00 : f32
      %broadcast_in_dim3A_725 = vector.broadcast %jit3A_724 : f32 to vector<16xf32>
      %select_n3A_726 = arith.select %lt3A_718, %mul3A_723, %broadcast_in_dim3A_725 : vector<16xi1>, vector<16xf32>
      %add3A_727 = arith.addf %add3A_708, %select_n3A_726 : vector<16xf32>
      %mul3A_728 = arith.constant 128 : i32
      %mul3A_729 = arith.muli %scan3A_635, %mul3A_728 : i32
      %add3A_730 = arith.constant 80 : i32
      %add3A_731 = arith.addi %mul3A_729, %add3A_730 : i32
      %add3A_732 = arith.constant 80 : i32
      %add3A_733 = vector.broadcast %add3A_732 : i32 to vector<16xi32>
      %add3A_734 = arith.addi %iota3A, %add3A_733 : vector<16xi32>
      %lt3A_735 = arith.constant 100 : i32
      %lt3A_736 = vector.broadcast %lt3A_735 : i32 to vector<16xi32>
      %lt3A_737 = arith.cmpi slt, %add3A_734, %lt3A_736 : vector<16xi32>
      %get3A_738 = arith.index_cast %add3A_731 : i32 to index
      %get3A_739 = tpu.vector_load %arg13[%get3A_738] {strides = array<i32>} : memref<1024xf32, #tpu.memory_space<vmem>>, vector<16xf32>,
      %get3A_740 = arith.index_cast %add3A_731 : i32 to index
      %get3A_741 = tpu.vector_load %arg14[%get3A_740] {strides = array<i32>} : memref<1024xf32, #tpu.memory_space<vmem>>, vector<16xf32>,
      %mul3A_742 = arith.mulf %get3A_739, %get3A_741 : vector<16xf32>
      %jit3A_743 = arith.constant 0.000000e+00 : f32
      %broadcast_in_dim3A_744 = vector.broadcast %jit3A_743 : f32 to vector<16xf32>
      %select_n3A_745 = arith.select %lt3A_737, %mul3A_742, %broadcast_in_dim3A_744 : vector<16xi1>, vector<16xf32>
      %add3A_746 = arith.addf %add3A_727, %select_n3A_745 : vector<16xf32>
      %mul3A_747 = arith.constant 128 : i32
      %mul3A_748 = arith.muli %scan3A_635, %mul3A_747 : i32
      %add3A_749 = arith.constant 96 : i32
      %add3A_750 = arith.addi %mul3A_748, %add3A_749 : i32
      %add3A_751 = arith.constant 96 : i32
      %add3A_752 = vector.broadcast %add3A_751 : i32 to vector<16xi32>
      %add3A_753 = arith.addi %iota3A, %add3A_752 : vector<16xi32>
      %lt3A_754 = arith.constant 100 : i32
      %lt3A_755 = vector.broadcast %lt3A_754 : i32 to vector<16xi32>
      %lt3A_756 = arith.cmpi slt, %add3A_753, %lt3A_755 : vector<16xi32>
      %get3A_757 = arith.index_cast %add3A_750 : i32 to index
      %get3A_758 = tpu.vector_load %arg13[%get3A_757] {strides = array<i32>} : memref<1024xf32, #tpu.memory_space<vmem>>, vector<16xf32>,
      %get3A_759 = arith.index_cast %add3A_750 : i32 to index
      %get3A_760 = tpu.vector_load %arg14[%get3A_759] {strides = array<i32>} : memref<1024xf32, #tpu.memory_space<vmem>>, vector<16xf32>,
      %mul3A_761 = arith.mulf %get3A_758, %get3A_760 : vector<16xf32>
      %jit3A_762 = arith.constant 0.000000e+00 : f32
      %broadcast_in_dim3A_763 = vector.broadcast %jit3A_762 : f32 to vector<16xf32>
      %select_n3A_764 = arith.select %lt3A_756, %mul3A_761, %broadcast_in_dim3A_763 : vector<16xi1>, vector<16xf32>
      %add3A_765 = arith.addf %add3A_746, %select_n3A_764 : vector<16xf32>
      %mul3A_766 = arith.constant 128 : i32
      %mul3A_767 = arith.muli %scan3A_635, %mul3A_766 : i32
      %add3A_768 = arith.constant 112 : i32
      %add3A_769 = arith.addi %mul3A_767, %add3A_768 : i32
      %add3A_770 = arith.constant 112 : i32
      %add3A_771 = vector.broadcast %add3A_770 : i32 to vector<16xi32>
      %add3A_772 = arith.addi %iota3A, %add3A_771 : vector<16xi32>
      %lt3A_773 = arith.constant 100 : i32
      %lt3A_774 = vector.broadcast %lt3A_773 : i32 to vector<16xi32>
      %lt3A_775 = arith.cmpi slt, %add3A_772, %lt3A_774 : vector<16xi32>
      %get3A_776 = arith.index_cast %add3A_769 : i32 to index
      %get3A_777 = tpu.vector_load %arg13[%get3A_776] {strides = array<i32>} : memref<1024xf32, #tpu.memory_space<vmem>>, vector<16xf32>,
      %get3A_778 = arith.index_cast %add3A_769 : i32 to index
      %get3A_779 = tpu.vector_load %arg14[%get3A_778] {strides = array<i32>} : memref<1024xf32, #tpu.memory_space<vmem>>, vector<16xf32>,
      %mul3A_780 = arith.mulf %get3A_777, %get3A_779 : vector<16xf32>
      %jit3A_781 = arith.constant 0.000000e+00 : f32
      %broadcast_in_dim3A_782 = vector.broadcast %jit3A_781 : f32 to vector<16xf32>
      %select_n3A_783 = arith.select %lt3A_775, %mul3A_780, %broadcast_in_dim3A_782 : vector<16xi1>, vector<16xf32>
      %add3A_784 = arith.addf %add3A_765, %select_n3A_783 : vector<16xf32>
      %reduce_sum3A = arith.constant true
      %reduce_sum3A_785 = vector.broadcast %reduce_sum3A : i1 to vector<16xi1>
      %reduce_sum3A_786 = tpu.scan <sum>, %add3A_784 masked %reduce_sum3A_785 : vector<16xf32>, vector<16xi1> -> vector<16xf32>
      %reduce_sum3A_787 = vector.extract %reduce_sum3A_786[15] : f32 from vector<16xf32>
      %broadcast_in_dim3A_788 = vector.broadcast %reduce_sum3A_787 : f32 to vector<16xf32>
      %broadcast_in_dim3A_789 = arith.constant 1.000000e+00 : f32
      %broadcast_in_dim3A_790 = vector.broadcast %broadcast_in_dim3A_789 : f32 to vector<16xf32>
      %max3A = arith.constant 9.99999971E-10 : f32
      %max3A_791 = vector.broadcast %max3A : f32 to vector<16xf32>
      %max3A_792 = arith.maximumf %broadcast_in_dim3A_788, %max3A_791 : vector<16xf32>
      %div3A = arith.divf %broadcast_in_dim3A_790, %max3A_792 : vector<16xf32>
      %mul3A_793 = arith.constant 16 : i32
      %mul3A_794 = arith.muli %scan3A_635, %mul3A_793 : i32
      %swap3A = arith.index_cast %mul3A_794 : i32 to index
      %swap3A_795 = tpu.vector_load %arg15[%swap3A] {strides = array<i32>} : memref<128xf32, #tpu.memory_space<vmem>>, vector<16xf32>,
      tpu.vector_store %arg15[%swap3A], %div3A {strides = array<i32>} : memref<128xf32, #tpu.memory_space<vmem>>, vector<16xf32>,
    }
    %scan3A_520 = arith.constant 8 : i32
    %scan3A_521 = arith.constant 0 : i32
    %scan3A_522 = arith.constant 0 : i32
    %scan3A_523 = arith.constant 64 : i32
    %scan3A_524 = arith.addi %scan3A_522, %scan3A_523 : i32
    %scan3A_525 = arith.constant 1 : i32
    %scan3A_526 = scf.for %scan3A_635 = %scan3A_522 to %scan3A_524 step %scan3A_525 iter_args(%scan3A_636 = %scan3A_521) -> (i32)  : i32 {
      %mul3A_637 = arith.constant 16 : i32
      %mul3A_638 = arith.muli %scan3A_635, %mul3A_637 : i32
      %shift_right_arithmetic3A_639 = arith.constant 3 : i32
      %shift_right_arithmetic3A_640 = arith.shrsi %scan3A_635, %shift_right_arithmetic3A_639 : i32
      %and3A_641 = arith.constant 7 : i32
      %and3A_642 = arith.andi %scan3A_635, %and3A_641 : i32
      %mul3A_643 = arith.constant 16 : i32
      %mul3A_644 = arith.muli %and3A_642, %mul3A_643 : i32
      %add3A_645 = vector.broadcast %mul3A_644 : i32 to vector<16xi32>
      %add3A_646 = arith.addi %add3A_645, %iota3A : vector<16xi32>
      %lt3A_647 = arith.constant 100 : i32
      %lt3A_648 = vector.broadcast %lt3A_647 : i32 to vector<16xi32>
      %lt3A_649 = arith.cmpi slt, %add3A_646, %lt3A_648 : vector<16xi32>
      %get3A = arith.index_cast %mul3A_638 : i32 to index
      %get3A_650 = tpu.vector_load %arg9[%get3A] {strides = array<i32>} : memref<1024xi32, #tpu.memory_space<vmem>>, vector<16xi32>,
      %get3A_651 = arith.index_cast %mul3A_638 : i32 to index
      %get3A_652 = tpu.vector_load %arg10[%get3A_651] {strides = array<i32>} : memref<1024xi32, #tpu.memory_space<vmem>>, vector<16xi32>,
      %add3A_653 = arith.addi %get3A_650, %get3A_652 : vector<16xi32>
      %get3A_654 = arith.index_cast %mul3A_638 : i32 to index
      %get3A_655 = tpu.vector_load %arg13[%get3A_654] {strides = array<i32>} : memref<1024xf32, #tpu.memory_space<vmem>>, vector<16xf32>,
      %get3A_656 = arith.index_cast %mul3A_638 : i32 to index
      %get3A_657 = tpu.vector_load %arg14[%get3A_656] {strides = array<i32>} : memref<1024xf32, #tpu.memory_space<vmem>>, vector<16xf32>,
      %mul3A_658 = arith.mulf %get3A_655, %get3A_657 : vector<16xf32>
      %mul3A_659 = arith.constant 16 : i32
      %mul3A_660 = arith.muli %shift_right_arithmetic3A_640, %mul3A_659 : i32
      %get3A_661 = arith.index_cast %mul3A_660 : i32 to index
      %get3A_662 = tpu.vector_load %arg15[%get3A_661] {strides = array<i32>} : memref<128xf32, #tpu.memory_space<vmem>>, vector<16xf32>,
      %mul3A_663 = arith.mulf %mul3A_658, %get3A_662 : vector<16xf32>
      %ge3A = vector.broadcast %mul3A_6 : i32 to vector<16xi32>
      %ge3A_664 = arith.cmpi sge, %add3A_653, %ge3A : vector<16xi32>
      %and3A_665 = arith.andi %lt3A_649, %ge3A_664 : vector<16xi1>
      %add3A_666 = arith.constant 50176 : i32
      %add3A_667 = arith.addi %mul3A_6, %add3A_666 : i32
      %lt3A_668 = vector.broadcast %add3A_667 : i32 to vector<16xi32>
      %lt3A_669 = arith.cmpi slt, %add3A_653, %lt3A_668 : vector<16xi32>
      %and3A_670 = arith.andi %and3A_665, %lt3A_669 : vector<16xi1>
      %shift_left3A = arith.constant 18 : i32
      %shift_left3A_671 = arith.shli %shift_right_arithmetic3A_640, %shift_left3A : i32
      %add3A_672 = vector.broadcast %shift_left3A_671 : i32 to vector<16xi32>
      %add3A_673 = arith.addi %add3A_653, %add3A_672 : vector<16xi32>
      %swap3A = arith.index_cast %scan3A_636 : i32 to index
      %swap3A_674 = tpu.vector_load %arg16[%swap3A] masked %and3A_670 {strides = array<i32>} : memref<1040xi32, #tpu.memory_space<vmem>>, vector<16xi32>, vector<16xi1>
      tpu.vector_store %arg16[%swap3A], %add3A_673 masked %and3A_670 {strides = array<i32>} : memref<1040xi32, #tpu.memory_space<vmem>>, vector<16xi32>, vector<16xi1>
      %swap3A_675 = arith.index_cast %scan3A_636 : i32 to index
      %swap3A_676 = tpu.vector_load %arg17[%swap3A_675] masked %and3A_670 {strides = array<i32>} : memref<1040xf32, #tpu.memory_space<vmem>>, vector<16xf32>, vector<16xi1>
      tpu.vector_store %arg17[%swap3A_675], %mul3A_663 masked %and3A_670 {strides = array<i32>} : memref<1040xf32, #tpu.memory_space<vmem>>, vector<16xf32>, vector<16xi1>
      %convert_element_type3A_677 = arith.extui %and3A_670 : vector<16xi1> to vector<16xi32>
      %reduce_sum3A = arith.constant true
      %reduce_sum3A_678 = vector.broadcast %reduce_sum3A : i1 to vector<16xi1>
      %reduce_sum3A_679 = tpu.scan <sum>, %convert_element_type3A_677 masked %reduce_sum3A_678 : vector<16xi32>, vector<16xi1> -> vector<16xi32>
      %reduce_sum3A_680 = vector.extract %reduce_sum3A_679[15] : i32 from vector<16xi32>
      %add3A_681 = arith.addi %scan3A_636, %reduce_sum3A_680 : i32
      scf.yield %add3A_681 : i32
    }
    %scan3A_527 = arith.constant 64 : i32
    %add3A_528 = arith.constant 15 : i32
    %add3A_529 = arith.addi %scan3A_526, %add3A_528 : i32
    %shift_right_arithmetic3A_530 = arith.constant 4 : i32
    %shift_right_arithmetic3A_531 = arith.shrsi %add3A_529, %shift_right_arithmetic3A_530 : i32
    %mul3A_532 = arith.constant 4 : i32
    %mul3A_533 = arith.muli %and3A_2, %mul3A_532 : i32
    %add3A_534 = arith.constant 0 : i32
    %add3A_535 = arith.addi %mul3A_533, %add3A_534 : i32
    %mul3A_536 = arith.constant 12544 : i32
    %mul3A_537 = arith.muli %add3A_535, %mul3A_536 : i32
    %multiple_of3A = tpu.assume_multiple %mul3A_537, 128 : i32
    %while3A = arith.constant 0 : i32
    %while3A_538 = arith.constant 0 : i32
    %while3A_539 = arith.subi %shift_right_arithmetic3A_531, %while3A_538 : i32
    %while3A_540 = arith.addi %while3A_538, %while3A_539 : i32
    %while3A_541 = arith.constant 1 : i32
    %while3A_542 = arith.divsi %while3A_539, %while3A_541 : i32
    %while3A_543 = arith.muli %while3A_542, %while3A_541 : i32
    %while3A_544 = arith.addi %while3A_538, %while3A_543 : i32
    %while3A_545 = arith.constant 1 : i32
    scf.for %while3A_635 = %while3A_538 to %while3A_544 step %while3A_545  : i32 {
      %mul3A_636 = arith.constant 16 : i32
      %mul3A_637 = arith.muli %while3A_635, %mul3A_636 : i32
      %get3A = arith.index_cast %mul3A_637 : i32 to index
      %get3A_638 = tpu.vector_load %arg16[%get3A] {strides = array<i32>} : memref<1040xi32, #tpu.memory_space<vmem>>, vector<16xi32>,
      %mul3A_639 = arith.constant 16 : i32
      %mul3A_640 = arith.muli %while3A_635, %mul3A_639 : i32
      %add3A_641 = vector.broadcast %mul3A_640 : i32 to vector<16xi32>
      %add3A_642 = arith.addi %add3A_641, %iota3A : vector<16xi32>
      %lt3A_643 = vector.broadcast %scan3A_526 : i32 to vector<16xi32>
      %lt3A_644 = arith.cmpi slt, %add3A_642, %lt3A_643 : vector<16xi32>
      %shift_right_arithmetic3A_645 = arith.constant 18 : i32
      %shift_right_arithmetic3A_646 = vector.broadcast %shift_right_arithmetic3A_645 : i32 to vector<16xi32>
      %shift_right_arithmetic3A_647 = arith.shrsi %get3A_638, %shift_right_arithmetic3A_646 : vector<16xi32>
      %and3A_648 = arith.constant 262143 : i32
      %and3A_649 = vector.broadcast %and3A_648 : i32 to vector<16xi32>
      %and3A_650 = arith.andi %get3A_638, %and3A_649 : vector<16xi32>
      %sub3A = vector.broadcast %multiple_of3A : i32 to vector<16xi32>
      %sub3A_651 = arith.subi %and3A_650, %sub3A : vector<16xi32>
      %ge3A = arith.constant 0 : i32
      %ge3A_652 = vector.broadcast %ge3A : i32 to vector<16xi32>
      %ge3A_653 = arith.cmpi sge, %sub3A_651, %ge3A_652 : vector<16xi32>
      %and3A_654 = arith.andi %lt3A_644, %ge3A_653 : vector<16xi1>
      %lt3A_655 = arith.constant 12544 : i32
      %lt3A_656 = vector.broadcast %lt3A_655 : i32 to vector<16xi32>
      %lt3A_657 = arith.cmpi slt, %sub3A_651, %lt3A_656 : vector<16xi32>
      %and3A_658 = arith.andi %and3A_654, %lt3A_657 : vector<16xi1>
      %jit3A = arith.constant 0 : i32
      %jit3A_659 = arith.constant 12543 : i32
      %max3A = vector.broadcast %jit3A : i32 to vector<16xi32>
      %max3A_660 = arith.maxsi %max3A, %sub3A_651 : vector<16xi32>
      %min3A_661 = vector.broadcast %jit3A_659 : i32 to vector<16xi32>
      %min3A_662 = arith.minsi %min3A_661, %max3A_660 : vector<16xi32>
      %get3A_663 = arith.index_cast %mul3A_637 : i32 to index
      %get3A_664 = tpu.vector_load %arg17[%get3A_663] {strides = array<i32>} : memref<1040xf32, #tpu.memory_space<vmem>>, vector<16xf32>,
      tpu.vector_store_idx %arg7[%shift_right_arithmetic3A_647, %min3A_662], %get3A_664 masked %and3A_658 {add = true} : memref<8x12544xf32, #tpu.memory_space<vmem>>[vector<16xi32>, vector<16xi32>], vector<16xf32>, vector<16xi1>
    }
    %while3A_546 = arith.constant 1 : i32
    scf.for %while3A_635 = %while3A_544 to %while3A_540 step %while3A_546  : i32 {
      %mul3A_636 = arith.constant 16 : i32
      %mul3A_637 = arith.muli %while3A_635, %mul3A_636 : i32
      %get3A = arith.index_cast %mul3A_637 : i32 to index
      %get3A_638 = tpu.vector_load %arg16[%get3A] {strides = array<i32>} : memref<1040xi32, #tpu.memory_space<vmem>>, vector<16xi32>,
      %mul3A_639 = arith.constant 16 : i32
      %mul3A_640 = arith.muli %while3A_635, %mul3A_639 : i32
      %add3A_641 = vector.broadcast %mul3A_640 : i32 to vector<16xi32>
      %add3A_642 = arith.addi %add3A_641, %iota3A : vector<16xi32>
      %lt3A_643 = vector.broadcast %scan3A_526 : i32 to vector<16xi32>
      %lt3A_644 = arith.cmpi slt, %add3A_642, %lt3A_643 : vector<16xi32>
      %shift_right_arithmetic3A_645 = arith.constant 18 : i32
      %shift_right_arithmetic3A_646 = vector.broadcast %shift_right_arithmetic3A_645 : i32 to vector<16xi32>
      %shift_right_arithmetic3A_647 = arith.shrsi %get3A_638, %shift_right_arithmetic3A_646 : vector<16xi32>
      %and3A_648 = arith.constant 262143 : i32
      %and3A_649 = vector.broadcast %and3A_648 : i32 to vector<16xi32>
      %and3A_650 = arith.andi %get3A_638, %and3A_649 : vector<16xi32>
      %sub3A = vector.broadcast %multiple_of3A : i32 to vector<16xi32>
      %sub3A_651 = arith.subi %and3A_650, %sub3A : vector<16xi32>
      %ge3A = arith.constant 0 : i32
      %ge3A_652 = vector.broadcast %ge3A : i32 to vector<16xi32>
      %ge3A_653 = arith.cmpi sge, %sub3A_651, %ge3A_652 : vector<16xi32>
      %and3A_654 = arith.andi %lt3A_644, %ge3A_653 : vector<16xi1>
      %lt3A_655 = arith.constant 12544 : i32
      %lt3A_656 = vector.broadcast %lt3A_655 : i32 to vector<16xi32>
      %lt3A_657 = arith.cmpi slt, %sub3A_651, %lt3A_656 : vector<16xi32>
      %and3A_658 = arith.andi %and3A_654, %lt3A_657 : vector<16xi1>
      %jit3A = arith.constant 0 : i32
      %jit3A_659 = arith.constant 12543 : i32
      %max3A = vector.broadcast %jit3A : i32 to vector<16xi32>
      %max3A_660 = arith.maxsi %max3A, %sub3A_651 : vector<16xi32>
      %min3A_661 = vector.broadcast %jit3A_659 : i32 to vector<16xi32>
      %min3A_662 = arith.minsi %min3A_661, %max3A_660 : vector<16xi32>
      %get3A_663 = arith.index_cast %mul3A_637 : i32 to index
      %get3A_664 = tpu.vector_load %arg17[%get3A_663] {strides = array<i32>} : memref<1040xf32, #tpu.memory_space<vmem>>, vector<16xf32>,
      tpu.vector_store_idx %arg7[%shift_right_arithmetic3A_647, %min3A_662], %get3A_664 masked %and3A_658 {add = true} : memref<8x12544xf32, #tpu.memory_space<vmem>>[vector<16xi32>, vector<16xi32>], vector<16xf32>, vector<16xi1>
    }
    "tpu.region"() ({
      %run_scoped3A = tpu.sem_alloc : memref<!tpu.dma_semaphore, #tpu.memory_space<semaphore_mem>>
      %dma_start3A_635 = tpu.memref_slice %arg6[%mul3A_4, %multiple_of3A] : memref<64x199999xf32, #tpu.memory_space<hbm>> -> memref<8x12544xf32, #tpu.memory_space<hbm>>
      %dma_start3A_636 = tpu.memref_slice %arg6[%mul3A_4, %multiple_of3A] : memref<64x199999xf32, #tpu.memory_space<hbm>> -> memref<8x12544xf32, #tpu.memory_space<hbm>>
      tpu.enqueue_dma source(%arg7 : memref<8x12544xf32, #tpu.memory_space<vmem>>) target(%dma_start3A_636 : memref<8x12544xf32, #tpu.memory_space<hbm>>) target_semaphore(%run_scoped3A : memref<!tpu.dma_semaphore, #tpu.memory_space<semaphore_mem>>)
      %dma_wait3A_637 = tpu.memref_slice %arg6[%mul3A_4, %multiple_of3A] : memref<64x199999xf32, #tpu.memory_space<hbm>> -> memref<8x12544xf32, #tpu.memory_space<hbm>>
      %dma_wait3A_638 = tpu.memref_slice %arg6[%mul3A_4, %multiple_of3A] : memref<64x199999xf32, #tpu.memory_space<hbm>> -> memref<8x12544xf32, #tpu.memory_space<hbm>>
      tpu.wait_dma2 semaphore(%run_scoped3A : memref<!tpu.dma_semaphore, #tpu.memory_space<semaphore_mem>>) src(%arg7 : memref<8x12544xf32, #tpu.memory_space<vmem>>) dst(%dma_wait3A_638 : memref<8x12544xf32, #tpu.memory_space<hbm>>)
      tpu.yield
    }) : () -> ()
    %while3A_547 = arith.constant 0 : i32
    %while3A_548 = arith.constant 0 : i32
    %while3A_549 = arith.subi %shift_right_arithmetic3A_531, %while3A_548 : i32
    %while3A_550 = arith.addi %while3A_548, %while3A_549 : i32
    %while3A_551 = arith.constant 1 : i32
    %while3A_552 = arith.divsi %while3A_549, %while3A_551 : i32
    %while3A_553 = arith.muli %while3A_552, %while3A_551 : i32
    %while3A_554 = arith.addi %while3A_548, %while3A_553 : i32
    %while3A_555 = arith.constant 1 : i32
    scf.for %while3A_635 = %while3A_548 to %while3A_554 step %while3A_555  : i32 {
      %mul3A_636 = arith.constant 16 : i32
      %mul3A_637 = arith.muli %while3A_635, %mul3A_636 : i32
      %get3A = arith.index_cast %mul3A_637 : i32 to index
      %get3A_638 = tpu.vector_load %arg16[%get3A] {strides = array<i32>} : memref<1040xi32, #tpu.memory_space<vmem>>, vector<16xi32>,
      %mul3A_639 = arith.constant 16 : i32
      %mul3A_640 = arith.muli %while3A_635, %mul3A_639 : i32
      %add3A_641 = vector.broadcast %mul3A_640 : i32 to vector<16xi32>
      %add3A_642 = arith.addi %add3A_641, %iota3A : vector<16xi32>
      %lt3A_643 = vector.broadcast %scan3A_526 : i32 to vector<16xi32>
      %lt3A_644 = arith.cmpi slt, %add3A_642, %lt3A_643 : vector<16xi32>
      %shift_right_arithmetic3A_645 = arith.constant 18 : i32
      %shift_right_arithmetic3A_646 = vector.broadcast %shift_right_arithmetic3A_645 : i32 to vector<16xi32>
      %shift_right_arithmetic3A_647 = arith.shrsi %get3A_638, %shift_right_arithmetic3A_646 : vector<16xi32>
      %and3A_648 = arith.constant 262143 : i32
      %and3A_649 = vector.broadcast %and3A_648 : i32 to vector<16xi32>
      %and3A_650 = arith.andi %get3A_638, %and3A_649 : vector<16xi32>
      %sub3A = vector.broadcast %multiple_of3A : i32 to vector<16xi32>
      %sub3A_651 = arith.subi %and3A_650, %sub3A : vector<16xi32>
      %ge3A = arith.constant 0 : i32
      %ge3A_652 = vector.broadcast %ge3A : i32 to vector<16xi32>
      %ge3A_653 = arith.cmpi sge, %sub3A_651, %ge3A_652 : vector<16xi32>
      %and3A_654 = arith.andi %lt3A_644, %ge3A_653 : vector<16xi1>
      %lt3A_655 = arith.constant 12544 : i32
      %lt3A_656 = vector.broadcast %lt3A_655 : i32 to vector<16xi32>
      %lt3A_657 = arith.cmpi slt, %sub3A_651, %lt3A_656 : vector<16xi32>
      %and3A_658 = arith.andi %and3A_654, %lt3A_657 : vector<16xi1>
      %jit3A = arith.constant 0 : i32
      %jit3A_659 = arith.constant 12543 : i32
      %max3A = vector.broadcast %jit3A : i32 to vector<16xi32>
      %max3A_660 = arith.maxsi %max3A, %sub3A_651 : vector<16xi32>
      %min3A_661 = vector.broadcast %jit3A_659 : i32 to vector<16xi32>
      %min3A_662 = arith.minsi %min3A_661, %max3A_660 : vector<16xi32>
      tpu.vector_store_idx %arg7[%shift_right_arithmetic3A_647, %min3A_662], %broadcast_in_dim3A_7 masked %and3A_658 : memref<8x12544xf32, #tpu.memory_space<vmem>>[vector<16xi32>, vector<16xi32>], vector<16xf32>, vector<16xi1>
    }
    %while3A_556 = arith.constant 1 : i32
    scf.for %while3A_635 = %while3A_554 to %while3A_550 step %while3A_556  : i32 {
      %mul3A_636 = arith.constant 16 : i32
      %mul3A_637 = arith.muli %while3A_635, %mul3A_636 : i32
      %get3A = arith.index_cast %mul3A_637 : i32 to index
      %get3A_638 = tpu.vector_load %arg16[%get3A] {strides = array<i32>} : memref<1040xi32, #tpu.memory_space<vmem>>, vector<16xi32>,
      %mul3A_639 = arith.constant 16 : i32
      %mul3A_640 = arith.muli %while3A_635, %mul3A_639 : i32
      %add3A_641 = vector.broadcast %mul3A_640 : i32 to vector<16xi32>
      %add3A_642 = arith.addi %add3A_641, %iota3A : vector<16xi32>
      %lt3A_643 = vector.broadcast %scan3A_526 : i32 to vector<16xi32>
      %lt3A_644 = arith.cmpi slt, %add3A_642, %lt3A_643 : vector<16xi32>
      %shift_right_arithmetic3A_645 = arith.constant 18 : i32
      %shift_right_arithmetic3A_646 = vector.broadcast %shift_right_arithmetic3A_645 : i32 to vector<16xi32>
      %shift_right_arithmetic3A_647 = arith.shrsi %get3A_638, %shift_right_arithmetic3A_646 : vector<16xi32>
      %and3A_648 = arith.constant 262143 : i32
      %and3A_649 = vector.broadcast %and3A_648 : i32 to vector<16xi32>
      %and3A_650 = arith.andi %get3A_638, %and3A_649 : vector<16xi32>
      %sub3A = vector.broadcast %multiple_of3A : i32 to vector<16xi32>
      %sub3A_651 = arith.subi %and3A_650, %sub3A : vector<16xi32>
      %ge3A = arith.constant 0 : i32
      %ge3A_652 = vector.broadcast %ge3A : i32 to vector<16xi32>
      %ge3A_653 = arith.cmpi sge, %sub3A_651, %ge3A_652 : vector<16xi32>
      %and3A_654 = arith.andi %lt3A_644, %ge3A_653 : vector<16xi1>
      %lt3A_655 = arith.constant 12544 : i32
      %lt3A_656 = vector.broadcast %lt3A_655 : i32 to vector<16xi32>
      %lt3A_657 = arith.cmpi slt, %sub3A_651, %lt3A_656 : vector<16xi32>
      %and3A_658 = arith.andi %and3A_654, %lt3A_657 : vector<16xi1>
      %jit3A = arith.constant 0 : i32
      %jit3A_659 = arith.constant 12543 : i32
      %max3A = vector.broadcast %jit3A : i32 to vector<16xi32>
      %max3A_660 = arith.maxsi %max3A, %sub3A_651 : vector<16xi32>
      %min3A_661 = vector.broadcast %jit3A_659 : i32 to vector<16xi32>
      %min3A_662 = arith.minsi %min3A_661, %max3A_660 : vector<16xi32>
      tpu.vector_store_idx %arg7[%shift_right_arithmetic3A_647, %min3A_662], %broadcast_in_dim3A_7 masked %and3A_658 : memref<8x12544xf32, #tpu.memory_space<vmem>>[vector<16xi32>, vector<16xi32>], vector<16xf32>, vector<16xi1>
    }
    %mul3A_557 = arith.constant 4 : i32
    %mul3A_558 = arith.muli %and3A_2, %mul3A_557 : i32
    %add3A_559 = arith.constant 1 : i32
    %add3A_560 = arith.addi %mul3A_558, %add3A_559 : i32
    %mul3A_561 = arith.constant 12544 : i32
    %mul3A_562 = arith.muli %add3A_560, %mul3A_561 : i32
    %multiple_of3A_563 = tpu.assume_multiple %mul3A_562, 128 : i32
    %while3A_564 = arith.constant 0 : i32
    %while3A_565 = arith.constant 0 : i32
    %while3A_566 = arith.subi %shift_right_arithmetic3A_531, %while3A_565 : i32
    %while3A_567 = arith.addi %while3A_565, %while3A_566 : i32
    %while3A_568 = arith.constant 1 : i32
    %while3A_569 = arith.divsi %while3A_566, %while3A_568 : i32
    %while3A_570 = arith.muli %while3A_569, %while3A_568 : i32
    %while3A_571 = arith.addi %while3A_565, %while3A_570 : i32
    %while3A_572 = arith.constant 1 : i32
    scf.for %while3A_635 = %while3A_565 to %while3A_571 step %while3A_572  : i32 {
      %mul3A_636 = arith.constant 16 : i32
      %mul3A_637 = arith.muli %while3A_635, %mul3A_636 : i32
      %get3A = arith.index_cast %mul3A_637 : i32 to index
      %get3A_638 = tpu.vector_load %arg16[%get3A] {strides = array<i32>} : memref<1040xi32, #tpu.memory_space<vmem>>, vector<16xi32>,
      %mul3A_639 = arith.constant 16 : i32
      %mul3A_640 = arith.muli %while3A_635, %mul3A_639 : i32
      %add3A_641 = vector.broadcast %mul3A_640 : i32 to vector<16xi32>
      %add3A_642 = arith.addi %add3A_641, %iota3A : vector<16xi32>
      %lt3A_643 = vector.broadcast %scan3A_526 : i32 to vector<16xi32>
      %lt3A_644 = arith.cmpi slt, %add3A_642, %lt3A_643 : vector<16xi32>
      %shift_right_arithmetic3A_645 = arith.constant 18 : i32
      %shift_right_arithmetic3A_646 = vector.broadcast %shift_right_arithmetic3A_645 : i32 to vector<16xi32>
      %shift_right_arithmetic3A_647 = arith.shrsi %get3A_638, %shift_right_arithmetic3A_646 : vector<16xi32>
      %and3A_648 = arith.constant 262143 : i32
      %and3A_649 = vector.broadcast %and3A_648 : i32 to vector<16xi32>
      %and3A_650 = arith.andi %get3A_638, %and3A_649 : vector<16xi32>
      %sub3A = vector.broadcast %multiple_of3A_563 : i32 to vector<16xi32>
      %sub3A_651 = arith.subi %and3A_650, %sub3A : vector<16xi32>
      %ge3A = arith.constant 0 : i32
      %ge3A_652 = vector.broadcast %ge3A : i32 to vector<16xi32>
      %ge3A_653 = arith.cmpi sge, %sub3A_651, %ge3A_652 : vector<16xi32>
      %and3A_654 = arith.andi %lt3A_644, %ge3A_653 : vector<16xi1>
      %lt3A_655 = arith.constant 12544 : i32
      %lt3A_656 = vector.broadcast %lt3A_655 : i32 to vector<16xi32>
      %lt3A_657 = arith.cmpi slt, %sub3A_651, %lt3A_656 : vector<16xi32>
      %and3A_658 = arith.andi %and3A_654, %lt3A_657 : vector<16xi1>
      %jit3A = arith.constant 0 : i32
      %jit3A_659 = arith.constant 12543 : i32
      %max3A = vector.broadcast %jit3A : i32 to vector<16xi32>
      %max3A_660 = arith.maxsi %max3A, %sub3A_651 : vector<16xi32>
      %min3A_661 = vector.broadcast %jit3A_659 : i32 to vector<16xi32>
      %min3A_662 = arith.minsi %min3A_661, %max3A_660 : vector<16xi32>
      %get3A_663 = arith.index_cast %mul3A_637 : i32 to index
      %get3A_664 = tpu.vector_load %arg17[%get3A_663] {strides = array<i32>} : memref<1040xf32, #tpu.memory_space<vmem>>, vector<16xf32>,
      tpu.vector_store_idx %arg7[%shift_right_arithmetic3A_647, %min3A_662], %get3A_664 masked %and3A_658 {add = true} : memref<8x12544xf32, #tpu.memory_space<vmem>>[vector<16xi32>, vector<16xi32>], vector<16xf32>, vector<16xi1>
    }
    %while3A_573 = arith.constant 1 : i32
    scf.for %while3A_635 = %while3A_571 to %while3A_567 step %while3A_573  : i32 {
      %mul3A_636 = arith.constant 16 : i32
      %mul3A_637 = arith.muli %while3A_635, %mul3A_636 : i32
      %get3A = arith.index_cast %mul3A_637 : i32 to index
      %get3A_638 = tpu.vector_load %arg16[%get3A] {strides = array<i32>} : memref<1040xi32, #tpu.memory_space<vmem>>, vector<16xi32>,
      %mul3A_639 = arith.constant 16 : i32
      %mul3A_640 = arith.muli %while3A_635, %mul3A_639 : i32
      %add3A_641 = vector.broadcast %mul3A_640 : i32 to vector<16xi32>
      %add3A_642 = arith.addi %add3A_641, %iota3A : vector<16xi32>
      %lt3A_643 = vector.broadcast %scan3A_526 : i32 to vector<16xi32>
      %lt3A_644 = arith.cmpi slt, %add3A_642, %lt3A_643 : vector<16xi32>
      %shift_right_arithmetic3A_645 = arith.constant 18 : i32
      %shift_right_arithmetic3A_646 = vector.broadcast %shift_right_arithmetic3A_645 : i32 to vector<16xi32>
      %shift_right_arithmetic3A_647 = arith.shrsi %get3A_638, %shift_right_arithmetic3A_646 : vector<16xi32>
      %and3A_648 = arith.constant 262143 : i32
      %and3A_649 = vector.broadcast %and3A_648 : i32 to vector<16xi32>
      %and3A_650 = arith.andi %get3A_638, %and3A_649 : vector<16xi32>
      %sub3A = vector.broadcast %multiple_of3A_563 : i32 to vector<16xi32>
      %sub3A_651 = arith.subi %and3A_650, %sub3A : vector<16xi32>
      %ge3A = arith.constant 0 : i32
      %ge3A_652 = vector.broadcast %ge3A : i32 to vector<16xi32>
      %ge3A_653 = arith.cmpi sge, %sub3A_651, %ge3A_652 : vector<16xi32>
      %and3A_654 = arith.andi %lt3A_644, %ge3A_653 : vector<16xi1>
      %lt3A_655 = arith.constant 12544 : i32
      %lt3A_656 = vector.broadcast %lt3A_655 : i32 to vector<16xi32>
      %lt3A_657 = arith.cmpi slt, %sub3A_651, %lt3A_656 : vector<16xi32>
      %and3A_658 = arith.andi %and3A_654, %lt3A_657 : vector<16xi1>
      %jit3A = arith.constant 0 : i32
      %jit3A_659 = arith.constant 12543 : i32
      %max3A = vector.broadcast %jit3A : i32 to vector<16xi32>
      %max3A_660 = arith.maxsi %max3A, %sub3A_651 : vector<16xi32>
      %min3A_661 = vector.broadcast %jit3A_659 : i32 to vector<16xi32>
      %min3A_662 = arith.minsi %min3A_661, %max3A_660 : vector<16xi32>
      %get3A_663 = arith.index_cast %mul3A_637 : i32 to index
      %get3A_664 = tpu.vector_load %arg17[%get3A_663] {strides = array<i32>} : memref<1040xf32, #tpu.memory_space<vmem>>, vector<16xf32>,
      tpu.vector_store_idx %arg7[%shift_right_arithmetic3A_647, %min3A_662], %get3A_664 masked %and3A_658 {add = true} : memref<8x12544xf32, #tpu.memory_space<vmem>>[vector<16xi32>, vector<16xi32>], vector<16xf32>, vector<16xi1>
    }
    "tpu.region"() ({
      %run_scoped3A = tpu.sem_alloc : memref<!tpu.dma_semaphore, #tpu.memory_space<semaphore_mem>>
      %dma_start3A_635 = tpu.memref_slice %arg6[%mul3A_4, %multiple_of3A_563] : memref<64x199999xf32, #tpu.memory_space<hbm>> -> memref<8x12544xf32, #tpu.memory_space<hbm>>
      %dma_start3A_636 = tpu.memref_slice %arg6[%mul3A_4, %multiple_of3A_563] : memref<64x199999xf32, #tpu.memory_space<hbm>> -> memref<8x12544xf32, #tpu.memory_space<hbm>>
      tpu.enqueue_dma source(%arg7 : memref<8x12544xf32, #tpu.memory_space<vmem>>) target(%dma_start3A_636 : memref<8x12544xf32, #tpu.memory_space<hbm>>) target_semaphore(%run_scoped3A : memref<!tpu.dma_semaphore, #tpu.memory_space<semaphore_mem>>)
      %dma_wait3A_637 = tpu.memref_slice %arg6[%mul3A_4, %multiple_of3A_563] : memref<64x199999xf32, #tpu.memory_space<hbm>> -> memref<8x12544xf32, #tpu.memory_space<hbm>>
      %dma_wait3A_638 = tpu.memref_slice %arg6[%mul3A_4, %multiple_of3A_563] : memref<64x199999xf32, #tpu.memory_space<hbm>> -> memref<8x12544xf32, #tpu.memory_space<hbm>>
      tpu.wait_dma2 semaphore(%run_scoped3A : memref<!tpu.dma_semaphore, #tpu.memory_space<semaphore_mem>>) src(%arg7 : memref<8x12544xf32, #tpu.memory_space<vmem>>) dst(%dma_wait3A_638 : memref<8x12544xf32, #tpu.memory_space<hbm>>)
      tpu.yield
    }) : () -> ()
    %while3A_574 = arith.constant 0 : i32
    %while3A_575 = arith.constant 0 : i32
    %while3A_576 = arith.subi %shift_right_arithmetic3A_531, %while3A_575 : i32
    %while3A_577 = arith.addi %while3A_575, %while3A_576 : i32
    %while3A_578 = arith.constant 1 : i32
    %while3A_579 = arith.divsi %while3A_576, %while3A_578 : i32
    %while3A_580 = arith.muli %while3A_579, %while3A_578 : i32
    %while3A_581 = arith.addi %while3A_575, %while3A_580 : i32
    %while3A_582 = arith.constant 1 : i32
    scf.for %while3A_635 = %while3A_575 to %while3A_581 step %while3A_582  : i32 {
      %mul3A_636 = arith.constant 16 : i32
      %mul3A_637 = arith.muli %while3A_635, %mul3A_636 : i32
      %get3A = arith.index_cast %mul3A_637 : i32 to index
      %get3A_638 = tpu.vector_load %arg16[%get3A] {strides = array<i32>} : memref<1040xi32, #tpu.memory_space<vmem>>, vector<16xi32>,
      %mul3A_639 = arith.constant 16 : i32
      %mul3A_640 = arith.muli %while3A_635, %mul3A_639 : i32
      %add3A_641 = vector.broadcast %mul3A_640 : i32 to vector<16xi32>
      %add3A_642 = arith.addi %add3A_641, %iota3A : vector<16xi32>
      %lt3A_643 = vector.broadcast %scan3A_526 : i32 to vector<16xi32>
      %lt3A_644 = arith.cmpi slt, %add3A_642, %lt3A_643 : vector<16xi32>
      %shift_right_arithmetic3A_645 = arith.constant 18 : i32
      %shift_right_arithmetic3A_646 = vector.broadcast %shift_right_arithmetic3A_645 : i32 to vector<16xi32>
      %shift_right_arithmetic3A_647 = arith.shrsi %get3A_638, %shift_right_arithmetic3A_646 : vector<16xi32>
      %and3A_648 = arith.constant 262143 : i32
      %and3A_649 = vector.broadcast %and3A_648 : i32 to vector<16xi32>
      %and3A_650 = arith.andi %get3A_638, %and3A_649 : vector<16xi32>
      %sub3A = vector.broadcast %multiple_of3A_563 : i32 to vector<16xi32>
      %sub3A_651 = arith.subi %and3A_650, %sub3A : vector<16xi32>
      %ge3A = arith.constant 0 : i32
      %ge3A_652 = vector.broadcast %ge3A : i32 to vector<16xi32>
      %ge3A_653 = arith.cmpi sge, %sub3A_651, %ge3A_652 : vector<16xi32>
      %and3A_654 = arith.andi %lt3A_644, %ge3A_653 : vector<16xi1>
      %lt3A_655 = arith.constant 12544 : i32
      %lt3A_656 = vector.broadcast %lt3A_655 : i32 to vector<16xi32>
      %lt3A_657 = arith.cmpi slt, %sub3A_651, %lt3A_656 : vector<16xi32>
      %and3A_658 = arith.andi %and3A_654, %lt3A_657 : vector<16xi1>
      %jit3A = arith.constant 0 : i32
      %jit3A_659 = arith.constant 12543 : i32
      %max3A = vector.broadcast %jit3A : i32 to vector<16xi32>
      %max3A_660 = arith.maxsi %max3A, %sub3A_651 : vector<16xi32>
      %min3A_661 = vector.broadcast %jit3A_659 : i32 to vector<16xi32>
      %min3A_662 = arith.minsi %min3A_661, %max3A_660 : vector<16xi32>
      tpu.vector_store_idx %arg7[%shift_right_arithmetic3A_647, %min3A_662], %broadcast_in_dim3A_7 masked %and3A_658 : memref<8x12544xf32, #tpu.memory_space<vmem>>[vector<16xi32>, vector<16xi32>], vector<16xf32>, vector<16xi1>
    }
    %while3A_583 = arith.constant 1 : i32
    scf.for %while3A_635 = %while3A_581 to %while3A_577 step %while3A_583  : i32 {
      %mul3A_636 = arith.constant 16 : i32
      %mul3A_637 = arith.muli %while3A_635, %mul3A_636 : i32
      %get3A = arith.index_cast %mul3A_637 : i32 to index
      %get3A_638 = tpu.vector_load %arg16[%get3A] {strides = array<i32>} : memref<1040xi32, #tpu.memory_space<vmem>>, vector<16xi32>,
      %mul3A_639 = arith.constant 16 : i32
      %mul3A_640 = arith.muli %while3A_635, %mul3A_639 : i32
      %add3A_641 = vector.broadcast %mul3A_640 : i32 to vector<16xi32>
      %add3A_642 = arith.addi %add3A_641, %iota3A : vector<16xi32>
      %lt3A_643 = vector.broadcast %scan3A_526 : i32 to vector<16xi32>
      %lt3A_644 = arith.cmpi slt, %add3A_642, %lt3A_643 : vector<16xi32>
      %shift_right_arithmetic3A_645 = arith.constant 18 : i32
      %shift_right_arithmetic3A_646 = vector.broadcast %shift_right_arithmetic3A_645 : i32 to vector<16xi32>
      %shift_right_arithmetic3A_647 = arith.shrsi %get3A_638, %shift_right_arithmetic3A_646 : vector<16xi32>
      %and3A_648 = arith.constant 262143 : i32
      %and3A_649 = vector.broadcast %and3A_648 : i32 to vector<16xi32>
      %and3A_650 = arith.andi %get3A_638, %and3A_649 : vector<16xi32>
      %sub3A = vector.broadcast %multiple_of3A_563 : i32 to vector<16xi32>
      %sub3A_651 = arith.subi %and3A_650, %sub3A : vector<16xi32>
      %ge3A = arith.constant 0 : i32
      %ge3A_652 = vector.broadcast %ge3A : i32 to vector<16xi32>
      %ge3A_653 = arith.cmpi sge, %sub3A_651, %ge3A_652 : vector<16xi32>
      %and3A_654 = arith.andi %lt3A_644, %ge3A_653 : vector<16xi1>
      %lt3A_655 = arith.constant 12544 : i32
      %lt3A_656 = vector.broadcast %lt3A_655 : i32 to vector<16xi32>
      %lt3A_657 = arith.cmpi slt, %sub3A_651, %lt3A_656 : vector<16xi32>
      %and3A_658 = arith.andi %and3A_654, %lt3A_657 : vector<16xi1>
      %jit3A = arith.constant 0 : i32
      %jit3A_659 = arith.constant 12543 : i32
      %max3A = vector.broadcast %jit3A : i32 to vector<16xi32>
      %max3A_660 = arith.maxsi %max3A, %sub3A_651 : vector<16xi32>
      %min3A_661 = vector.broadcast %jit3A_659 : i32 to vector<16xi32>
      %min3A_662 = arith.minsi %min3A_661, %max3A_660 : vector<16xi32>
      tpu.vector_store_idx %arg7[%shift_right_arithmetic3A_647, %min3A_662], %broadcast_in_dim3A_7 masked %and3A_658 : memref<8x12544xf32, #tpu.memory_space<vmem>>[vector<16xi32>, vector<16xi32>], vector<16xf32>, vector<16xi1>
    }
    %mul3A_584 = arith.constant 4 : i32
    %mul3A_585 = arith.muli %and3A_2, %mul3A_584 : i32
    %add3A_586 = arith.constant 2 : i32
    %add3A_587 = arith.addi %mul3A_585, %add3A_586 : i32
    %mul3A_588 = arith.constant 12544 : i32
    %mul3A_589 = arith.muli %add3A_587, %mul3A_588 : i32
    %multiple_of3A_590 = tpu.assume_multiple %mul3A_589, 128 : i32
    %while3A_591 = arith.constant 0 : i32
    %while3A_592 = arith.constant 0 : i32
    %while3A_593 = arith.subi %shift_right_arithmetic3A_531, %while3A_592 : i32
    %while3A_594 = arith.addi %while3A_592, %while3A_593 : i32
    %while3A_595 = arith.constant 1 : i32
    %while3A_596 = arith.divsi %while3A_593, %while3A_595 : i32
    %while3A_597 = arith.muli %while3A_596, %while3A_595 : i32
    %while3A_598 = arith.addi %while3A_592, %while3A_597 : i32
    %while3A_599 = arith.constant 1 : i32
    scf.for %while3A_635 = %while3A_592 to %while3A_598 step %while3A_599  : i32 {
      %mul3A_636 = arith.constant 16 : i32
      %mul3A_637 = arith.muli %while3A_635, %mul3A_636 : i32
      %get3A = arith.index_cast %mul3A_637 : i32 to index
      %get3A_638 = tpu.vector_load %arg16[%get3A] {strides = array<i32>} : memref<1040xi32, #tpu.memory_space<vmem>>, vector<16xi32>,
      %mul3A_639 = arith.constant 16 : i32
      %mul3A_640 = arith.muli %while3A_635, %mul3A_639 : i32
      %add3A_641 = vector.broadcast %mul3A_640 : i32 to vector<16xi32>
      %add3A_642 = arith.addi %add3A_641, %iota3A : vector<16xi32>
      %lt3A_643 = vector.broadcast %scan3A_526 : i32 to vector<16xi32>
      %lt3A_644 = arith.cmpi slt, %add3A_642, %lt3A_643 : vector<16xi32>
      %shift_right_arithmetic3A_645 = arith.constant 18 : i32
      %shift_right_arithmetic3A_646 = vector.broadcast %shift_right_arithmetic3A_645 : i32 to vector<16xi32>
      %shift_right_arithmetic3A_647 = arith.shrsi %get3A_638, %shift_right_arithmetic3A_646 : vector<16xi32>
      %and3A_648 = arith.constant 262143 : i32
      %and3A_649 = vector.broadcast %and3A_648 : i32 to vector<16xi32>
      %and3A_650 = arith.andi %get3A_638, %and3A_649 : vector<16xi32>
      %sub3A = vector.broadcast %multiple_of3A_590 : i32 to vector<16xi32>
      %sub3A_651 = arith.subi %and3A_650, %sub3A : vector<16xi32>
      %ge3A = arith.constant 0 : i32
      %ge3A_652 = vector.broadcast %ge3A : i32 to vector<16xi32>
      %ge3A_653 = arith.cmpi sge, %sub3A_651, %ge3A_652 : vector<16xi32>
      %and3A_654 = arith.andi %lt3A_644, %ge3A_653 : vector<16xi1>
      %lt3A_655 = arith.constant 12544 : i32
      %lt3A_656 = vector.broadcast %lt3A_655 : i32 to vector<16xi32>
      %lt3A_657 = arith.cmpi slt, %sub3A_651, %lt3A_656 : vector<16xi32>
      %and3A_658 = arith.andi %and3A_654, %lt3A_657 : vector<16xi1>
      %jit3A = arith.constant 0 : i32
      %jit3A_659 = arith.constant 12543 : i32
      %max3A = vector.broadcast %jit3A : i32 to vector<16xi32>
      %max3A_660 = arith.maxsi %max3A, %sub3A_651 : vector<16xi32>
      %min3A_661 = vector.broadcast %jit3A_659 : i32 to vector<16xi32>
      %min3A_662 = arith.minsi %min3A_661, %max3A_660 : vector<16xi32>
      %get3A_663 = arith.index_cast %mul3A_637 : i32 to index
      %get3A_664 = tpu.vector_load %arg17[%get3A_663] {strides = array<i32>} : memref<1040xf32, #tpu.memory_space<vmem>>, vector<16xf32>,
      tpu.vector_store_idx %arg7[%shift_right_arithmetic3A_647, %min3A_662], %get3A_664 masked %and3A_658 {add = true} : memref<8x12544xf32, #tpu.memory_space<vmem>>[vector<16xi32>, vector<16xi32>], vector<16xf32>, vector<16xi1>
    }
    %while3A_600 = arith.constant 1 : i32
    scf.for %while3A_635 = %while3A_598 to %while3A_594 step %while3A_600  : i32 {
      %mul3A_636 = arith.constant 16 : i32
      %mul3A_637 = arith.muli %while3A_635, %mul3A_636 : i32
      %get3A = arith.index_cast %mul3A_637 : i32 to index
      %get3A_638 = tpu.vector_load %arg16[%get3A] {strides = array<i32>} : memref<1040xi32, #tpu.memory_space<vmem>>, vector<16xi32>,
      %mul3A_639 = arith.constant 16 : i32
      %mul3A_640 = arith.muli %while3A_635, %mul3A_639 : i32
      %add3A_641 = vector.broadcast %mul3A_640 : i32 to vector<16xi32>
      %add3A_642 = arith.addi %add3A_641, %iota3A : vector<16xi32>
      %lt3A_643 = vector.broadcast %scan3A_526 : i32 to vector<16xi32>
      %lt3A_644 = arith.cmpi slt, %add3A_642, %lt3A_643 : vector<16xi32>
      %shift_right_arithmetic3A_645 = arith.constant 18 : i32
      %shift_right_arithmetic3A_646 = vector.broadcast %shift_right_arithmetic3A_645 : i32 to vector<16xi32>
      %shift_right_arithmetic3A_647 = arith.shrsi %get3A_638, %shift_right_arithmetic3A_646 : vector<16xi32>
      %and3A_648 = arith.constant 262143 : i32
      %and3A_649 = vector.broadcast %and3A_648 : i32 to vector<16xi32>
      %and3A_650 = arith.andi %get3A_638, %and3A_649 : vector<16xi32>
      %sub3A = vector.broadcast %multiple_of3A_590 : i32 to vector<16xi32>
      %sub3A_651 = arith.subi %and3A_650, %sub3A : vector<16xi32>
      %ge3A = arith.constant 0 : i32
      %ge3A_652 = vector.broadcast %ge3A : i32 to vector<16xi32>
      %ge3A_653 = arith.cmpi sge, %sub3A_651, %ge3A_652 : vector<16xi32>
      %and3A_654 = arith.andi %lt3A_644, %ge3A_653 : vector<16xi1>
      %lt3A_655 = arith.constant 12544 : i32
      %lt3A_656 = vector.broadcast %lt3A_655 : i32 to vector<16xi32>
      %lt3A_657 = arith.cmpi slt, %sub3A_651, %lt3A_656 : vector<16xi32>
      %and3A_658 = arith.andi %and3A_654, %lt3A_657 : vector<16xi1>
      %jit3A = arith.constant 0 : i32
      %jit3A_659 = arith.constant 12543 : i32
      %max3A = vector.broadcast %jit3A : i32 to vector<16xi32>
      %max3A_660 = arith.maxsi %max3A, %sub3A_651 : vector<16xi32>
      %min3A_661 = vector.broadcast %jit3A_659 : i32 to vector<16xi32>
      %min3A_662 = arith.minsi %min3A_661, %max3A_660 : vector<16xi32>
      %get3A_663 = arith.index_cast %mul3A_637 : i32 to index
      %get3A_664 = tpu.vector_load %arg17[%get3A_663] {strides = array<i32>} : memref<1040xf32, #tpu.memory_space<vmem>>, vector<16xf32>,
      tpu.vector_store_idx %arg7[%shift_right_arithmetic3A_647, %min3A_662], %get3A_664 masked %and3A_658 {add = true} : memref<8x12544xf32, #tpu.memory_space<vmem>>[vector<16xi32>, vector<16xi32>], vector<16xf32>, vector<16xi1>
    }
    "tpu.region"() ({
      %run_scoped3A = tpu.sem_alloc : memref<!tpu.dma_semaphore, #tpu.memory_space<semaphore_mem>>
      %dma_start3A_635 = tpu.memref_slice %arg6[%mul3A_4, %multiple_of3A_590] : memref<64x199999xf32, #tpu.memory_space<hbm>> -> memref<8x12544xf32, #tpu.memory_space<hbm>>
      %dma_start3A_636 = tpu.memref_slice %arg6[%mul3A_4, %multiple_of3A_590] : memref<64x199999xf32, #tpu.memory_space<hbm>> -> memref<8x12544xf32, #tpu.memory_space<hbm>>
      tpu.enqueue_dma source(%arg7 : memref<8x12544xf32, #tpu.memory_space<vmem>>) target(%dma_start3A_636 : memref<8x12544xf32, #tpu.memory_space<hbm>>) target_semaphore(%run_scoped3A : memref<!tpu.dma_semaphore, #tpu.memory_space<semaphore_mem>>)
      %dma_wait3A_637 = tpu.memref_slice %arg6[%mul3A_4, %multiple_of3A_590] : memref<64x199999xf32, #tpu.memory_space<hbm>> -> memref<8x12544xf32, #tpu.memory_space<hbm>>
      %dma_wait3A_638 = tpu.memref_slice %arg6[%mul3A_4, %multiple_of3A_590] : memref<64x199999xf32, #tpu.memory_space<hbm>> -> memref<8x12544xf32, #tpu.memory_space<hbm>>
      tpu.wait_dma2 semaphore(%run_scoped3A : memref<!tpu.dma_semaphore, #tpu.memory_space<semaphore_mem>>) src(%arg7 : memref<8x12544xf32, #tpu.memory_space<vmem>>) dst(%dma_wait3A_638 : memref<8x12544xf32, #tpu.memory_space<hbm>>)
      tpu.yield
    }) : () -> ()
    %while3A_601 = arith.constant 0 : i32
    %while3A_602 = arith.constant 0 : i32
    %while3A_603 = arith.subi %shift_right_arithmetic3A_531, %while3A_602 : i32
    %while3A_604 = arith.addi %while3A_602, %while3A_603 : i32
    %while3A_605 = arith.constant 1 : i32
    %while3A_606 = arith.divsi %while3A_603, %while3A_605 : i32
    %while3A_607 = arith.muli %while3A_606, %while3A_605 : i32
    %while3A_608 = arith.addi %while3A_602, %while3A_607 : i32
    %while3A_609 = arith.constant 1 : i32
    scf.for %while3A_635 = %while3A_602 to %while3A_608 step %while3A_609  : i32 {
      %mul3A_636 = arith.constant 16 : i32
      %mul3A_637 = arith.muli %while3A_635, %mul3A_636 : i32
      %get3A = arith.index_cast %mul3A_637 : i32 to index
      %get3A_638 = tpu.vector_load %arg16[%get3A] {strides = array<i32>} : memref<1040xi32, #tpu.memory_space<vmem>>, vector<16xi32>,
      %mul3A_639 = arith.constant 16 : i32
      %mul3A_640 = arith.muli %while3A_635, %mul3A_639 : i32
      %add3A_641 = vector.broadcast %mul3A_640 : i32 to vector<16xi32>
      %add3A_642 = arith.addi %add3A_641, %iota3A : vector<16xi32>
      %lt3A_643 = vector.broadcast %scan3A_526 : i32 to vector<16xi32>
      %lt3A_644 = arith.cmpi slt, %add3A_642, %lt3A_643 : vector<16xi32>
      %shift_right_arithmetic3A_645 = arith.constant 18 : i32
      %shift_right_arithmetic3A_646 = vector.broadcast %shift_right_arithmetic3A_645 : i32 to vector<16xi32>
      %shift_right_arithmetic3A_647 = arith.shrsi %get3A_638, %shift_right_arithmetic3A_646 : vector<16xi32>
      %and3A_648 = arith.constant 262143 : i32
      %and3A_649 = vector.broadcast %and3A_648 : i32 to vector<16xi32>
      %and3A_650 = arith.andi %get3A_638, %and3A_649 : vector<16xi32>
      %sub3A = vector.broadcast %multiple_of3A_590 : i32 to vector<16xi32>
      %sub3A_651 = arith.subi %and3A_650, %sub3A : vector<16xi32>
      %ge3A = arith.constant 0 : i32
      %ge3A_652 = vector.broadcast %ge3A : i32 to vector<16xi32>
      %ge3A_653 = arith.cmpi sge, %sub3A_651, %ge3A_652 : vector<16xi32>
      %and3A_654 = arith.andi %lt3A_644, %ge3A_653 : vector<16xi1>
      %lt3A_655 = arith.constant 12544 : i32
      %lt3A_656 = vector.broadcast %lt3A_655 : i32 to vector<16xi32>
      %lt3A_657 = arith.cmpi slt, %sub3A_651, %lt3A_656 : vector<16xi32>
      %and3A_658 = arith.andi %and3A_654, %lt3A_657 : vector<16xi1>
      %jit3A = arith.constant 0 : i32
      %jit3A_659 = arith.constant 12543 : i32
      %max3A = vector.broadcast %jit3A : i32 to vector<16xi32>
      %max3A_660 = arith.maxsi %max3A, %sub3A_651 : vector<16xi32>
      %min3A_661 = vector.broadcast %jit3A_659 : i32 to vector<16xi32>
      %min3A_662 = arith.minsi %min3A_661, %max3A_660 : vector<16xi32>
      tpu.vector_store_idx %arg7[%shift_right_arithmetic3A_647, %min3A_662], %broadcast_in_dim3A_7 masked %and3A_658 : memref<8x12544xf32, #tpu.memory_space<vmem>>[vector<16xi32>, vector<16xi32>], vector<16xf32>, vector<16xi1>
    }
    %while3A_610 = arith.constant 1 : i32
    scf.for %while3A_635 = %while3A_608 to %while3A_604 step %while3A_610  : i32 {
      %mul3A_636 = arith.constant 16 : i32
      %mul3A_637 = arith.muli %while3A_635, %mul3A_636 : i32
      %get3A = arith.index_cast %mul3A_637 : i32 to index
      %get3A_638 = tpu.vector_load %arg16[%get3A] {strides = array<i32>} : memref<1040xi32, #tpu.memory_space<vmem>>, vector<16xi32>,
      %mul3A_639 = arith.constant 16 : i32
      %mul3A_640 = arith.muli %while3A_635, %mul3A_639 : i32
      %add3A_641 = vector.broadcast %mul3A_640 : i32 to vector<16xi32>
      %add3A_642 = arith.addi %add3A_641, %iota3A : vector<16xi32>
      %lt3A_643 = vector.broadcast %scan3A_526 : i32 to vector<16xi32>
      %lt3A_644 = arith.cmpi slt, %add3A_642, %lt3A_643 : vector<16xi32>
      %shift_right_arithmetic3A_645 = arith.constant 18 : i32
      %shift_right_arithmetic3A_646 = vector.broadcast %shift_right_arithmetic3A_645 : i32 to vector<16xi32>
      %shift_right_arithmetic3A_647 = arith.shrsi %get3A_638, %shift_right_arithmetic3A_646 : vector<16xi32>
      %and3A_648 = arith.constant 262143 : i32
      %and3A_649 = vector.broadcast %and3A_648 : i32 to vector<16xi32>
      %and3A_650 = arith.andi %get3A_638, %and3A_649 : vector<16xi32>
      %sub3A = vector.broadcast %multiple_of3A_590 : i32 to vector<16xi32>
      %sub3A_651 = arith.subi %and3A_650, %sub3A : vector<16xi32>
      %ge3A = arith.constant 0 : i32
      %ge3A_652 = vector.broadcast %ge3A : i32 to vector<16xi32>
      %ge3A_653 = arith.cmpi sge, %sub3A_651, %ge3A_652 : vector<16xi32>
      %and3A_654 = arith.andi %lt3A_644, %ge3A_653 : vector<16xi1>
      %lt3A_655 = arith.constant 12544 : i32
      %lt3A_656 = vector.broadcast %lt3A_655 : i32 to vector<16xi32>
      %lt3A_657 = arith.cmpi slt, %sub3A_651, %lt3A_656 : vector<16xi32>
      %and3A_658 = arith.andi %and3A_654, %lt3A_657 : vector<16xi1>
      %jit3A = arith.constant 0 : i32
      %jit3A_659 = arith.constant 12543 : i32
      %max3A = vector.broadcast %jit3A : i32 to vector<16xi32>
      %max3A_660 = arith.maxsi %max3A, %sub3A_651 : vector<16xi32>
      %min3A_661 = vector.broadcast %jit3A_659 : i32 to vector<16xi32>
      %min3A_662 = arith.minsi %min3A_661, %max3A_660 : vector<16xi32>
      tpu.vector_store_idx %arg7[%shift_right_arithmetic3A_647, %min3A_662], %broadcast_in_dim3A_7 masked %and3A_658 : memref<8x12544xf32, #tpu.memory_space<vmem>>[vector<16xi32>, vector<16xi32>], vector<16xf32>, vector<16xi1>
    }
    %mul3A_611 = arith.constant 4 : i32
    %mul3A_612 = arith.muli %and3A_2, %mul3A_611 : i32
    %add3A_613 = arith.constant 3 : i32
    %add3A_614 = arith.addi %mul3A_612, %add3A_613 : i32
    %mul3A_615 = arith.constant 12544 : i32
    %mul3A_616 = arith.muli %add3A_614, %mul3A_615 : i32
    %multiple_of3A_617 = tpu.assume_multiple %mul3A_616, 128 : i32
    %while3A_618 = arith.constant 0 : i32
    %while3A_619 = arith.constant 0 : i32
    %while3A_620 = arith.subi %shift_right_arithmetic3A_531, %while3A_619 : i32
    %while3A_621 = arith.addi %while3A_619, %while3A_620 : i32
    %while3A_622 = arith.constant 1 : i32
    %while3A_623 = arith.divsi %while3A_620, %while3A_622 : i32
    %while3A_624 = arith.muli %while3A_623, %while3A_622 : i32
    %while3A_625 = arith.addi %while3A_619, %while3A_624 : i32
    %while3A_626 = arith.constant 1 : i32
    scf.for %while3A_635 = %while3A_619 to %while3A_625 step %while3A_626  : i32 {
      %mul3A_636 = arith.constant 16 : i32
      %mul3A_637 = arith.muli %while3A_635, %mul3A_636 : i32
      %get3A = arith.index_cast %mul3A_637 : i32 to index
      %get3A_638 = tpu.vector_load %arg16[%get3A] {strides = array<i32>} : memref<1040xi32, #tpu.memory_space<vmem>>, vector<16xi32>,
      %mul3A_639 = arith.constant 16 : i32
      %mul3A_640 = arith.muli %while3A_635, %mul3A_639 : i32
      %add3A_641 = vector.broadcast %mul3A_640 : i32 to vector<16xi32>
      %add3A_642 = arith.addi %add3A_641, %iota3A : vector<16xi32>
      %lt3A_643 = vector.broadcast %scan3A_526 : i32 to vector<16xi32>
      %lt3A_644 = arith.cmpi slt, %add3A_642, %lt3A_643 : vector<16xi32>
      %shift_right_arithmetic3A_645 = arith.constant 18 : i32
      %shift_right_arithmetic3A_646 = vector.broadcast %shift_right_arithmetic3A_645 : i32 to vector<16xi32>
      %shift_right_arithmetic3A_647 = arith.shrsi %get3A_638, %shift_right_arithmetic3A_646 : vector<16xi32>
      %and3A_648 = arith.constant 262143 : i32
      %and3A_649 = vector.broadcast %and3A_648 : i32 to vector<16xi32>
      %and3A_650 = arith.andi %get3A_638, %and3A_649 : vector<16xi32>
      %sub3A = vector.broadcast %multiple_of3A_617 : i32 to vector<16xi32>
      %sub3A_651 = arith.subi %and3A_650, %sub3A : vector<16xi32>
      %ge3A = arith.constant 0 : i32
      %ge3A_652 = vector.broadcast %ge3A : i32 to vector<16xi32>
      %ge3A_653 = arith.cmpi sge, %sub3A_651, %ge3A_652 : vector<16xi32>
      %and3A_654 = arith.andi %lt3A_644, %ge3A_653 : vector<16xi1>
      %lt3A_655 = arith.constant 12544 : i32
      %lt3A_656 = vector.broadcast %lt3A_655 : i32 to vector<16xi32>
      %lt3A_657 = arith.cmpi slt, %sub3A_651, %lt3A_656 : vector<16xi32>
      %and3A_658 = arith.andi %and3A_654, %lt3A_657 : vector<16xi1>
      %jit3A = arith.constant 0 : i32
      %jit3A_659 = arith.constant 12543 : i32
      %max3A = vector.broadcast %jit3A : i32 to vector<16xi32>
      %max3A_660 = arith.maxsi %max3A, %sub3A_651 : vector<16xi32>
      %min3A_661 = vector.broadcast %jit3A_659 : i32 to vector<16xi32>
      %min3A_662 = arith.minsi %min3A_661, %max3A_660 : vector<16xi32>
      %get3A_663 = arith.index_cast %mul3A_637 : i32 to index
      %get3A_664 = tpu.vector_load %arg17[%get3A_663] {strides = array<i32>} : memref<1040xf32, #tpu.memory_space<vmem>>, vector<16xf32>,
      tpu.vector_store_idx %arg7[%shift_right_arithmetic3A_647, %min3A_662], %get3A_664 masked %and3A_658 {add = true} : memref<8x12544xf32, #tpu.memory_space<vmem>>[vector<16xi32>, vector<16xi32>], vector<16xf32>, vector<16xi1>
      %sub3A_665 = arith.constant 11776 : i32
      %sub3A_666 = vector.broadcast %sub3A_665 : i32 to vector<16xi32>
      %sub3A_667 = arith.subi %sub3A_651, %sub3A_666 : vector<16xi32>
      %ge3A_668 = arith.constant 0 : i32
      %ge3A_669 = vector.broadcast %ge3A_668 : i32 to vector<16xi32>
      %ge3A_670 = arith.cmpi sge, %sub3A_667, %ge3A_669 : vector<16xi32>
      %and3A_671 = arith.andi %and3A_658, %ge3A_670 : vector<16xi1>
      %lt3A_672 = arith.constant 63 : i32
      %lt3A_673 = vector.broadcast %lt3A_672 : i32 to vector<16xi32>
      %lt3A_674 = arith.cmpi slt, %sub3A_667, %lt3A_673 : vector<16xi32>
      %and3A_675 = arith.andi %and3A_671, %lt3A_674 : vector<16xi1>
      %jit3A_676 = arith.constant 0 : i32
      %jit3A_677 = arith.constant 62 : i32
      %max3A_678 = vector.broadcast %jit3A_676 : i32 to vector<16xi32>
      %max3A_679 = arith.maxsi %max3A_678, %sub3A_667 : vector<16xi32>
      %min3A_680 = vector.broadcast %jit3A_677 : i32 to vector<16xi32>
      %min3A_681 = arith.minsi %min3A_680, %max3A_679 : vector<16xi32>
      %get3A_682 = arith.index_cast %mul3A_637 : i32 to index
      %get3A_683 = tpu.vector_load %arg17[%get3A_682] {strides = array<i32>} : memref<1040xf32, #tpu.memory_space<vmem>>, vector<16xf32>,
      tpu.vector_store_idx %arg8[%shift_right_arithmetic3A_647, %min3A_681], %get3A_683 masked %and3A_675 {add = true} : memref<8x63xf32, #tpu.memory_space<vmem>>[vector<16xi32>, vector<16xi32>], vector<16xf32>, vector<16xi1>
    }
    %while3A_627 = arith.constant 1 : i32
    scf.for %while3A_635 = %while3A_625 to %while3A_621 step %while3A_627  : i32 {
      %mul3A_636 = arith.constant 16 : i32
      %mul3A_637 = arith.muli %while3A_635, %mul3A_636 : i32
      %get3A = arith.index_cast %mul3A_637 : i32 to index
      %get3A_638 = tpu.vector_load %arg16[%get3A] {strides = array<i32>} : memref<1040xi32, #tpu.memory_space<vmem>>, vector<16xi32>,
      %mul3A_639 = arith.constant 16 : i32
      %mul3A_640 = arith.muli %while3A_635, %mul3A_639 : i32
      %add3A_641 = vector.broadcast %mul3A_640 : i32 to vector<16xi32>
      %add3A_642 = arith.addi %add3A_641, %iota3A : vector<16xi32>
      %lt3A_643 = vector.broadcast %scan3A_526 : i32 to vector<16xi32>
      %lt3A_644 = arith.cmpi slt, %add3A_642, %lt3A_643 : vector<16xi32>
      %shift_right_arithmetic3A_645 = arith.constant 18 : i32
      %shift_right_arithmetic3A_646 = vector.broadcast %shift_right_arithmetic3A_645 : i32 to vector<16xi32>
      %shift_right_arithmetic3A_647 = arith.shrsi %get3A_638, %shift_right_arithmetic3A_646 : vector<16xi32>
      %and3A_648 = arith.constant 262143 : i32
      %and3A_649 = vector.broadcast %and3A_648 : i32 to vector<16xi32>
      %and3A_650 = arith.andi %get3A_638, %and3A_649 : vector<16xi32>
      %sub3A = vector.broadcast %multiple_of3A_617 : i32 to vector<16xi32>
      %sub3A_651 = arith.subi %and3A_650, %sub3A : vector<16xi32>
      %ge3A = arith.constant 0 : i32
      %ge3A_652 = vector.broadcast %ge3A : i32 to vector<16xi32>
      %ge3A_653 = arith.cmpi sge, %sub3A_651, %ge3A_652 : vector<16xi32>
      %and3A_654 = arith.andi %lt3A_644, %ge3A_653 : vector<16xi1>
      %lt3A_655 = arith.constant 12544 : i32
      %lt3A_656 = vector.broadcast %lt3A_655 : i32 to vector<16xi32>
      %lt3A_657 = arith.cmpi slt, %sub3A_651, %lt3A_656 : vector<16xi32>
      %and3A_658 = arith.andi %and3A_654, %lt3A_657 : vector<16xi1>
      %jit3A = arith.constant 0 : i32
      %jit3A_659 = arith.constant 12543 : i32
      %max3A = vector.broadcast %jit3A : i32 to vector<16xi32>
      %max3A_660 = arith.maxsi %max3A, %sub3A_651 : vector<16xi32>
      %min3A_661 = vector.broadcast %jit3A_659 : i32 to vector<16xi32>
      %min3A_662 = arith.minsi %min3A_661, %max3A_660 : vector<16xi32>
      %get3A_663 = arith.index_cast %mul3A_637 : i32 to index
      %get3A_664 = tpu.vector_load %arg17[%get3A_663] {strides = array<i32>} : memref<1040xf32, #tpu.memory_space<vmem>>, vector<16xf32>,
      tpu.vector_store_idx %arg7[%shift_right_arithmetic3A_647, %min3A_662], %get3A_664 masked %and3A_658 {add = true} : memref<8x12544xf32, #tpu.memory_space<vmem>>[vector<16xi32>, vector<16xi32>], vector<16xf32>, vector<16xi1>
      %sub3A_665 = arith.constant 11776 : i32
      %sub3A_666 = vector.broadcast %sub3A_665 : i32 to vector<16xi32>
      %sub3A_667 = arith.subi %sub3A_651, %sub3A_666 : vector<16xi32>
      %ge3A_668 = arith.constant 0 : i32
      %ge3A_669 = vector.broadcast %ge3A_668 : i32 to vector<16xi32>
      %ge3A_670 = arith.cmpi sge, %sub3A_667, %ge3A_669 : vector<16xi32>
      %and3A_671 = arith.andi %and3A_658, %ge3A_670 : vector<16xi1>
      %lt3A_672 = arith.constant 63 : i32
      %lt3A_673 = vector.broadcast %lt3A_672 : i32 to vector<16xi32>
      %lt3A_674 = arith.cmpi slt, %sub3A_667, %lt3A_673 : vector<16xi32>
      %and3A_675 = arith.andi %and3A_671, %lt3A_674 : vector<16xi1>
      %jit3A_676 = arith.constant 0 : i32
      %jit3A_677 = arith.constant 62 : i32
      %max3A_678 = vector.broadcast %jit3A_676 : i32 to vector<16xi32>
      %max3A_679 = arith.maxsi %max3A_678, %sub3A_667 : vector<16xi32>
      %min3A_680 = vector.broadcast %jit3A_677 : i32 to vector<16xi32>
      %min3A_681 = arith.minsi %min3A_680, %max3A_679 : vector<16xi32>
      %get3A_682 = arith.index_cast %mul3A_637 : i32 to index
      %get3A_683 = tpu.vector_load %arg17[%get3A_682] {strides = array<i32>} : memref<1040xf32, #tpu.memory_space<vmem>>, vector<16xf32>,
      tpu.vector_store_idx %arg8[%shift_right_arithmetic3A_647, %min3A_681], %get3A_683 masked %and3A_675 {add = true} : memref<8x63xf32, #tpu.memory_space<vmem>>[vector<16xi32>, vector<16xi32>], vector<16xf32>, vector<16xi1>
    }
    %lt3A_628 = arith.constant 3 : i32
    %lt3A_629 = arith.cmpi slt, %and3A_2, %lt3A_628 : i32
    %convert_element_type3A = arith.extui %lt3A_629 : i1 to i32
    %cond3A = arith.constant 0 : i32
    %cond3A_630 = arith.cmpi ne, %convert_element_type3A, %cond3A : i32
    scf.if %cond3A_630 {
      "tpu.region"() ({
        %run_scoped3A = tpu.sem_alloc : memref<!tpu.dma_semaphore, #tpu.memory_space<semaphore_mem>>
        %dma_start3A_635 = tpu.memref_slice %arg6[%mul3A_4, %multiple_of3A_617] : memref<64x199999xf32, #tpu.memory_space<hbm>> -> memref<8x12544xf32, #tpu.memory_space<hbm>>
        %dma_start3A_636 = tpu.memref_slice %arg6[%mul3A_4, %multiple_of3A_617] : memref<64x199999xf32, #tpu.memory_space<hbm>> -> memref<8x12544xf32, #tpu.memory_space<hbm>>
        tpu.enqueue_dma source(%arg7 : memref<8x12544xf32, #tpu.memory_space<vmem>>) target(%dma_start3A_636 : memref<8x12544xf32, #tpu.memory_space<hbm>>) target_semaphore(%run_scoped3A : memref<!tpu.dma_semaphore, #tpu.memory_space<semaphore_mem>>)
        %dma_wait3A_637 = tpu.memref_slice %arg6[%mul3A_4, %multiple_of3A_617] : memref<64x199999xf32, #tpu.memory_space<hbm>> -> memref<8x12544xf32, #tpu.memory_space<hbm>>
        %dma_wait3A_638 = tpu.memref_slice %arg6[%mul3A_4, %multiple_of3A_617] : memref<64x199999xf32, #tpu.memory_space<hbm>> -> memref<8x12544xf32, #tpu.memory_space<hbm>>
        tpu.wait_dma2 semaphore(%run_scoped3A : memref<!tpu.dma_semaphore, #tpu.memory_space<semaphore_mem>>) src(%arg7 : memref<8x12544xf32, #tpu.memory_space<vmem>>) dst(%dma_wait3A_638 : memref<8x12544xf32, #tpu.memory_space<hbm>>)
        tpu.yield
      }) : () -> ()
    } else {
    }
    %eq3A = arith.constant 3 : i32
    %eq3A_631 = arith.cmpi eq, %and3A_2, %eq3A : i32
    %convert_element_type3A_632 = arith.extui %eq3A_631 : i1 to i32
    %cond3A_633 = arith.constant 0 : i32
    %cond3A_634 = arith.cmpi ne, %convert_element_type3A_632, %cond3A_633 : i32
    scf.if %cond3A_634 {
      "tpu.region"() ({
        %run_scoped3A = tpu.sem_alloc : memref<!tpu.dma_semaphore, #tpu.memory_space<semaphore_mem>>
        %dma_start3A_635 = arith.constant 0 : i32
        %dma_start3A_636 = arith.constant 0 : i32
        %dma_start3A_637 = tpu.memref_slice %arg7[%dma_start3A_635, %dma_start3A_636] : memref<8x12544xf32, #tpu.memory_space<vmem>> -> memref<8x11776xf32, #tpu.memory_space<vmem>>
        %dma_start3A_638 = arith.constant 188160 : i32
        %dma_start3A_639 = tpu.memref_slice %arg6[%mul3A_4, %dma_start3A_638] : memref<64x199999xf32, #tpu.memory_space<hbm>> -> memref<8x11776xf32, #tpu.memory_space<hbm>>
        %dma_start3A_640 = arith.constant 188160 : i32
        %dma_start3A_641 = tpu.memref_slice %arg6[%mul3A_4, %dma_start3A_640] : memref<64x199999xf32, #tpu.memory_space<hbm>> -> memref<8x11776xf32, #tpu.memory_space<hbm>>
        %dma_start3A_642 = arith.constant 0 : i32
        %dma_start3A_643 = arith.constant 0 : i32
        %dma_start3A_644 = tpu.memref_slice %arg7[%dma_start3A_642, %dma_start3A_643] : memref<8x12544xf32, #tpu.memory_space<vmem>> -> memref<8x11776xf32, #tpu.memory_space<vmem>>
        tpu.enqueue_dma source(%dma_start3A_644 : memref<8x11776xf32, #tpu.memory_space<vmem>>) target(%dma_start3A_641 : memref<8x11776xf32, #tpu.memory_space<hbm>>) target_semaphore(%run_scoped3A : memref<!tpu.dma_semaphore, #tpu.memory_space<semaphore_mem>>)
        %dma_wait3A_645 = arith.constant 0 : i32
        %dma_wait3A_646 = arith.constant 0 : i32
        %dma_wait3A_647 = tpu.memref_slice %arg7[%dma_wait3A_645, %dma_wait3A_646] : memref<8x12544xf32, #tpu.memory_space<vmem>> -> memref<8x11776xf32, #tpu.memory_space<vmem>>
        %dma_wait3A_648 = arith.constant 188160 : i32
        %dma_wait3A_649 = tpu.memref_slice %arg6[%mul3A_4, %dma_wait3A_648] : memref<64x199999xf32, #tpu.memory_space<hbm>> -> memref<8x11776xf32, #tpu.memory_space<hbm>>
        %dma_wait3A_650 = arith.constant 188160 : i32
        %dma_wait3A_651 = tpu.memref_slice %arg6[%mul3A_4, %dma_wait3A_650] : memref<64x199999xf32, #tpu.memory_space<hbm>> -> memref<8x11776xf32, #tpu.memory_space<hbm>>
        %dma_wait3A_652 = arith.constant 0 : i32
        %dma_wait3A_653 = arith.constant 0 : i32
        %dma_wait3A_654 = tpu.memref_slice %arg7[%dma_wait3A_652, %dma_wait3A_653] : memref<8x12544xf32, #tpu.memory_space<vmem>> -> memref<8x11776xf32, #tpu.memory_space<vmem>>
        tpu.wait_dma2 semaphore(%run_scoped3A : memref<!tpu.dma_semaphore, #tpu.memory_space<semaphore_mem>>) src(%dma_wait3A_654 : memref<8x11776xf32, #tpu.memory_space<vmem>>) dst(%dma_wait3A_651 : memref<8x11776xf32, #tpu.memory_space<hbm>>)
        tpu.yield
      }) : () -> ()
      "tpu.region"() ({
        %run_scoped3A = tpu.sem_alloc : memref<!tpu.dma_semaphore, #tpu.memory_space<semaphore_mem>>
        %dma_start3A_635 = arith.constant 199936 : i32
        %dma_start3A_636 = tpu.memref_slice %arg6[%mul3A_4, %dma_start3A_635] : memref<64x199999xf32, #tpu.memory_space<hbm>> -> memref<8x63xf32, #tpu.memory_space<hbm>>
        %dma_start3A_637 = arith.constant 199936 : i32
        %dma_start3A_638 = tpu.memref_slice %arg6[%mul3A_4, %dma_start3A_637] : memref<64x199999xf32, #tpu.memory_space<hbm>> -> memref<8x63xf32, #tpu.memory_space<hbm>>
        tpu.enqueue_dma source(%arg8 : memref<8x63xf32, #tpu.memory_space<vmem>>) target(%dma_start3A_638 : memref<8x63xf32, #tpu.memory_space<hbm>>) target_semaphore(%run_scoped3A : memref<!tpu.dma_semaphore, #tpu.memory_space<semaphore_mem>>)
        %dma_wait3A_639 = arith.constant 199936 : i32
        %dma_wait3A_640 = tpu.memref_slice %arg6[%mul3A_4, %dma_wait3A_639] : memref<64x199999xf32, #tpu.memory_space<hbm>> -> memref<8x63xf32, #tpu.memory_space<hbm>>
        %dma_wait3A_641 = arith.constant 199936 : i32
        %dma_wait3A_642 = tpu.memref_slice %arg6[%mul3A_4, %dma_wait3A_641] : memref<64x199999xf32, #tpu.memory_space<hbm>> -> memref<8x63xf32, #tpu.memory_space<hbm>>
        tpu.wait_dma2 semaphore(%run_scoped3A : memref<!tpu.dma_semaphore, #tpu.memory_space<semaphore_mem>>) src(%arg8 : memref<8x63xf32, #tpu.memory_space<vmem>>) dst(%dma_wait3A_642 : memref<8x63xf32, #tpu.memory_space<hbm>>)
        tpu.yield
      }) : () -> ()
    } else {
    }
    return
  }
}

</mosaic_0001>

<sc_bundles>
// kernel: kernel.3.cloned.1.call-start
scs
__scs_entry_jumppad:
0x0: {  	(pc) =	sbr.rel $0x88, $3  }
0x1: {  	(tag) =	ssettag $0x0;
	lr =	simm.s32 $0x1  }
0x2: {  	[smem:$0x3F9D] =	sst lr;
	_ =	strace $0xD0000000  }
0x3: {  	_ = 	snop  }
0x4: {  	_ = 	snop  }
0x5: {  	_ = 	snop  }
0x6: {  	_ = 	snop  }
0x7: {  	_ = 	snop  }
__scs_overlays_trampoline_lowered:
0x8: {  	[smem:$0x3FAC] =	sst s0  }
0x9: {  	[smem:$0x3FAD] =	sst s1  }
0xa: {  	[smem:$0x3FAE] =	sst s2  }
0xb: {  	[smem:$0x3FAF] =	sst s3  }
0xc: {  	[smem:$0x3FB0] =	sst s4  }
0xd: {  	[smem:$0x3FB1] =	sst s5  }
0xe: {  	[smem:$0x3FB2] =	sst s6  }
0xf: {  	[smem:$0x3FB3] =	sst s7  }
0x10: {  	[smem:$0x3FB4] =	sst s8  }
0x11: {  	[smem:$0x3FB5] =	sst s9;
	s0 =	simm.s32 @!p0 $0x0  }
0x12: {  	s1 =	sld [smem:$0x3F9B];
	s0 =	simm.s32 @p0 $0x1  }
0x13: {  	[smem:$0x3FB6] =	sst s0;
	s0 =	simm.s32 @!p1 $0x0  }
0x14: {  	s2 =	sld [smem:$0x3F9A];
	s0 =	simm.s32 @p1 $0x1  }
0x15: {  	[smem:$0x3FB7] =	sst s0;
	s0 =	simm.s32 @!p2 $0x0  }
0x16: {  	s3 =	sld [smem:$0x3FDB];
	s0 =	simm.s32 @p2 $0x1  }
0x17: {  	s4 =	simm.s32 $0x1BF5;
	[smem:$0x3FB9] =	sst s0  }
0x18: {  	s0 =	sld [smem:$0x3F9C];
	_ =	swait.ge [sflag:s4], $0x0  }
0x19: {  	s7 =	sld [smem:$0x3F9D]  }
0x1a: {  	s8 =	sadd.s32 $0xFFFFE003, lr  }
0x1b: {  	s9 =	sadd.s32 $0xFFFFFEF7, lr;
	s5 =	simm.s32 $0xFFFFFFFF;
	p2 =	slt.u32 s8, $0xFFFFF086  }
0x1c: {  	p1 =	slt.u32 s9, $0xF7A;
	s5 =	simm.s32 @!p2 $0x0  }
0x1d: {  	s5 =	simm.s32 @p1 $0x1;
	p0 =	seq.s32 s7, s2  }
0x1e: {  	s7 =	smul.u32 @!p0 $0xF7A, s2;
	p2 =	seq.s32 @!p0 s5, $0x0  }
0x1f: {  	s9 =	smul.u32 $0xF7A, s1;
	s8 =	simm.s32 @!p0 $0x1BF5;
	p2 =	por !p2, p0  }
0x20: {  	[sflag:s8] =	ssyncset.s32 @!p0 $0xFFFFF086;
	s6 =	sadd.s32 @!p0 s3, s7;
	s7 =	simm.s32 @!p0 $0x108  }
0x21: {  	s3 =	sadd.s32 s3, s9;
	s6 =	sadd.s32 @!p0 $0x88, s6;
	s7 =	simm.s32 @p2 $0x1082  }
0x22: {  	[simem:s7], [sflag:s8] =	dma.local @!p0 [hbm:s6], $0xF7A  }
0x23: {  	s9 =	sor.u32 $0xD0000000, s2;
	s6 =	simm.s32 $0x108;
	_ =	swait.ge @!p0 [sflag:s8], $0x0  }
0x24: {  	s3 =	sadd.s32 $0x88, s3;
	s6 =	simm.s32 @!p1 $0x1082;
	[sflag:s4] =	ssyncset.s32 $0xFFFFF086  }
0x25: {  	[simem:s6], [sflag:s4] =	dma.local [hbm:s3], $0xF7A  }
0x26: {  	[smem:$0x3F9D] =	sst s1;
	(tag) =	ssettag s2;
	_ =	strace s9  }
0x27: {  	s1 =	sld [smem:$0x3FAD]  }
0x28: {  	s2 =	sld [smem:$0x3FAE]  }
0x29: {  	s4 =	sld [smem:$0x3FB0]  }
0x2a: {  	p0 =	seq.s32 s5, $0x0;
	s5 =	sld [smem:$0x3FB1]  }
0x2b: {  	s6 =	sld [smem:$0x3FB2]  }
0x2c: {  	s7 =	sld [smem:$0x3FB3]  }
0x2d: {  	s3 =	simm.s32 $0x108;
	s8 =	sld [smem:$0x3FB4]  }
0x2e: {  	s3 =	simm.s32 @!p0 $0x1082;
	s9 =	sld [smem:$0x3FB5]  }
0x2f: {  	lr =	sadd.s32 s0, s3;
	s0 =	sld [smem:$0x3FAC]  }
0x30: {  	s3 =	sld [smem:$0x3FAF]  }
0x31: {  	[smem:$0x3FB8] =	sst s10  }
0x32: {  	s10 =	sld [smem:$0x3FB6];
	_ =	sdelay $0x3  }
0x33: {  	p0 =	seq.s32 s10, $0x1;
	s10 =	sld [smem:$0x3FB8];
	_ =	sdelay $0x3  }
0x34: {  	[smem:$0x3FB8] =	sst s10  }
0x35: {  	s10 =	sld [smem:$0x3FB7];
	_ =	sdelay $0x3  }
0x36: {  	p1 =	seq.s32 s10, $0x1;
	s10 =	sld [smem:$0x3FB8];
	_ =	sdelay $0x3  }
0x37: {  	[smem:$0x3FB8] =	sst s10  }
0x38: {  	s10 =	sld [smem:$0x3FB9]  }
0x39: {  	_ = 	snop;
	(pc) =	sbr.ind lr, $3  }
0x3a: {  	_ = 	snop  }
0x3b: {  	_ = 	snop  }
0x3c: {  	p2 =	seq.s32 s10, $0x1;
	s10 =	sld [smem:$0x3FB8]  }
0x3d: {  	_ =	shalt  }
0x3e: {  	_ =	shalt  }
0x3f: {  	_ =	shalt  }
0x40: {  	_ =	shalt  }
0x41: {  	_ =	shalt  }
0x42: {  	_ =	shalt  }
0x43: {  	_ =	shalt  }
0x44: {  	_ =	shalt  }
0x45: {  	_ =	shalt  }
0x46: {  	_ =	shalt  }
0x47: {  	_ =	shalt  }
0x48: {  	_ =	shalt  }
0x49: {  	_ =	shalt  }
0x4a: {  	_ =	shalt  }
0x4b: {  	_ =	shalt  }
0x4c: {  	_ =	shalt  }
0x4d: {  	_ =	shalt  }
0x4e: {  	_ =	shalt  }
0x4f: {  	_ =	shalt  }
0x50: {  	_ =	shalt  }
0x51: {  	_ =	shalt  }
0x52: {  	_ =	shalt  }
0x53: {  	_ =	shalt  }
0x54: {  	_ =	shalt  }
0x55: {  	_ =	shalt  }
0x56: {  	_ =	shalt  }
0x57: {  	_ =	shalt  }
0x58: {  	_ =	shalt  }
0x59: {  	_ =	shalt  }
0x5a: {  	_ =	shalt  }
0x5b: {  	_ =	shalt  }
0x5c: {  	_ =	shalt  }
0x5d: {  	_ =	shalt  }
0x5e: {  	_ =	shalt  }
0x5f: {  	_ =	shalt  }
0x60: {  	_ =	shalt  }
0x61: {  	_ =	shalt  }
0x62: {  	_ =	shalt  }
0x63: {  	_ =	shalt  }
0x64: {  	_ =	shalt  }
0x65: {  	_ =	shalt  }
0x66: {  	_ =	shalt  }
0x67: {  	_ =	shalt  }
0x68: {  	_ =	shalt  }
0x69: {  	_ =	shalt  }
0x6a: {  	_ =	shalt  }
0x6b: {  	_ =	shalt  }
0x6c: {  	_ =	shalt  }
0x6d: {  	_ =	shalt  }
0x6e: {  	_ =	shalt  }
0x6f: {  	_ =	shalt  }
0x70: {  	_ =	shalt  }
0x71: {  	_ =	shalt  }
0x72: {  	_ =	shalt  }
0x73: {  	_ =	shalt  }
0x74: {  	_ =	shalt  }
0x75: {  	_ =	shalt  }
0x76: {  	_ =	shalt  }
0x77: {  	_ =	shalt  }
0x78: {  	_ =	shalt  }
0x79: {  	_ =	shalt  }
0x7a: {  	_ =	shalt  }
0x7b: {  	_ =	shalt  }
0x7c: {  	_ =	shalt  }
0x7d: {  	_ =	shalt  }
0x7e: {  	_ =	shalt  }
0x7f: {  	_ =	shalt  }
0x80: {  	_ =	shalt  }
0x81: {  	_ =	shalt  }
0x82: {  	_ =	shalt  }
0x83: {  	_ =	shalt  }
0x84: {  	_ =	shalt  }
0x85: {  	_ =	shalt  }
0x86: {  	_ =	shalt  }
0x87: {  	_ =	shalt  }
.Lfunc_end0:
.L_simem_size_0:
called_computation_lowered:
.L_overlay_start_0:
0x88: {  	s2 =	sld [smem:$0x3FD9]  }
0x89: {  	s3 =	sld [smem:$0x3FFE];
	_ =	sdelay $0x1  }
0x8a: {  	s1 =	srdreg.scid  }
0x8b: {  	s0 =	sand.u32 $0x1, s1  }
0x8c: {  	s17 =	sshll.u32 s0, $0xA;
	s2 =	sadd.s32 s3, s2  }
0x8d: {  	s2 =	sadd.s32 s2, s17  }
0x8e: {  	[smem:$0x3FC4] =	sst s2  }
0x8f: {  	_ = 	snop  }
0x90: {  	s2 =	sld [smem:$0x3FD0];
	(tm) =	ssettm $0x1  }
0x91: {  	s18 =	sld [smem:$0x3FFB];
	_ =	sdelay $0x3  }
0x92: {  	_ =	strace s18  }
0x93: {  	s3 =	sld [smem:$0x3FFC];
	_ =	sdelay $0x3  }
0x94: {  	_ =	strace s3  }
0x95: {  	s3 =	sld [smem:$0x3FFD];
	_ =	sdelay $0x3  }
0x96: {  	_ =	strace s3  }
0x97: {  	_ =	strace $0x8FFFFFFF  }
0x98: {  	s19 =	sld [smem:$0x3FDB];
	_ =	sdelay $0x1  }
0x99: {  	s4 =	simm.s32 $_scs_section_size  }
0x9a: {  	s5 =	simm.s32 $_size__tile_overlayer_lowered;
	s6 =	simm.s32 $_tile_overlayer_lowered  }
0x9b: {  	s22 =	simm.s32 $0x1BFF;
	s21 =	sshll.u32 s6, $0x1;
	s3 =	sadd.s32 s4, s19  }
0x9c: {  	s7 =	simm.s32 $0x0;
	s20 =	sshll.u32 s5, $0x1;
	s5 =	sadd.s32 s21, s3  }
0x9d: {  	[timem:s7], [sflag:s22] =	dma.local [hbm:s5], s20  }
0x9e: {  	_ =	swait.ge [sflag:s22], s20  }
0x9f: {  	s4 =	ssub.s32 $0x0, s20;
	[sflag:s22] =	ssyncset.done $0x0  }
0xa0: {  	[sflag:s22] =	ssyncadd.s32 s4;
	_ =	sdelay $0x1  }
0xa1: {  	s23 =	simm.s32 $0x1B8B  }
0xa2: {  	_ =	swait.ge [sflag:s23], $0x1  }
0xa3: {  	[sflag:s23] =	ssyncset.done $0x0  }
0xa4: {  	s25 =	simm.s32 $0x1B8E;
	s24 =	sld [smem:$0x3FFE];
	[sflag:s23] =	ssyncadd.s32 $0xFFFFFFFF  }
0xa5: {  	s26 =	simm.s32 $execute0_lowered;
	[smem:$0x3FD2] =	sst s25  }
0xa6: {  	s5 =	sshll.u32 s26, $0x1;
	_ =	strace $0x80000046;
	[dreg:$0x1] =	wrdreg $0xFFFFFFFF  }
0xa7: {  	s28 =	simm.s32 $_size_execute0_lowered;
	s3 =	sadd.s32 s3, s5;
	[dreg:$0x0] =	wrdreg $0x0  }
0xa8: {  	s5 =	sshll.u32 s28, $0x1;
	[dreg:$0x2] =	wrdreg s3  }
0xa9: {  	[dreg:$0x3] =	wrdreg s5  }
0xaa: {  	[dreg:$0x4] =	wrdreg $0xC0  }
0xab: {  	_ =	task [dreg:s7], $0x5FFFF  }
0xac: {  	[dreg:$0x1] =	wrdreg $0xFFFFFFFF  }
0xad: {  	[dreg:$0x0] =	wrdreg $0x60  }
0xae: {  	[dreg:$0x2] =	wrdreg s24  }
0xaf: {  	[dreg:$0x3] =	wrdreg s2  }
0xb0: {  	[dreg:$0x4] =	wrdreg $0x9  }
0xb1: {  	_ =	task.clear_ibuf [dreg:s7], $0x5FFFF;
	_ =	strace $0x90000046  }
0xb2: {  	s29 =	simm.s32 $0x9;
	_ =	strace $0x80000048  }
0xb3: {  	_ =	swait.ge [sflag:s29], $0x1  }
0xb4: {  	[sflag:s29] =	ssyncadd.s32 $0xFFFFFFFF  }
0xb5: {  	_ =	strace $0x90000048  }
0xb6: {  	_ =	sfence  }
0xb7: {  	s30 =	sld [smem:$0x0];
	_ =	sdelay $0x2  }
0xb8: {  	s31 =	sshll.u32 s1, $0xD;
	s1 =	sshrl.u32 s1, $0x2  }
0xb9: {  	s3 =	sand.u32 $0x4000, s31;
	s1 =	sadd.s32 s1, s30  }
0xba: {  	s0 =	sor.u32 s3, s0;
	s1 =	sshll.u32 s1, $0x11  }
0xbb: {  	s0 =	sor.u32 s1, s0  }
0xbc: {  	s0 =	sadd.s32 $0x8F2B, s0  }
0xbd: {  	[sflag:s0] =	ssyncadd.remote.s32 $0x1  }
0xbe: {  	_ =	sfence.sel $0xFFFF  }
0xbf: {  	[dreg:$0x0] =	wrdreg $0xFFFFFFFF;
	(pc) =	sbr.abs _section_cstart, $3  }
0xc0: {  	[dreg:$0x1] =	wrdreg $0xFFFFFFFF  }
0xc1: {  	_ =	task.clear_ibuf [dreg:s7], $0x2FFFF;
	_ =	strace $0x9FFFFFFF  }
0xc2: {  	(tm) =	ssettm $0x7FFFFFFF  }
0xc3: {  	_ =	shalt  }
tec
execute0_lowered:
.L_overlay_start_1:
0x0: {  	(tag) =	ssettag $0x1  }
0x1: {  	v5 =	vimm.f32 $0.0e+00;
	v6 =	vlaneseq.u32  }
0x2: {  	v8 =	vimm.s32 $0x3B3A3938;
	v11 =	vimm.s32 $0x37363534;
	vm0 =	vcmask $0x1F10  }
0x3: {  	vm1 =	vcmask $0xF00;
	v13 =	vimm.s32 $0xBBBAB9B8;
	vm13 =	vcmask $0x300  }
0x4: {  	vm12 =	vcmask $0x704;
	vm11 =	vcmask $0xB08;
	vm10 =	vcmask $0xF0C  }
0x5: {  	vm9 =	vcmask $0x1310;
	vm8 =	vcmask $0x1714;
	vm7 =	vcmask $0x1B18  }
0x6: {  	vm6 =	vcmask $0x1F1C;
	v17 =	vimm.s32 $0x1BE;
	vm5 =	vcmask $0x2320  }
0x7: {  	vm2 =	vcmask $0x2724;
	v19 =	vimm.s32 $0x23E;
	vm3 =	vcmask $0x2B28  }
0x8: {  	vm4 =	vcmask $0x2F2C;
	v26 =	vimm.s32 $0x2BE;
	v30 =	vimm.s32 $0x33E  }
0x9: {  	v31 =	vimm.s32 $0x3BE;
	v39 =	vimm.s32 $0x0;
	v7 =	vor.u32 $0x10, v6  }
0xa: {  	v9 =	vunpack.c.0.s8.s32 v8;
	v8 =	vimm.s32 $0x3E3E3D3C;
	v11 =	vunpack.c.0.s8.s32 v11  }
0xb: {  	v13 =	vunpack.c.0.s8.s32 v13;
	v17 =	vsel vm13, $0x1B0, v17;
	v19 =	vsel vm13, $0x230, v19  }
0xc: {  	v27 =	vsel vm13, $0x2B0, v26;
	v26 =	vor.u32 $0x280, v6;
	v30 =	vsel vm13, $0x330, v30  }
0xd: {  	v31 =	vsel vm13, $0x3B0, v31;
	v38 =	vmul.u32 $0xFFFFFFFF, v6;
	v36 =	vor.u32 $0x3A0, v6  }
0xe: {  	v10 =	vunpack.c.0.s8.s32 v8;
	v8 =	vimm.s32 $0x33323130;
	v17 =	vsel vm12, $0x1B1, v17  }
0xf: {  	v19 =	vsel vm12, $0x231, v19;
	v28 =	vsel vm12, $0x2B1, v27;
	v27 =	vor.u32 $0x290, v6  }
0x10: {  	v30 =	vsel vm12, $0x331, v30;
	v31 =	vsel vm12, $0x3B1, v31;
	v12 =	vunpack.c.0.s8.s32 v8  }
0x11: {  	v8 =	vor.u32 $0x20, v6;
	v17 =	vsel vm11, $0x1B2, v17;
	v19 =	vsel vm11, $0x232, v19  }
0x12: {  	s4 =	stileid.u32;
	v29 =	vsel vm11, $0x2B2, v28;
	v28 =	vor.u32 $0x2A0, v6;
	v30 =	vsel vm11, $0x332, v30  }
0x13: {  	s0 =	srdreg.scid;
	s1 =	sshll.u32 s4, $0x1;
	v31 =	vsel vm11, $0x3B2, v31;
	v38 =	vadd.s32 $0x64, v38;
	v9 =	vsel vm0, v10, v9  }
0x14: {  	s5 =	sand.u32 $0x1, s0;
	s26 =	sand.u32 $0x2, s1;
	v10 =	vimm.s32 $0xB3B2B1B0;
	v17 =	vsel vm10, $0x1B3, v17;
	v19 =	vsel vm10, $0x233, v19  }
0x15: {  	s0 =	sor.u32 s5, s26;
	v29 =	vsel vm10, $0x2B3, v29;
	v30 =	vsel vm10, $0x333, v30;
	v31 =	vsel vm10, $0x3B3, v31  }
0x16: {  	s28 =	smul.u32 $0xC400, s0;
	v11 =	vsel vm0, v11, v12;
	v10 =	vunpack.c.0.s8.s32 v10;
	v12 =	vimm.s32 $0xB7B6B5B4  }
0x17: {  	v17 =	vsel vm9, $0x1B4, v17;
	v19 =	vsel vm9, $0x234, v19;
	v29 =	vsel vm9, $0x2B4, v29  }
0x18: {  	v30 =	vsel vm9, $0x334, v30;
	v31 =	vsel vm9, $0x3B4, v31;
	v0 =	vmov s28  }
0x19: {  	v12 =	vunpack.c.0.s8.s32 v12;
	v9 =	vcombine.low v11, v9;
	v17 =	vsel vm8, $0x1B5, v17  }
0x1a: {  	s2 =	sadd.s32 $0xC400, s28;
	s9 =	sadd.s32 $0x3100, s28;
	v19 =	vsel vm8, $0x235, v19;
	v29 =	vsel vm8, $0x2B5, v29;
	v30 =	vsel vm8, $0x335, v30  }
0x1b: {  	s10 =	sadd.s32 $0x6200, s28;
	s1 =	sadd.s32 $0x9300, s28;
	v31 =	vsel vm8, $0x3B5, v31;
	v1 =	vmov s2;
	v2 =	vmov s9  }
0x1c: {  	v3 =	vmov s10;
	v4 =	vmov s1;
	v11 =	vnsel vm1, $0xBE, v10  }
0x1d: {  	v10 =	vor.u32 $0x80, v6;
	vm1 =	vcmask $0x3330;
	v17 =	vsel vm7, $0x1B6, v17  }
0x1e: {  	v19 =	vsel vm7, $0x236, v19;
	v29 =	vsel vm7, $0x2B6, v29;
	v30 =	vsel vm7, $0x336, v30  }
0x1f: {  	v31 =	vsel vm7, $0x3B6, v31;
	v14 =	vsel vm0, v12, v11;
	vm0 =	vcmask $0x2F20  }
0x20: {  	v11 =	vor.u32 $0x90, v6;
	v12 =	vor.u32 $0xA0, v6;
	v17 =	vsel vm6, $0x1B7, v17  }
0x21: {  	v21 =	vsel vm6, $0x237, v19;
	v19 =	vor.u32 $0x190, v6;
	v29 =	vsel vm6, $0x2B7, v29  }
0x22: {  	v30 =	vsel vm6, $0x337, v30;
	v31 =	vsel vm6, $0x3B7, v31;
	v13 =	vsel vm0, v13, v14  }
0x23: {  	v14 =	vimm.s32 $0x13E;
	vm0 =	vcmask $0x3734;
	v20 =	vsel vm5, $0x1B8, v17  }
0x24: {  	v21 =	vsel vm5, $0x238, v21;
	v29 =	vsel vm5, $0x2B8, v29;
	v30 =	vsel vm5, $0x338, v30  }
0x25: {  	v31 =	vsel vm5, $0x3B8, v31;
	v13 =	vsel vm1, $0xBC, v13;
	v14 =	vsel vm13, $0x130, v14  }
0x26: {  	v20 =	vsel vm2, $0x1B9, v20;
	v23 =	vsel vm2, $0x239, v21;
	v29 =	vsel vm2, $0x2B9, v29  }
0x27: {  	v30 =	vsel vm2, $0x339, v30;
	v33 =	vsel vm2, $0x3B9, v31;
	v31 =	vor.u32 $0x310, v6  }
0x28: {  	v14 =	vsel vm12, $0x131, v14;
	v13 =	vsel vm0, $0xBD, v13;
	v20 =	vsel vm3, $0x1BA, v20  }
0x29: {  	v24 =	vsel vm3, $0x23A, v23;
	v23 =	vor.u32 $0x210, v6;
	v29 =	vsel vm3, $0x2BA, v29  }
0x2a: {  	s6 =	rddreg [dreg:$0x0];
	v32 =	vsel vm3, $0x33A, v30;
	v30 =	vor.u32 $0x300, v6;
	v35 =	vsel vm3, $0x3BA, v33  }
0x2b: {  	s8 =	rddreg [dreg:$0x1];
	s16 =	simm.s32 $0x80;
	v14 =	vsel vm11, $0x132, v14;
	v13 =	vand.u32 $0xFF, v13;
	v22 =	vsel vm4, $0x1BB, v20  }
0x2c: {  	s17 =	simm.s32 $0x19400;
	s18 =	simm.s32 $0x1A380;
	s19 =	simm.s32 $0x18800;
	v20 =	vor.u32 $0x1A0, v6;
	v25 =	vsel vm4, $0x23B, v24;
	v24 =	vor.u32 $0x220, v6  }
0x2d: {  	s20 =	simm.s32 $0x1;
	s21 =	simm.s32 $0x0;
	s7 =	sshrl.u32 s4, $0x1;
	v29 =	vsel vm4, $0x2BB, v29;
	v32 =	vsel vm4, $0x33B, v32;
	v15 =	vsel vm10, $0x133, v14  }
0x2e: {  	s3 =	sadd.s32 $0x2600, s6;
	s4 =	sadd.s32 $0xC5C00, s6;
	s12 =	sshll.u32 s7, $0x7;
	v35 =	vsel vm4, $0x3BB, v35;
	v14 =	vor.u32 $0x100, v6;
	v16 =	vsel vm9, $0x134, v15  }
0x2f: {  	s11 =	smul.u32 $0x186C00, s7;
	s5 =	ssub.s32 $0x2, s5;
	s12 =	sadd.s32 s12, s6;
	v22 =	vsel vm1, $0x1BC, v22;
	v25 =	vsel vm1, $0x23C, v25;
	v16 =	vsel vm8, $0x135, v16  }
0x30: {  	s13 =	sshrl.u32 s5, $0x1;
	s14 =	smul.u32 $0x62000, s0;
	s6 =	sadd.s32 $0x189600, s12;
	v29 =	vsel vm1, $0x2BC, v29;
	v34 =	vsel vm1, $0x33C, v32;
	v16 =	vsel vm7, $0x136, v16  }
0x31: {  	p0 =	seq.s32 s0, $0x3;
	s0 =	simm.s32 $0x19B80;
	s15 =	ssub.s32 s5, s13;
	v32 =	vor.u32 $0x320, v6;
	v37 =	vsel vm1, $0x3BC, v35;
	v18 =	vsel vm6, $0x137, v16  }
0x32: {  	s5 =	sshll.u32 s7, $0x3;
	s7 =	sadd.s32 $0x189200, s12;
	s29 =	sadd.s32 s11, s14;
	v35 =	vor.u32 $0x390, v6;
	v15 =	vor.u32 $0x110, v6;
	v18 =	vsel vm5, $0x138, v18  }
.Ltmp0:
0x33: {  	s11 =	sshrl.u32 s11, $0x3;
	s14 =	smax.u32 s15, $0x1;
	v21 =	vsel vm0, $0x1BD, v22;
	v22 =	vor.u32 $0x200, v6;
	v18 =	vsel vm2, $0x139, v18;
	(pc) =	sbr.rel .LBB2_1-.Ltmp0, $4  }
0x34: {  	s15 =	simm.s32 $0x2;
	s2 =	simm.s32 $0x0;
	s30 =	sshrl.u32 s29, $0x3;
	v25 =	vsel vm0, $0x23D, v25;
	v29 =	vsel vm0, $0x2BD, v29;
	v18 =	vsel vm3, $0x13A, v18  }
0x35: {  	s31 =	sadd.s32 s8, s11;
	[smem:$0x7FF] =	sst s2;
	s8 =	sadd.s32 s8, s30;
	v33 =	vsel vm0, $0x33D, v34;
	v34 =	vor.u32 $0x380, v6;
	v18 =	vsel vm4, $0x13B, v18  }
0x36: {  	s9 =	sadd.s32 s9, s31;
	s10 =	sadd.s32 s10, s31;
	s11 =	sadd.s32 s1, s31;
	v37 =	vsel vm0, $0x3BD, v37;
	v16 =	vor.u32 $0x120, v6;
	v18 =	vsel vm1, $0x13C, v18  }
0x37: {  	s12 =	sadd.s32 $0x2DF00, s31;
	s13 =	sadd.s32 $0x30D00, s31;
	_ =	strace $0x80000047;
	v17 =	vsel vm0, $0x13D, v18;
	v18 =	vor.u32 $0x180, v6;
	vm0 =	vmmov $0xf  }
.LBB2_37:
0x38: {  	[hbm4b:s10+s2] =	stream.linear.scatter [tilespmem:s2], [sflag:$0x2], $0x18800, $0x38;
	[tilespmem:$0x1AD80] =	vst v63  }
0x39: {  	_ =	swait.ge [sflag:s15], $0x18800  }
0x3a: {  	[sflag:s15] =	ssyncset.done $0x0  }
0x3b: {  	[sflag:s15] =	ssyncadd.s32 $0xFFFE7800  }
.LBB2_38:
0x3c: {  	s1 =	simm.s32 @p0 $0x0;
	s22 =	simm.s32 @p0 $0x2  }
0x3d: {  	[hbm4b:s12+s1] =	stream.linear.scatter @p0 [tilespmem:s1], [sflag:$0x2], $0x17000, $0x38;
	[tilespmem:$0x1AD80] =	vst v63  }
0x3e: {  	_ =	swait.ge @p0 [sflag:s22], $0x17000  }
0x3f: {  	[sflag:s22] =	ssyncset.done @p0 $0x0  }
0x40: {  	s23 =	simm.s32 @p0 $0x18800;
	[sflag:s22] =	ssyncadd.s32 @p0 $0xFFFE9000  }
0x41: {  	[hbm4b:s13+s1] =	stream.linear.scatter @p0 [tilespmem:s23], [sflag:$0x2], $0x400, $0x38;
	[tilespmem:$0x1AD80] =	vst v63  }
0x42: {  	_ =	swait.ge @p0 [sflag:s22], $0x400  }
0x43: {  	s21 =	sadd.s32 $0x1, s21;
	[sflag:s22] =	ssyncset.done @p0 $0x0  }
0x44: {  	p1 =	sne.s32 s21, s14;
	s1 =	simm.s32 @!p0 $0x0;
	[sflag:s22] =	ssyncadd.s32 @p0 $0xFFFFFC00  }
0x45: {  	[hbm4b:s11+s1] =	stream.linear.scatter @!p0 [tilespmem:s1], [sflag:$0x2], $0x18800, $0x38;
	[tilespmem:$0x1AD80] =	vst v63  }
.Ltmp1:
0x46: {  	_ = 	snop;
	(pc) =	sbr.rel @!p1 .LBB2_39-.Ltmp1, $4  }
0x47: {  	s1 =	simm.s32 @!p0 $0x2  }
0x48: {  	_ =	swait.ge @!p0 [sflag:s1], $0x18800  }
0x49: {  	[sflag:s1] =	ssyncset.done @!p0 $0x0  }
0x4a: {  	[sflag:s1] =	ssyncadd.s32 @!p0 $0xFFFE7800  }
.LBB2_1:
0x4b: {  	s22 =	simm.s32 $0x18C00  }
0x4c: {  	[tilespmem:s22], [sflag:$0x2] =	stream.linear.gather [hbm4b:s6+s2], $0x400, $0x38;
	[tilespmem:$0x1AD80] =	vst v63  }
0x4d: {  	_ =	swait.ge [sflag:s15], $0x400  }
0x4e: {  	[sflag:s15] =	ssyncset.done $0x0  }
0x4f: {  	s23 =	simm.s32 $0x19000;
	[sflag:s15] =	ssyncadd.s32 $0xFFFFFC00  }
0x50: {  	[tilespmem:s23], [sflag:$0x2] =	stream.linear.gather [hbm4b:s7+s2], $0x400, $0x38;
	[tilespmem:$0x1AD80] =	vst v63  }
0x51: {  	_ =	swait.ge [sflag:s15], $0x400  }
0x52: {  	[sflag:s15] =	ssyncset.done $0x0  }
0x53: {  	[sflag:s15] =	ssyncadd.s32 $0xFFFFFC00  }
0x54: {  	v40 =	vld [tilespmem:s22+$0x0];
	_ =	sdelay $0x1  }
0x55: {  	s24 =	sadd.s32 $0x0, s5  }
0x56: {  	s25 =	smul.u32 $0x186A0, s24;
	_ =	sdelay $0x1  }
0x57: {  	v40 =	vadd.s32 s25, v40  }
0x58: {  	[tilespmem:s17+$0x0] =	vst v40  }
0x59: {  	v40 =	vld [tilespmem:s23+$0x0];
	_ =	sdelay $0x3  }
0x5a: {  	s28 =	simm.s32 $0x19800  }
0x5b: {  	s26 =	simm.s32 $0x19400;
	s24 =	simm.s32 $0x1;
	v40 =	vadd.s32 s25, v40;
	s25 =	simm.s32 $0x19810  }
.LBB2_2:
0x5c: {  	[tilespmem:s28+$0x0] =	vst v40;
	s22 =	sadd.s32 $0x10, s22;
	s26 =	sadd.s32 $0x10, s26;
	s23 =	sadd.s32 $0x10, s23  }
0x5d: {  	p1 =	sne.s32 s24, $0x3F;
	s28 =	smov.u32 s24;
	s24 =	sadd.s32 $0x1, s24;
	v40 =	vld [tilespmem:s22+$0x0]  }
0x5e: {  	s29 =	sshrl.u32 s28, $0x3;
	s28 =	smov.u32 s25  }
0x5f: {  	s29 =	sadd.s32 s5, s29  }
0x60: {  	s29 =	smul.u32 $0x186A0, s29;
	_ =	sdelay $0x1  }
0x61: {  	v40 =	vadd.s32 s29, v40  }
0x62: {  	[tilespmem:s26+$0x0] =	vst v40  }
0x63: {  	v40 =	vld [tilespmem:s23+$0x0]  }
.Ltmp2:
0x64: {  	(pc) =	sbr.rel @p1 .LBB2_2-.Ltmp2, $2  }
0x65: {  	_ =	sdelay $0x2  }
0x66: {  	s25 =	sadd.s32 $0x10, s25;
	v40 =	vadd.s32 s29, v40  }
0x67: {  	[tilespmem:s28+$0x0] =	vst v40;
	s1 =	simm.s32 $0x19C00  }
0x68: {  	[tilespmem:s1], [sflag:$0x1] =	stream.indirect.gather [hbm4b:s3+s16], $0x1, s17, s16, $0xb8;
	[tilespmem:$0x1AD80] =	vst v63  }
0x69: {  	s29 =	simm.s32 $0x19480;
	s22 =	simm.s32 $0x19C80  }
0x6a: {  	[tilespmem:s22], [sflag:$0x1] =	stream.indirect.gather [hbm4b:s3+s16], $0x1, s29, s16, $0xb8;
	[tilespmem:$0x1AD80] =	vst v63  }
0x6b: {  	s30 =	simm.s32 $0x19500;
	s31 =	simm.s32 $0x19D00  }
0x6c: {  	[tilespmem:s31], [sflag:$0x1] =	stream.indirect.gather [hbm4b:s3+s16], $0x1, s30, s16, $0xb8;
	[tilespmem:$0x1AD80] =	vst v63  }
0x6d: {  	s23 =	simm.s32 $0x19580;
	s24 =	simm.s32 $0x19D80  }
0x6e: {  	[tilespmem:s24], [sflag:$0x1] =	stream.indirect.gather [hbm4b:s3+s16], $0x1, s23, s16, $0xb8;
	[tilespmem:$0x1AD80] =	vst v63  }
0x6f: {  	s25 =	simm.s32 $0x19600;
	s26 =	simm.s32 $0x19E00  }
0x70: {  	[tilespmem:s26], [sflag:$0x1] =	stream.indirect.gather [hbm4b:s3+s16], $0x1, s25, s16, $0xb8;
	[tilespmem:$0x1AD80] =	vst v63  }
0x71: {  	s28 =	simm.s32 $0x19680;
	s29 =	simm.s32 $0x19E80  }
0x72: {  	[tilespmem:s29], [sflag:$0x1] =	stream.indirect.gather [hbm4b:s3+s16], $0x1, s28, s16, $0xb8;
	[tilespmem:$0x1AD80] =	vst v63  }
0x73: {  	s30 =	simm.s32 $0x19700;
	s31 =	simm.s32 $0x19F00  }
0x74: {  	[tilespmem:s31], [sflag:$0x1] =	stream.indirect.gather [hbm4b:s3+s16], $0x1, s30, s16, $0xb8;
	[tilespmem:$0x1AD80] =	vst v63  }
0x75: {  	s23 =	simm.s32 $0x19780;
	s24 =	simm.s32 $0x19F80  }
0x76: {  	[tilespmem:s24], [sflag:$0x1] =	stream.indirect.gather [hbm4b:s3+s16], $0x1, s23, s16, $0xb8;
	[tilespmem:$0x1AD80] =	vst v63  }
0x77: {  	s25 =	simm.s32 $0x19800;
	s26 =	simm.s32 $0x1A000  }
0x78: {  	[tilespmem:s26], [sflag:$0x1] =	stream.indirect.gather [hbm4b:s4+s16], $0x1, s25, s16, $0xb8;
	[tilespmem:$0x1AD80] =	vst v63  }
0x79: {  	s28 =	simm.s32 $0x19880;
	s29 =	simm.s32 $0x1A080  }
0x7a: {  	[tilespmem:s29], [sflag:$0x1] =	stream.indirect.gather [hbm4b:s4+s16], $0x1, s28, s16, $0xb8;
	[tilespmem:$0x1AD80] =	vst v63  }
0x7b: {  	s30 =	simm.s32 $0x19900;
	s31 =	simm.s32 $0x1A100  }
0x7c: {  	[tilespmem:s31], [sflag:$0x1] =	stream.indirect.gather [hbm4b:s4+s16], $0x1, s30, s16, $0xb8;
	[tilespmem:$0x1AD80] =	vst v63  }
0x7d: {  	s23 =	simm.s32 $0x19980;
	s24 =	simm.s32 $0x1A180  }
0x7e: {  	[tilespmem:s24], [sflag:$0x1] =	stream.indirect.gather [hbm4b:s4+s16], $0x1, s23, s16, $0xb8;
	[tilespmem:$0x1AD80] =	vst v63  }
0x7f: {  	s25 =	simm.s32 $0x19A00;
	s26 =	simm.s32 $0x1A200  }
0x80: {  	[tilespmem:s26], [sflag:$0x1] =	stream.indirect.gather [hbm4b:s4+s16], $0x1, s25, s16, $0xb8;
	[tilespmem:$0x1AD80] =	vst v63  }
0x81: {  	s28 =	simm.s32 $0x19A80;
	s29 =	simm.s32 $0x1A280  }
0x82: {  	[tilespmem:s29], [sflag:$0x1] =	stream.indirect.gather [hbm4b:s4+s16], $0x1, s28, s16, $0xb8;
	[tilespmem:$0x1AD80] =	vst v63  }
0x83: {  	s30 =	simm.s32 $0x19B00;
	s31 =	simm.s32 $0x1A300  }
0x84: {  	[tilespmem:s31], [sflag:$0x1] =	stream.indirect.gather [hbm4b:s4+s16], $0x1, s30, s16, $0xb8;
	[tilespmem:$0x1AD80] =	vst v63  }
0x85: {  	s22 =	simm.s32 $0x0;
	s23 =	simm.s32 $0x1000  }
0x86: {  	[tilespmem:s18], [sflag:$0x1] =	stream.indirect.gather [hbm4b:s4+s16], $0x1, s0, s16, $0xb8;
	[tilespmem:$0x1AD80] =	vst v63  }
.LBB2_4:
0x87: {  	p1 =	sne.s32 s23, $0x61000;
	[tilespmem:s22+$0x3F0] =	vst v5  }
0x88: {  	[tilespmem:s22+$0x0] =	vst v5  }
0x89: {  	[tilespmem:s22+$0x10] =	vst v5  }
0x8a: {  	[tilespmem:s22+$0x20] =	vst v5  }
0x8b: {  	[tilespmem:s22+$0x30] =	vst v5  }
0x8c: {  	[tilespmem:s22+$0x40] =	vst v5  }
0x8d: {  	[tilespmem:s22+$0x50] =	vst v5  }
0x8e: {  	[tilespmem:s22+$0x60] =	vst v5  }
0x8f: {  	[tilespmem:s22+$0x70] =	vst v5  }
0x90: {  	[tilespmem:s22+$0x80] =	vst v5  }
0x91: {  	[tilespmem:s22+$0x90] =	vst v5  }
0x92: {  	[tilespmem:s22+$0xA0] =	vst v5  }
0x93: {  	[tilespmem:s22+$0xB0] =	vst v5  }
0x94: {  	[tilespmem:s22+$0xC0] =	vst v5  }
0x95: {  	[tilespmem:s22+$0xD0] =	vst v5  }
0x96: {  	[tilespmem:s22+$0xE0] =	vst v5  }
0x97: {  	[tilespmem:s22+$0xF0] =	vst v5  }
0x98: {  	[tilespmem:s22+$0x100] =	vst v5  }
0x99: {  	[tilespmem:s22+$0x110] =	vst v5  }
0x9a: {  	[tilespmem:s22+$0x120] =	vst v5  }
0x9b: {  	[tilespmem:s22+$0x130] =	vst v5  }
0x9c: {  	[tilespmem:s22+$0x140] =	vst v5  }
0x9d: {  	[tilespmem:s22+$0x150] =	vst v5  }
0x9e: {  	[tilespmem:s22+$0x160] =	vst v5  }
0x9f: {  	[tilespmem:s22+$0x170] =	vst v5  }
0xa0: {  	[tilespmem:s22+$0x180] =	vst v5  }
0xa1: {  	[tilespmem:s22+$0x190] =	vst v5  }
0xa2: {  	[tilespmem:s22+$0x1A0] =	vst v5  }
0xa3: {  	[tilespmem:s22+$0x1B0] =	vst v5  }
0xa4: {  	[tilespmem:s22+$0x1C0] =	vst v5  }
0xa5: {  	[tilespmem:s22+$0x1D0] =	vst v5  }
0xa6: {  	[tilespmem:s22+$0x1E0] =	vst v5  }
0xa7: {  	[tilespmem:s22+$0x1F0] =	vst v5  }
0xa8: {  	[tilespmem:s22+$0x200] =	vst v5  }
0xa9: {  	[tilespmem:s22+$0x210] =	vst v5  }
0xaa: {  	[tilespmem:s22+$0x220] =	vst v5  }
0xab: {  	[tilespmem:s22+$0x230] =	vst v5  }
0xac: {  	[tilespmem:s22+$0x240] =	vst v5  }
0xad: {  	[tilespmem:s22+$0x250] =	vst v5  }
0xae: {  	[tilespmem:s22+$0x260] =	vst v5  }
0xaf: {  	[tilespmem:s22+$0x270] =	vst v5  }
0xb0: {  	[tilespmem:s22+$0x280] =	vst v5  }
0xb1: {  	[tilespmem:s22+$0x290] =	vst v5  }
0xb2: {  	[tilespmem:s22+$0x2A0] =	vst v5  }
0xb3: {  	[tilespmem:s22+$0x2B0] =	vst v5  }
0xb4: {  	[tilespmem:s22+$0x2C0] =	vst v5  }
0xb5: {  	[tilespmem:s22+$0x2D0] =	vst v5  }
0xb6: {  	[tilespmem:s22+$0x2E0] =	vst v5  }
0xb7: {  	[tilespmem:s22+$0x2F0] =	vst v5  }
0xb8: {  	[tilespmem:s22+$0x300] =	vst v5  }
0xb9: {  	[tilespmem:s22+$0x310] =	vst v5  }
0xba: {  	[tilespmem:s22+$0x320] =	vst v5  }
0xbb: {  	[tilespmem:s22+$0x330] =	vst v5  }
0xbc: {  	[tilespmem:s22+$0x340] =	vst v5  }
0xbd: {  	[tilespmem:s22+$0x350] =	vst v5  }
0xbe: {  	[tilespmem:s22+$0x360] =	vst v5  }
0xbf: {  	[tilespmem:s22+$0x370] =	vst v5  }
0xc0: {  	[tilespmem:s22+$0x380] =	vst v5  }
0xc1: {  	[tilespmem:s22+$0x390] =	vst v5  }
.Ltmp3:
0xc2: {  	[tilespmem:s22+$0x3A0] =	vst v5;
	(pc) =	sbr.rel @p1 .LBB2_4-.Ltmp3, $4  }
0xc3: {  	[tilespmem:s22+$0x3B0] =	vst v5  }
0xc4: {  	[tilespmem:s22+$0x3C0] =	vst v5  }
0xc5: {  	[tilespmem:s22+$0x3D0] =	vst v5  }
0xc6: {  	[tilespmem:s22+$0x3E0] =	vst v5;
	s22 =	sshra.s32 s23, $0x2;
	s23 =	sadd.s32 $0x1000, s23  }
0xc7: {  	[tilespmem:s22+$0x3F0] =	vst v5  }
0xc8: {  	[tilespmem:s22+$0x0] =	vst v5  }
0xc9: {  	[tilespmem:s22+$0x10] =	vst v5  }
0xca: {  	[tilespmem:s22+$0x20] =	vst v5  }
0xcb: {  	[tilespmem:s22+$0x30] =	vst v5  }
0xcc: {  	[tilespmem:s22+$0x40] =	vst v5  }
0xcd: {  	[tilespmem:s22+$0x50] =	vst v5  }
0xce: {  	[tilespmem:s22+$0x60] =	vst v5  }
0xcf: {  	[tilespmem:s22+$0x70] =	vst v5  }
0xd0: {  	[tilespmem:s22+$0x80] =	vst v5  }
0xd1: {  	[tilespmem:s22+$0x90] =	vst v5  }
0xd2: {  	[tilespmem:s22+$0xA0] =	vst v5  }
0xd3: {  	[tilespmem:s22+$0xB0] =	vst v5  }
0xd4: {  	[tilespmem:s22+$0xC0] =	vst v5  }
0xd5: {  	[tilespmem:s22+$0xD0] =	vst v5  }
0xd6: {  	[tilespmem:s22+$0xE0] =	vst v5  }
0xd7: {  	[tilespmem:s22+$0xF0] =	vst v5  }
0xd8: {  	[tilespmem:s22+$0x100] =	vst v5  }
0xd9: {  	[tilespmem:s22+$0x110] =	vst v5  }
0xda: {  	[tilespmem:s22+$0x120] =	vst v5  }
0xdb: {  	[tilespmem:s22+$0x130] =	vst v5  }
0xdc: {  	[tilespmem:s22+$0x140] =	vst v5  }
0xdd: {  	[tilespmem:s22+$0x150] =	vst v5  }
0xde: {  	[tilespmem:s22+$0x160] =	vst v5  }
0xdf: {  	[tilespmem:s22+$0x170] =	vst v5  }
0xe0: {  	[tilespmem:s22+$0x180] =	vst v5  }
0xe1: {  	[tilespmem:s22+$0x190] =	vst v5  }
0xe2: {  	[tilespmem:s22+$0x1A0] =	vst v5  }
0xe3: {  	[tilespmem:s22+$0x1B0] =	vst v5  }
0xe4: {  	[tilespmem:s22+$0x1C0] =	vst v5  }
0xe5: {  	[tilespmem:s22+$0x1D0] =	vst v5  }
0xe6: {  	[tilespmem:s22+$0x1E0] =	vst v5  }
0xe7: {  	[tilespmem:s22+$0x1F0] =	vst v5  }
0xe8: {  	[tilespmem:s22+$0x200] =	vst v5  }
0xe9: {  	[tilespmem:s22+$0x210] =	vst v5  }
0xea: {  	[tilespmem:s22+$0x220] =	vst v5  }
0xeb: {  	[tilespmem:s22+$0x230] =	vst v5  }
0xec: {  	[tilespmem:s22+$0x240] =	vst v5  }
0xed: {  	[tilespmem:s22+$0x250] =	vst v5  }
0xee: {  	[tilespmem:s22+$0x260] =	vst v5  }
0xef: {  	[tilespmem:s22+$0x270] =	vst v5  }
0xf0: {  	[tilespmem:s22+$0x280] =	vst v5  }
0xf1: {  	[tilespmem:s22+$0x290] =	vst v5  }
0xf2: {  	[tilespmem:s22+$0x2A0] =	vst v5  }
0xf3: {  	[tilespmem:s22+$0x2B0] =	vst v5  }
0xf4: {  	[tilespmem:s22+$0x2C0] =	vst v5  }
0xf5: {  	[tilespmem:s22+$0x2D0] =	vst v5  }
0xf6: {  	[tilespmem:s22+$0x2E0] =	vst v5  }
0xf7: {  	[tilespmem:s22+$0x2F0] =	vst v5  }
0xf8: {  	[tilespmem:s22+$0x300] =	vst v5  }
0xf9: {  	[tilespmem:s22+$0x310] =	vst v5  }
0xfa: {  	[tilespmem:s22+$0x320] =	vst v5  }
0xfb: {  	[tilespmem:s22+$0x330] =	vst v5  }
0xfc: {  	[tilespmem:s22+$0x340] =	vst v5  }
0xfd: {  	[tilespmem:s22+$0x350] =	vst v5  }
0xfe: {  	[tilespmem:s22+$0x360] =	vst v5  }
0xff: {  	[tilespmem:s22+$0x370] =	vst v5  }
0x100: {  	[tilespmem:s22+$0x380] =	vst v5  }
0x101: {  	[tilespmem:s22+$0x390] =	vst v5  }
0x102: {  	[tilespmem:s22+$0x3A0] =	vst v5  }
0x103: {  	[tilespmem:s22+$0x3B0] =	vst v5  }
0x104: {  	[tilespmem:s22+$0x3C0] =	vst v5  }
0x105: {  	[tilespmem:s22+$0x3D0] =	vst v5  }
0x106: {  	[tilespmem:s22+$0x3E0] =	vst v5  }
0x107: {  	[tilespmem:v6+s19+$0x0] =	vst.idx.msk $0xffff, v5  }
0x108: {  	[tilespmem:v7+s19+$0x0] =	vst.idx.msk $0xffff, v5  }
0x109: {  	[tilespmem:v8+s19+$0x0] =	vst.idx.msk $0xffff, v5  }
0x10a: {  	[tilespmem:v9+s19+$0x0] =	vst.idx.msk $0x7fff, v5  }
0x10b: {  	[tilespmem:v10+s19+$0x0] =	vst.idx.msk $0xffff, v5  }
0x10c: {  	[tilespmem:v11+s19+$0x0] =	vst.idx.msk $0xffff, v5  }
0x10d: {  	[tilespmem:v12+s19+$0x0] =	vst.idx.msk $0xffff, v5  }
0x10e: {  	[tilespmem:v13+s19+$0x0] =	vst.idx.msk $0x7fff, v5  }
0x10f: {  	[tilespmem:v14+s19+$0x0] =	vst.idx.msk $0xffff, v5  }
0x110: {  	[tilespmem:v15+s19+$0x0] =	vst.idx.msk $0xffff, v5  }
0x111: {  	[tilespmem:v16+s19+$0x0] =	vst.idx.msk $0xffff, v5  }
0x112: {  	[tilespmem:v17+s19+$0x0] =	vst.idx.msk $0x7fff, v5  }
0x113: {  	[tilespmem:v18+s19+$0x0] =	vst.idx.msk $0xffff, v5  }
0x114: {  	[tilespmem:v19+s19+$0x0] =	vst.idx.msk $0xffff, v5  }
0x115: {  	[tilespmem:v20+s19+$0x0] =	vst.idx.msk $0xffff, v5  }
0x116: {  	[tilespmem:v21+s19+$0x0] =	vst.idx.msk $0x7fff, v5  }
0x117: {  	[tilespmem:v22+s19+$0x0] =	vst.idx.msk $0xffff, v5  }
0x118: {  	[tilespmem:v23+s19+$0x0] =	vst.idx.msk $0xffff, v5  }
0x119: {  	[tilespmem:v24+s19+$0x0] =	vst.idx.msk $0xffff, v5  }
0x11a: {  	[tilespmem:v25+s19+$0x0] =	vst.idx.msk $0x7fff, v5  }
0x11b: {  	[tilespmem:v26+s19+$0x0] =	vst.idx.msk $0xffff, v5  }
0x11c: {  	[tilespmem:v27+s19+$0x0] =	vst.idx.msk $0xffff, v5  }
0x11d: {  	[tilespmem:v28+s19+$0x0] =	vst.idx.msk $0xffff, v5  }
0x11e: {  	[tilespmem:v29+s19+$0x0] =	vst.idx.msk $0x7fff, v5  }
0x11f: {  	[tilespmem:v30+s19+$0x0] =	vst.idx.msk $0xffff, v5  }
0x120: {  	[tilespmem:v31+s19+$0x0] =	vst.idx.msk $0xffff, v5  }
0x121: {  	[tilespmem:v32+s19+$0x0] =	vst.idx.msk $0xffff, v5  }
0x122: {  	[tilespmem:v33+s19+$0x0] =	vst.idx.msk $0x7fff, v5  }
0x123: {  	[tilespmem:v34+s19+$0x0] =	vst.idx.msk $0xffff, v5  }
0x124: {  	[tilespmem:v35+s19+$0x0] =	vst.idx.msk $0xffff, v5  }
0x125: {  	[tilespmem:v36+s19+$0x0] =	vst.idx.msk $0xffff, v5  }
0x126: {  	[tilespmem:v37+s19+$0x0] =	vst.idx.msk $0x7fff, v5  }
0x127: {  	_ =	swait.ge [sflag:s20], $0x80  }
0x128: {  	[sflag:s20] =	ssyncset.done $0x0  }
0x129: {  	[sflag:s20] =	ssyncadd.s32 $0xFFFFFF80  }
0x12a: {  	_ =	swait.ge [sflag:s20], $0x80  }
0x12b: {  	[sflag:s20] =	ssyncset.done $0x0  }
0x12c: {  	[sflag:s20] =	ssyncadd.s32 $0xFFFFFF80  }
0x12d: {  	_ =	swait.ge [sflag:s20], $0x80  }
0x12e: {  	[sflag:s20] =	ssyncset.done $0x0  }
0x12f: {  	[sflag:s20] =	ssyncadd.s32 $0xFFFFFF80  }
0x130: {  	_ =	swait.ge [sflag:s20], $0x80  }
0x131: {  	[sflag:s20] =	ssyncset.done $0x0  }
0x132: {  	[sflag:s20] =	ssyncadd.s32 $0xFFFFFF80  }
0x133: {  	_ =	swait.ge [sflag:s20], $0x80  }
0x134: {  	[sflag:s20] =	ssyncset.done $0x0  }
0x135: {  	[sflag:s20] =	ssyncadd.s32 $0xFFFFFF80  }
0x136: {  	_ =	swait.ge [sflag:s20], $0x80  }
0x137: {  	[sflag:s20] =	ssyncset.done $0x0  }
0x138: {  	[sflag:s20] =	ssyncadd.s32 $0xFFFFFF80  }
0x139: {  	_ =	swait.ge [sflag:s20], $0x80  }
0x13a: {  	[sflag:s20] =	ssyncset.done $0x0  }
0x13b: {  	[sflag:s20] =	ssyncadd.s32 $0xFFFFFF80  }
0x13c: {  	_ =	swait.ge [sflag:s20], $0x80  }
0x13d: {  	[sflag:s20] =	ssyncset.done $0x0  }
0x13e: {  	[sflag:s20] =	ssyncadd.s32 $0xFFFFFF80  }
0x13f: {  	_ =	swait.ge [sflag:s20], $0x80  }
0x140: {  	[sflag:s20] =	ssyncset.done $0x0  }
0x141: {  	[sflag:s20] =	ssyncadd.s32 $0xFFFFFF80  }
0x142: {  	_ =	swait.ge [sflag:s20], $0x80  }
0x143: {  	[sflag:s20] =	ssyncset.done $0x0  }
0x144: {  	[sflag:s20] =	ssyncadd.s32 $0xFFFFFF80  }
0x145: {  	_ =	swait.ge [sflag:s20], $0x80  }
0x146: {  	[sflag:s20] =	ssyncset.done $0x0  }
0x147: {  	[sflag:s20] =	ssyncadd.s32 $0xFFFFFF80  }
0x148: {  	_ =	swait.ge [sflag:s20], $0x80  }
0x149: {  	[sflag:s20] =	ssyncset.done $0x0  }
0x14a: {  	[sflag:s20] =	ssyncadd.s32 $0xFFFFFF80  }
0x14b: {  	_ =	swait.ge [sflag:s20], $0x80  }
0x14c: {  	[sflag:s20] =	ssyncset.done $0x0  }
0x14d: {  	[sflag:s20] =	ssyncadd.s32 $0xFFFFFF80  }
0x14e: {  	_ =	swait.ge [sflag:s20], $0x80  }
0x14f: {  	[sflag:s20] =	ssyncset.done $0x0  }
0x150: {  	[sflag:s20] =	ssyncadd.s32 $0xFFFFFF80  }
0x151: {  	_ =	swait.ge [sflag:s20], $0x80  }
0x152: {  	[sflag:s20] =	ssyncset.done $0x0  }
0x153: {  	[sflag:s20] =	ssyncadd.s32 $0xFFFFFF80  }
0x154: {  	_ =	swait.ge [sflag:s20], $0x80  }
0x155: {  	[sflag:s20] =	ssyncset.done $0x0  }
0x156: {  	s31 =	simm.s32 $0x0;
	[sflag:s20] =	ssyncadd.s32 $0xFFFFFF80  }
0x157: {  	v40 =	vld [tilespmem:s31+$0x19C50]  }
0x158: {  	v41 =	vld [tilespmem:s31+$0x1A000]  }
0x159: {  	v42 =	vld [tilespmem:s31+$0x19C00]  }
0x15a: {  	v43 =	vld [tilespmem:s31+$0x19C10]  }
0x15b: {  	v44 =	vld [tilespmem:s31+$0x1A010]  }
0x15c: {  	v45 =	vld [tilespmem:s31+$0x19C20]  }
0x15d: {  	v46 =	vld [tilespmem:s31+$0x1A020]  }
0x15e: {  	v55 =	vld [tilespmem:s31+$0x19C30];
	v41 =	vmul.f32 v41, v42  }
0x15f: {  	v47 =	vld [tilespmem:s31+$0x1A030]  }
0x160: {  	v56 =	vld [tilespmem:s31+$0x19C40];
	v43 =	vmul.f32 v44, v43;
	v41 =	vadd.f32 $0.0e+00, v41  }
0x161: {  	v48 =	vld [tilespmem:s31+$0x1A040]  }
0x162: {  	v58 =	vld [tilespmem:s31+$0x1A050];
	v57 =	vmul.f32 v46, v45;
	v41 =	vadd.f32 v43, v41  }
0x163: {  	v59 =	vld [tilespmem:s31+$0x19C60]  }
0x164: {  	v60 =	vld [tilespmem:s31+$0x1A060];
	v42 =	vmul.f32 v47, v55;
	v41 =	vadd.f32 v57, v41;
	_ =	sdelay $0x1  }
0x165: {  	v61 =	vmul.f32 v48, v56;
	v41 =	vadd.f32 v42, v41;
	_ =	sdelay $0x1  }
0x166: {  	v40 =	vmul.f32 v58, v40;
	v41 =	vadd.f32 v61, v41  }
0x167: {  	v62 =	vmul.f32 v60, v59  }
0x168: {  	v40 =	vadd.f32 v40, v41  }
0x169: {  	v63 =	vnsel vm0, $0x0, v62  }
0x16a: {  	v40 =	vadd.f32 v63, v40;
	_ =	sdelay $0x1  }
0x16b: {  	v40 =	vadd.f32 $0.0e+00, v40;
	_ =	sdelay $0x1  }
0x16c: {  	(xrf2) =	vadd.scan.msk.f32 $0xffff, v40;
	_ =	sdelay $0x9  }
0x16d: {  	v40, _, _ =	vpop (xrf2)  }
0x16e: {  	v40 =	vmax.f32 v40, $9.999999710e-10  }
0x16f: {  	v40 =	vbroadcast v40, $0xF;
	_ =	sdelay $0x1  }
0x170: {  	(erf) = vrcp.f32 v40;
	_ =	sdelay $0x8  }
0x171: {  	s23 =	simm.s32 $0x1A400;
	v40 =	vpop (erf)  }
0x172: {  	s25 =	simm.s32 $0x80;
	[tilespmem:s23+$0x0] =	vst v40  }
0x173: {  	v40 =	vld [tilespmem:s25+$0x19C50]  }
0x174: {  	s22 =	simm.s32 $0x0;
	s24 =	simm.s32 $0x400;
	v41 =	vld [tilespmem:s25+$0x1A000]  }
.LBB2_6:
0x175: {  	p1 =	sne.s32 s24, $0xE00;
	v42 =	vld [tilespmem:s25+$0x19C00]  }
0x176: {  	v43 =	vld [tilespmem:s25+$0x19C10]  }
0x177: {  	v44 =	vld [tilespmem:s25+$0x1A010]  }
0x178: {  	v45 =	vld [tilespmem:s25+$0x19C20]  }
0x179: {  	v46 =	vld [tilespmem:s25+$0x1A020]  }
0x17a: {  	v41 =	vmul.f32 v41, v42;
	v42 =	vld [tilespmem:s25+$0x19C30]  }
0x17b: {  	v47 =	vld [tilespmem:s25+$0x1A030]  }
0x17c: {  	v41 =	vadd.f32 $0.0e+00, v41;
	v43 =	vmul.f32 v44, v43;
	v44 =	vld [tilespmem:s25+$0x19C40]  }
0x17d: {  	v48 =	vld [tilespmem:s25+$0x1A040]  }
0x17e: {  	v41 =	vadd.f32 v43, v41;
	v43 =	vmul.f32 v46, v45;
	v45 =	vld [tilespmem:s25+$0x1A050]  }
0x17f: {  	v46 =	vld [tilespmem:s25+$0x19C60]  }
0x180: {  	v41 =	vadd.f32 v43, v41;
	v42 =	vmul.f32 v47, v42;
	v43 =	vld [tilespmem:s25+$0x1A060];
	_ =	sdelay $0x1  }
0x181: {  	v41 =	vadd.f32 v42, v41;
	v42 =	vmul.f32 v48, v44;
	_ =	sdelay $0x1  }
0x182: {  	v40 =	vmul.f32 v45, v40;
	v41 =	vadd.f32 v42, v41  }
0x183: {  	v42 =	vmul.f32 v43, v46  }
0x184: {  	v40 =	vadd.f32 v40, v41  }
0x185: {  	v41 =	vnsel vm0, $0x0, v42  }
0x186: {  	v40 =	vadd.f32 v41, v40;
	_ =	sdelay $0x1  }
0x187: {  	v40 =	vadd.f32 $0.0e+00, v40;
	_ =	sdelay $0x1  }
0x188: {  	(xrf2) =	vadd.scan.msk.f32 $0xffff, v40;
	_ =	sdelay $0x9  }
0x189: {  	v40, _, _ =	vpop (xrf2)  }
0x18a: {  	v40 =	vmax.f32 v40, $9.999999710e-10  }
0x18b: {  	v40 =	vbroadcast v40, $0xF;
	_ =	sdelay $0x1  }
0x18c: {  	(erf) = vrcp.f32 v40;
	_ =	sdelay $0x7  }
.Ltmp4:
0x18d: {  	(pc) =	sbr.rel @p1 .LBB2_6-.Ltmp4, $4  }
0x18e: {  	s23 =	sadd.s32 $0x10, s23;
	v40 =	vpop (erf)  }
0x18f: {  	s25 =	sshra.s32 s24, $0x2;
	[tilespmem:s23+$0x0] =	vst v40  }
0x190: {  	v40 =	vld [tilespmem:s25+$0x19C50]  }
0x191: {  	s24 =	sadd.s32 $0x200, s24;
	v41 =	vld [tilespmem:s25+$0x1A000]  }
0x192: {  	v42 =	vld [tilespmem:s25+$0x19C00]  }
0x193: {  	v43 =	vld [tilespmem:s25+$0x19C10]  }
0x194: {  	v44 =	vld [tilespmem:s25+$0x1A010]  }
0x195: {  	v45 =	vld [tilespmem:s25+$0x19C20]  }
0x196: {  	v46 =	vld [tilespmem:s25+$0x1A020]  }
0x197: {  	v62 =	vld [tilespmem:s25+$0x19C30];
	v41 =	vmul.f32 v41, v42  }
0x198: {  	v47 =	vld [tilespmem:s25+$0x1A030]  }
0x199: {  	v63 =	vld [tilespmem:s25+$0x19C40];
	v43 =	vmul.f32 v44, v43;
	v41 =	vadd.f32 $0.0e+00, v41  }
0x19a: {  	v48 =	vld [tilespmem:s25+$0x1A040]  }
0x19b: {  	v51 =	vld [tilespmem:s25+$0x1A050];
	v50 =	vmul.f32 v46, v45;
	v41 =	vadd.f32 v43, v41  }
0x19c: {  	v52 =	vld [tilespmem:s25+$0x19C60]  }
0x19d: {  	v53 =	vld [tilespmem:s25+$0x1A060];
	v42 =	vmul.f32 v47, v62;
	v41 =	vadd.f32 v50, v41;
	_ =	sdelay $0x1  }
0x19e: {  	v54 =	vmul.f32 v48, v63;
	v41 =	vadd.f32 v42, v41;
	_ =	sdelay $0x1  }
0x19f: {  	v40 =	vmul.f32 v51, v40;
	v41 =	vadd.f32 v54, v41  }
0x1a0: {  	v55 =	vmul.f32 v53, v52  }
0x1a1: {  	v40 =	vadd.f32 v40, v41  }
0x1a2: {  	v56 =	vnsel vm0, $0x0, v55  }
0x1a3: {  	v40 =	vadd.f32 v56, v40;
	_ =	sdelay $0x1  }
0x1a4: {  	v40 =	vadd.f32 $0.0e+00, v40;
	_ =	sdelay $0x1  }
0x1a5: {  	(xrf2) =	vadd.scan.msk.f32 $0xffff, v40;
	_ =	sdelay $0x9  }
0x1a6: {  	v40, _, _ =	vpop (xrf2)  }
0x1a7: {  	v40 =	vmax.f32 v40, $9.999999710e-10  }
0x1a8: {  	v40 =	vbroadcast v40, $0xF;
	_ =	sdelay $0x1  }
0x1a9: {  	(erf) = vrcp.f32 v40;
	_ =	sdelay $0x8  }
0x1aa: {  	s23 =	sadd.s32 $0x10, s23;
	v40 =	vpop (erf)  }
0x1ab: {  	s31 =	simm.s32 $0x19000;
	[tilespmem:s23+$0x0] =	vst v40  }
0x1ac: {  	s24 =	simm.s32 $0x18C00;
	v40 =	vld [tilespmem:s31+$0x0]  }
0x1ad: {  	v57 =	vld [tilespmem:s24+$0x0];
	_ =	sdelay $0x3  }
0x1ae: {  	s1 =	sand.u32 $0x70, s22  }
0x1af: {  	v58 =	vmov s1;
	v40 =	vadd.s32 v57, v40  }
0x1b0: {  	vm1 =	vlt.u32 v58, v38;
	s23 =	simm.s32 $0x1A000;
	vm2 =	vge.s32 v40, v0  }
0x1b1: {  	s24 =	simm.s32 $0x19C00;
	v59 =	vld [tilespmem:s23+$0x0];
	vm1 =	vmand vm1, vm2;
	vm2 =	vlt.s32 v40, v1  }
0x1b2: {  	s26 =	simm.s32 $0x0;
	v60 =	vld [tilespmem:s24+$0x0];
	vm1 =	vmand vm2, vm1  }
0x1b3: {  	s25 =	sand.u32 $0x3FFFFFF0, s26;
	v62 =	vsel vm1, $0x1, v39  }
0x1b4: {  	v61 =	vld [tilespmem:s25+$0x1A400];
	(xrf0) =	vadd.scan.msk.s32 $0xffff, v62;
	_ =	sdelay $0x2  }
0x1b5: {  	s31 =	simm.s32 $0x0;
	v41 =	vmul.f32 v59, v60  }
0x1b6: {  	s25 =	sand.u32 $0xFFFC0000, s31  }
0x1b7: {  	v40 =	vadd.s32 s25, v40;
	v41 =	vmul.f32 v61, v41  }
0x1b8: {  	[tilespmem:s22+$0x1A480] =	vst.msk vm1, v40;
	v63, _, _ =	vpop (xrf0)  }
0x1b9: {  	s28 =	simm.s32 $0x19010;
	[tilespmem:s22+$0x1A900] =	vst.msk vm1, v41;
	(v2sf) =	vpush v63, $0xF  }
0x1ba: {  	s29 =	simm.s32 $0x18C10;
	v40 =	vld [tilespmem:s28+$0x0]  }
0x1bb: {  	s30 =	simm.s32 $0x2;
	s26 =	simm.s32 $0x0;
	s25 =	simm.s32 $0x1;
	v41 =	vld [tilespmem:s29+$0x0]  }
.LBB2_8:
0x1bc: {  	p1 =	sne.s32 s30, $0x3F;
	_ =	sdelay $0x1  }
0x1bd: {  	s22 =	sadd.s32 $0x10, s22  }
0x1be: {  	s1 =	sshll.u32 s25, $0xF;
	s31 =	sand.u32 $0x70, s22  }
0x1bf: {  	s23 =	sadd.s32 $0x10, s23;
	s1 =	sand.u32 $0xFFFC0000, s1;
	v42 =	vmov s31;
	v40 =	vadd.s32 v41, v40  }
0x1c0: {  	s24 =	sadd.s32 $0x10, s24;
	vm1 =	vlt.u32 v42, v38;
	v41 =	vld [tilespmem:s23+$0x0];
	vm2 =	vge.s32 v40, v0;
	v42 =	vadd.s32 s1, v40  }
0x1c1: {  	s1 =	sshll.u32 s25, $0x1;
	s25 =	smov.u32 s30;
	v43 =	vld [tilespmem:s24+$0x0];
	vm1 =	vmand vm1, vm2;
	vm2 =	vlt.s32 v40, v1  }
0x1c2: {  	s1 =	sand.u32 $0x3FFFFFF0, s1;
	vm1 =	vmand vm2, vm1  }
0x1c3: {  	v40 =	vld [tilespmem:s1+$0x1A400];
	v44 =	vsel vm1, $0x1, v39  }
0x1c4: {  	(xrf0) =	vadd.scan.msk.s32 $0xffff, v44;
	_ =	sdelay $0x1  }
0x1c5: {  	v41 =	vmul.f32 v41, v43  }
0x1c6: {  	s1 =	spop (v2sf)  }
0x1c7: {  	v41 =	vmul.f32 v40, v41;
	s26 =	sadd.s32 s26, s1  }
.Ltmp5:
0x1c8: {  	[tilespmem:s26+$0x1A480] =	vst.msk vm1, v42;
	(pc) =	sbr.rel @p1 .LBB2_8-.Ltmp5, $4  }
0x1c9: {  	[tilespmem:s26+$0x1A900] =	vst.msk vm1, v41;
	v40, _, _ =	vpop (xrf0)  }
0x1ca: {  	s28 =	sadd.s32 $0x10, s28;
	(v2sf) =	vpush v40, $0xF  }
0x1cb: {  	s29 =	sadd.s32 $0x10, s29;
	v40 =	vld [tilespmem:s28+$0x0]  }
0x1cc: {  	s30 =	sadd.s32 $0x1, s30;
	v41 =	vld [tilespmem:s29+$0x0]  }
0x1cd: {  	_ =	sdelay $0x1  }
0x1ce: {  	s1 =	sadd.s32 $0x10, s22  }
0x1cf: {  	s1 =	sand.u32 $0x70, s1  }
0x1d0: {  	v42 =	vmov s1;
	v40 =	vadd.s32 v41, v40  }
0x1d1: {  	vm1 =	vlt.u32 v42, v38;
	vm2 =	vge.s32 v40, v0  }
0x1d2: {  	vm1 =	vmand vm1, vm2;
	vm2 =	vlt.s32 v40, v1  }
0x1d3: {  	vm1 =	vmand vm2, vm1  }
0x1d4: {  	v61 =	vsel vm1, $0x1, v39  }
0x1d5: {  	(xrf0) =	vadd.scan.msk.s32 $0xffff, v61;
	_ =	sdelay $0x5  }
0x1d6: {  	v41, _, _ =	vpop (xrf0)  }
0x1d7: {  	(v2sf) =	vpush v41, $0xF;
	_ =	sdelay $0xb  }
0x1d8: {  	s31 =	sadd.s32 $0x10, s23  }
0x1d9: {  	s22 =	sadd.s32 $0x10, s24;
	s23 =	sshll.u32 s25, $0x1;
	v62 =	vld [tilespmem:s31+$0x0]  }
0x1da: {  	v63 =	vld [tilespmem:s22+$0x0];
	s1 =	sand.u32 $0x3FFFFFF0, s23;
	s24 =	spop (v2sf)  }
0x1db: {  	v43 =	vld [tilespmem:s1+$0x1A400];
	s1 =	sadd.s32 s26, s24;
	s26 =	spop (v2sf)  }
0x1dc: {  	s29 =	sadd.s32 s1, s26  }
0x1dd: {  	s31 =	sadd.s32 $0xF, s29  }
0x1de: {  	s22 =	sshra.s32 s31, $0x4  }
0x1df: {  	p1 =	slt.s32 s22, $0x1  }
.Ltmp6:
0x1e0: {  	s28 =	sshll.u32 s25, $0xF;
	v41 =	vmul.f32 v62, v63;
	(pc) =	sbr.rel @p1 .LBB2_23-.Ltmp6, $4  }
0x1e1: {  	s30 =	sand.u32 $0xFFFC0000, s28  }
0x1e2: {  	v40 =	vadd.s32 s30, v40;
	v41 =	vmul.f32 v43, v41  }
0x1e3: {  	[tilespmem:s1+$0x1A480] =	vst.msk vm1, v40  }
0x1e4: {  	[tilespmem:s1+$0x1A900] =	vst.msk vm1, v41;
	v40 =	vmov s29  }
0x1e5: {  	p3 =	sne.s32 s22, $0x1  }
.Ltmp7:
0x1e6: {  	_ = 	snop;
	(pc) =	sbr.rel @!p3 .LBB2_11-.Ltmp7, $3  }
0x1e7: {  	_ =	sdelay $0x1  }
0x1e8: {  	s25 =	simm.s32 $0x1A480;
	s26 =	simm.s32 $0x1A900  }
0x1e9: {  	s23 =	simm.s32 $0x0;
	s24 =	sadd.s32 $0xFFFFFFFF, s22;
	p2 =	por $0x0, $0x0;
	v41 =	vld [tilespmem:s25+$0x0]  }
0x1ea: {  	_ =	sdelay $0x3  }
0x1eb: {  	v42 =	vand.u32 $0x3FFFF, v41  }
0x1ec: {  	v42 =	vsub.s32 v42, v0  }
0x1ed: {  	vm1 =	vgt.s32 v42, $0x0  }
0x1ee: {  	v60 =	vshra.s32 v41, $0x12;
	v43 =	vnsel vm1, $0x0, v42  }
0x1ef: {  	v44 =	vshrl.u32 v60, $0x3;
	v43 =	vmin.u32 v43, $0x30FF  }
0x1f0: {  	v45 =	vor.u32 s23, v6;
	v44 =	vmul.u32 $0x18800, v44;
	v46 =	vshll.u32 v43, $0x3  }
0x1f1: {  	v41 =	vshll.u32 v60, $0x7;
	vm2 =	vlt.u32 v42, $0x3100;
	v61 =	vand.u32 $0x1FC00, v46  }
0x1f2: {  	v41 =	vand.u32 $0x380, v41;
	vm1 =	vlt.s32 v45, v40;
	v62 =	vadd.s32 v44, v61  }
0x1f3: {  	vm1 =	vmand vm1, vm2;
	v43 =	vand.u32 $0x7F, v43;
	v41 =	vor.u32 v41, v62  }
0x1f4: {  	v63 =	vld [tilespmem:s26+$0x0];
	v41 =	vor.u32 v43, v41  }
0x1f5: {  	p3 =	sne.s32 s24, $0x1  }
.Ltmp8:
0x1f6: {  	_ = 	snop;
	(pc) =	sbr.rel @!p3 .LBB2_13-.Ltmp8, $3  }
0x1f7: {  	_ =	sdelay $0x1  }
0x1f8: {  	s30 =	simm.s32 $0x1A490;
	s31 =	sadd.s32 $0xFFFFFFFF, s24;
	[tilespmem:v41+s2+$0x0] =	vst.idx.add.f32.msk vm1, v63  }
0x1f9: {  	p2 =	por $0x1, $0x1;
	s29 =	simm.s32 $0x0;
	s28 =	simm.s32 $0x1A900;
	v41 =	vld [tilespmem:s30+$0x0]  }
.LBB2_14:
0x1fa: {  	p3 =	sne.s32 s31, $0x1;
	_ =	sdelay $0x3  }
0x1fb: {  	v42 =	vand.u32 $0x3FFFF, v41  }
0x1fc: {  	v42 =	vsub.s32 v42, v0  }
0x1fd: {  	vm1 =	vgt.s32 v42, $0x0  }
0x1fe: {  	v41 =	vshra.s32 v41, $0x12;
	v43 =	vnsel vm1, $0x0, v42  }
0x1ff: {  	s29 =	sadd.s32 $0x10, s29;
	v44 =	vshrl.u32 v41, $0x3;
	v43 =	vmin.u32 v43, $0x30FF  }
0x200: {  	v45 =	vor.u32 s29, v6;
	v44 =	vmul.u32 $0x18800, v44;
	v46 =	vshll.u32 v43, $0x3  }
0x201: {  	v41 =	vshll.u32 v41, $0x7;
	vm1 =	vlt.s32 v45, v40;
	v45 =	vand.u32 $0x1FC00, v46  }
0x202: {  	vm2 =	vlt.u32 v42, $0x3100;
	v41 =	vand.u32 $0x380, v41;
	v42 =	vadd.s32 v44, v45  }
0x203: {  	s28 =	sadd.s32 $0x10, s28;
	vm1 =	vmand vm1, vm2;
	v43 =	vand.u32 $0x7F, v43;
	v41 =	vor.u32 v41, v42  }
0x204: {  	v42 =	vld [tilespmem:s28+$0x0];
	v41 =	vor.u32 v43, v41;
	_ =	sdelay $0x1  }
.Ltmp9:
0x205: {  	(pc) =	sbr.rel @p3 .LBB2_14-.Ltmp9, $3  }
0x206: {  	_ =	sdelay $0x1  }
0x207: {  	s30 =	sadd.s32 $0x10, s30;
	[tilespmem:v41+s2+$0x0] =	vst.idx.add.f32.msk vm1, v42  }
0x208: {  	s31 =	sadd.s32 $0xFFFFFFFF, s31;
	v41 =	vld [tilespmem:s30+$0x0]  }
.LBB2_15:
0x209: {  	_ =	sdelay $0x3  }
0x20a: {  	v42 =	vand.u32 $0x3FFFF, v41  }
0x20b: {  	v42 =	vsub.s32 v42, v0  }
0x20c: {  	vm1 =	vgt.s32 v42, $0x0  }
0x20d: {  	s1 =	sadd.s32 @p2 $0x10, s29;
	s29 =	simm.s32 $0x0;
	v60 =	vshra.s32 v41, $0x12;
	v43 =	vnsel vm1, $0x0, v42  }
0x20e: {  	s29 =	smov.u32 @p2 s1;
	v44 =	vshrl.u32 v60, $0x3;
	v43 =	vmin.u32 v43, $0x30FF  }
0x20f: {  	v45 =	vor.u32 s29, v6;
	v44 =	vmul.u32 $0x18800, v44;
	v46 =	vshll.u32 v43, $0x3  }
0x210: {  	v41 =	vshll.u32 v60, $0x7;
	vm2 =	vlt.u32 v42, $0x3100;
	v61 =	vand.u32 $0x1FC00, v46  }
0x211: {  	s1 =	sadd.s32 @p2 $0x10, s28;
	v41 =	vand.u32 $0x380, v41;
	vm1 =	vlt.s32 v45, v40;
	v62 =	vadd.s32 v44, v61  }
0x212: {  	s26 =	smov.u32 @p2 s1;
	vm1 =	vmand vm1, vm2;
	v43 =	vand.u32 $0x7F, v43;
	v41 =	vor.u32 v41, v62  }
0x213: {  	v63 =	vld [tilespmem:s26+$0x0];
	v41 =	vor.u32 v43, v41;
	_ =	sdelay $0x4  }
0x214: {  	[tilespmem:v41+s2+$0x0] =	vst.idx.add.f32.msk vm1, v63  }
0x215: {  	[hbm4b:s8+s23] =	stream.linear.scatter [tilespmem:s23], [sflag:$0x2], $0x18800, $0x38;
	[tilespmem:$0x1AD80] =	vst v63  }
0x216: {  	_ =	swait.ge [sflag:s15], $0x18800  }
0x217: {  	s28 =	simm.s32 $0x1A480;
	[sflag:s15] =	ssyncset.done $0x0  }
0x218: {  	s29 =	smov.u32 s22;
	s26 =	simm.s32 $0x0;
	[sflag:s15] =	ssyncadd.s32 $0xFFFE7800  }
.LBB2_16:
0x219: {  	v41 =	vld [tilespmem:s28+$0x0];
	_ =	sdelay $0x4  }
0x21a: {  	v42 =	vand.u32 $0x3FFFF, v41  }
0x21b: {  	v42 =	vsub.s32 v42, v0  }
0x21c: {  	vm1 =	vgt.s32 v42, $0x0  }
0x21d: {  	v41 =	vshra.s32 v41, $0x12;
	v43 =	vnsel vm1, $0x0, v42  }
0x21e: {  	v44 =	vshrl.u32 v41, $0x3;
	v43 =	vmin.u32 v43, $0x30FF  }
0x21f: {  	v45 =	vor.u32 s26, v6;
	v44 =	vmul.u32 $0x18800, v44;
	v46 =	vshll.u32 v43, $0x3  }
0x220: {  	v41 =	vshll.u32 v41, $0x7;
	vm2 =	vlt.u32 v42, $0x3100;
	v62 =	vand.u32 $0x1FC00, v46  }
0x221: {  	v41 =	vand.u32 $0x380, v41;
	vm1 =	vlt.s32 v45, v40;
	v44 =	vadd.s32 v44, v62  }
0x222: {  	vm1 =	vmand vm1, vm2;
	v63 =	vand.u32 $0x7F, v43;
	v41 =	vor.u32 v41, v44  }
0x223: {  	p2 =	sne.s32 s29, $0x1;
	v41 =	vor.u32 v63, v41  }
.Ltmp10:
0x224: {  	_ = 	snop;
	(pc) =	sbr.rel @p2 .LBB2_16-.Ltmp10, $2  }
0x225: {  	_ =	sdelay $0x2  }
0x226: {  	s28 =	sadd.s32 $0x10, s28;
	s26 =	sadd.s32 $0x10, s26;
	s29 =	sadd.s32 $0xFFFFFFFF, s29;
	[tilespmem:v41+s23+$0x0] =	vst.idx.msk vm1, v5  }
0x227: {  	p3 =	seq.s32 s22, $0x1  }
.Ltmp11:
0x228: {  	_ = 	snop;
	(pc) =	sbr.rel @p3 .LBB2_18-.Ltmp11, $2  }
0x229: {  	_ =	sdelay $0x2  }
0x22a: {  	s26 =	simm.s32 $0x1A900;
	v41 =	vld [tilespmem:s25+$0x0];
	p2 =	por $0x0, $0x0  }
0x22b: {  	_ =	sdelay $0x3  }
0x22c: {  	v42 =	vand.u32 $0x3FFFF, v41  }
0x22d: {  	v42 =	vsub.s32 v42, v2  }
0x22e: {  	vm1 =	vgt.s32 v42, $0x0  }
0x22f: {  	v60 =	vshra.s32 v41, $0x12;
	v43 =	vnsel vm1, $0x0, v42  }
0x230: {  	v44 =	vshrl.u32 v60, $0x3;
	v43 =	vmin.u32 v43, $0x30FF  }
0x231: {  	v45 =	vor.u32 s23, v6;
	v44 =	vmul.u32 $0x18800, v44;
	v46 =	vshll.u32 v43, $0x3  }
0x232: {  	v41 =	vshll.u32 v60, $0x7;
	vm2 =	vlt.u32 v42, $0x3100;
	v61 =	vand.u32 $0x1FC00, v46  }
0x233: {  	v41 =	vand.u32 $0x380, v41;
	vm1 =	vlt.s32 v45, v40;
	v62 =	vadd.s32 v44, v61  }
0x234: {  	vm1 =	vmand vm1, vm2;
	v43 =	vand.u32 $0x7F, v43;
	v41 =	vor.u32 v41, v62  }
0x235: {  	v63 =	vld [tilespmem:s26+$0x0];
	v41 =	vor.u32 v43, v41  }
0x236: {  	p3 =	seq.s32 s24, $0x1  }
.Ltmp12:
0x237: {  	_ = 	snop;
	(pc) =	sbr.rel @p3 .LBB2_20-.Ltmp12, $3  }
0x238: {  	_ =	sdelay $0x1  }
0x239: {  	s28 =	simm.s32 $0x1A490;
	s29 =	sadd.s32 $0xFFFFFFFF, s24;
	[tilespmem:v41+s2+$0x0] =	vst.idx.add.f32.msk vm1, v63  }
0x23a: {  	p2 =	por $0x1, $0x1;
	s25 =	simm.s32 $0x0;
	s24 =	simm.s32 $0x1A900;
	v41 =	vld [tilespmem:s28+$0x0]  }
.LBB2_21:
0x23b: {  	p3 =	seq.s32 s29, $0x1;
	_ =	sdelay $0x3  }
0x23c: {  	v42 =	vand.u32 $0x3FFFF, v41  }
0x23d: {  	v42 =	vsub.s32 v42, v2  }
0x23e: {  	vm1 =	vgt.s32 v42, $0x0  }
0x23f: {  	v41 =	vshra.s32 v41, $0x12;
	v43 =	vnsel vm1, $0x0, v42  }
0x240: {  	s25 =	sadd.s32 $0x10, s25;
	v44 =	vshrl.u32 v41, $0x3;
	v43 =	vmin.u32 v43, $0x30FF  }
0x241: {  	v45 =	vor.u32 s25, v6;
	v44 =	vmul.u32 $0x18800, v44;
	v46 =	vshll.u32 v43, $0x3  }
0x242: {  	v41 =	vshll.u32 v41, $0x7;
	vm1 =	vlt.s32 v45, v40;
	v45 =	vand.u32 $0x1FC00, v46  }
0x243: {  	vm2 =	vlt.u32 v42, $0x3100;
	v41 =	vand.u32 $0x380, v41;
	v42 =	vadd.s32 v44, v45  }
0x244: {  	s24 =	sadd.s32 $0x10, s24;
	vm1 =	vmand vm1, vm2;
	v43 =	vand.u32 $0x7F, v43;
	v41 =	vor.u32 v41, v42  }
0x245: {  	v42 =	vld [tilespmem:s24+$0x0];
	v41 =	vor.u32 v43, v41;
	_ =	sdelay $0x1  }
.Ltmp13:
0x246: {  	(pc) =	sbr.rel @!p3 .LBB2_21-.Ltmp13, $3  }
0x247: {  	_ =	sdelay $0x1  }
0x248: {  	s28 =	sadd.s32 $0x10, s28;
	[tilespmem:v41+s2+$0x0] =	vst.idx.add.f32.msk vm1, v42  }
0x249: {  	s29 =	sadd.s32 $0xFFFFFFFF, s29;
	v41 =	vld [tilespmem:s28+$0x0]  }
.LBB2_22:
0x24a: {  	_ =	sdelay $0x3  }
0x24b: {  	v42 =	vand.u32 $0x3FFFF, v41  }
0x24c: {  	v42 =	vsub.s32 v42, v2  }
0x24d: {  	vm1 =	vgt.s32 v42, $0x0  }
0x24e: {  	s1 =	sadd.s32 @p2 $0x10, s25;
	v60 =	vshra.s32 v41, $0x12;
	v43 =	vnsel vm1, $0x0, v42  }
0x24f: {  	s23 =	smov.u32 @p2 s1;
	v44 =	vshrl.u32 v60, $0x3;
	v43 =	vmin.u32 v43, $0x30FF  }
0x250: {  	v45 =	vor.u32 s23, v6;
	v44 =	vmul.u32 $0x18800, v44;
	v46 =	vshll.u32 v43, $0x3  }
0x251: {  	v41 =	vshll.u32 v60, $0x7;
	vm2 =	vlt.u32 v42, $0x3100;
	v61 =	vand.u32 $0x1FC00, v46  }
0x252: {  	s1 =	sadd.s32 @p2 $0x10, s24;
	v41 =	vand.u32 $0x380, v41;
	vm1 =	vlt.s32 v45, v40;
	v62 =	vadd.s32 v44, v61  }
0x253: {  	s26 =	smov.u32 @p2 s1;
	vm1 =	vmand vm1, vm2;
	v43 =	vand.u32 $0x7F, v43;
	v41 =	vor.u32 v41, v62  }
0x254: {  	v63 =	vld [tilespmem:s26+$0x0];
	v41 =	vor.u32 v43, v41  }
.Ltmp14:
0x255: {  	_ = 	snop;
	(pc) =	sbr.rel .LBB2_24-.Ltmp14, $2  }
0x256: {  	_ =	sdelay $0x2  }
0x257: {  	[tilespmem:v41+s2+$0x0] =	vst.idx.add.f32.msk vm1, v63  }
.LBB2_23:
0x258: {  	[hbm4b:s8+s2] =	stream.linear.scatter [tilespmem:s2], [sflag:$0x2], $0x18800, $0x38;
	[tilespmem:$0x1AD80] =	vst v63  }
0x259: {  	_ =	swait.ge [sflag:s15], $0x18800  }
0x25a: {  	[sflag:s15] =	ssyncset.done $0x0  }
0x25b: {  	[sflag:s15] =	ssyncadd.s32 $0xFFFE7800  }
.LBB2_24:
.Ltmp15:
0x25c: {  	(pc) =	sbr.rel @p1 .LBB2_37-.Ltmp15, $4  }
0x25d: {  	[hbm4b:s9+s2] =	stream.linear.scatter [tilespmem:s2], [sflag:$0x2], $0x18800, $0x38;
	[tilespmem:$0x1AD80] =	vst v63  }
0x25e: {  	_ =	swait.ge [sflag:s15], $0x18800  }
0x25f: {  	[sflag:s15] =	ssyncset.done $0x0  }
0x260: {  	[sflag:s15] =	ssyncadd.s32 $0xFFFE7800  }
0x261: {  	s23 =	simm.s32 $0x1A480;
	s24 =	simm.s32 $0x0  }
0x262: {  	s25 =	simm.s32 $0x0;
	s26 =	simm.s32 $0x1A480;
	s28 =	smov.u32 s22  }
.LBB2_26:
0x263: {  	v41 =	vld [tilespmem:s26+$0x0];
	_ =	sdelay $0x4  }
0x264: {  	v42 =	vand.u32 $0x3FFFF, v41  }
0x265: {  	v42 =	vsub.s32 v42, v2  }
0x266: {  	vm1 =	vgt.s32 v42, $0x0  }
0x267: {  	v41 =	vshra.s32 v41, $0x12;
	v43 =	vnsel vm1, $0x0, v42  }
0x268: {  	v44 =	vshrl.u32 v41, $0x3;
	v43 =	vmin.u32 v43, $0x30FF  }
0x269: {  	v45 =	vor.u32 s25, v6;
	v44 =	vmul.u32 $0x18800, v44;
	v46 =	vshll.u32 v43, $0x3  }
0x26a: {  	v41 =	vshll.u32 v41, $0x7;
	vm2 =	vlt.u32 v42, $0x3100;
	v62 =	vand.u32 $0x1FC00, v46  }
0x26b: {  	v41 =	vand.u32 $0x380, v41;
	vm1 =	vlt.s32 v45, v40;
	v44 =	vadd.s32 v44, v62  }
0x26c: {  	vm1 =	vmand vm1, vm2;
	v63 =	vand.u32 $0x7F, v43;
	v41 =	vor.u32 v41, v44  }
0x26d: {  	p1 =	sne.s32 s28, $0x1;
	v41 =	vor.u32 v63, v41  }
.Ltmp16:
0x26e: {  	_ = 	snop;
	(pc) =	sbr.rel @p1 .LBB2_26-.Ltmp16, $2  }
0x26f: {  	_ =	sdelay $0x2  }
0x270: {  	s26 =	sadd.s32 $0x10, s26;
	s25 =	sadd.s32 $0x10, s25;
	s28 =	sadd.s32 $0xFFFFFFFF, s28;
	[tilespmem:v41+s24+$0x0] =	vst.idx.msk vm1, v5  }
0x271: {  	p2 =	sne.s32 s22, $0x1  }
.Ltmp17:
0x272: {  	_ = 	snop;
	(pc) =	sbr.rel @!p2 .LBB2_28-.Ltmp17, $2  }
0x273: {  	_ =	sdelay $0x2  }
0x274: {  	s25 =	simm.s32 $0x1A900;
	v41 =	vld [tilespmem:s23+$0x0];
	s23 =	sadd.s32 $0xFFFFFFFF, s22;
	p1 =	por $0x0, $0x0  }
0x275: {  	_ =	sdelay $0x3  }
0x276: {  	v42 =	vand.u32 $0x3FFFF, v41  }
0x277: {  	v42 =	vsub.s32 v42, v3  }
0x278: {  	vm1 =	vgt.s32 v42, $0x0  }
0x279: {  	v60 =	vshra.s32 v41, $0x12;
	v43 =	vnsel vm1, $0x0, v42  }
0x27a: {  	v44 =	vshrl.u32 v60, $0x3;
	v43 =	vmin.u32 v43, $0x30FF  }
0x27b: {  	v45 =	vor.u32 s24, v6;
	v44 =	vmul.u32 $0x18800, v44;
	v46 =	vshll.u32 v43, $0x3  }
0x27c: {  	v41 =	vshll.u32 v60, $0x7;
	vm2 =	vlt.u32 v42, $0x3100;
	v61 =	vand.u32 $0x1FC00, v46  }
0x27d: {  	v41 =	vand.u32 $0x380, v41;
	vm1 =	vlt.s32 v45, v40;
	v62 =	vadd.s32 v44, v61  }
0x27e: {  	vm1 =	vmand vm1, vm2;
	v43 =	vand.u32 $0x7F, v43;
	v41 =	vor.u32 v41, v62  }
0x27f: {  	v63 =	vld [tilespmem:s25+$0x0];
	v41 =	vor.u32 v43, v41  }
0x280: {  	p2 =	sne.s32 s23, $0x1  }
.Ltmp18:
0x281: {  	_ = 	snop;
	(pc) =	sbr.rel @!p2 .LBB2_30-.Ltmp18, $3  }
0x282: {  	_ =	sdelay $0x1  }
0x283: {  	s29 =	simm.s32 $0x1A490;
	s30 =	sadd.s32 $0xFFFFFFFF, s23;
	[tilespmem:v41+s2+$0x0] =	vst.idx.add.f32.msk vm1, v63  }
0x284: {  	p1 =	por $0x1, $0x1;
	s28 =	simm.s32 $0x0;
	s26 =	simm.s32 $0x1A900;
	v41 =	vld [tilespmem:s29+$0x0]  }
.LBB2_31:
0x285: {  	p2 =	sne.s32 s30, $0x1;
	_ =	sdelay $0x3  }
0x286: {  	v42 =	vand.u32 $0x3FFFF, v41  }
0x287: {  	v42 =	vsub.s32 v42, v3  }
0x288: {  	vm1 =	vgt.s32 v42, $0x0  }
0x289: {  	v41 =	vshra.s32 v41, $0x12;
	v43 =	vnsel vm1, $0x0, v42  }
0x28a: {  	s28 =	sadd.s32 $0x10, s28;
	v44 =	vshrl.u32 v41, $0x3;
	v43 =	vmin.u32 v43, $0x30FF  }
0x28b: {  	v45 =	vor.u32 s28, v6;
	v44 =	vmul.u32 $0x18800, v44;
	v46 =	vshll.u32 v43, $0x3  }
0x28c: {  	v41 =	vshll.u32 v41, $0x7;
	vm1 =	vlt.s32 v45, v40;
	v45 =	vand.u32 $0x1FC00, v46  }
0x28d: {  	vm2 =	vlt.u32 v42, $0x3100;
	v41 =	vand.u32 $0x380, v41;
	v42 =	vadd.s32 v44, v45  }
0x28e: {  	s26 =	sadd.s32 $0x10, s26;
	vm1 =	vmand vm1, vm2;
	v43 =	vand.u32 $0x7F, v43;
	v41 =	vor.u32 v41, v42  }
0x28f: {  	v42 =	vld [tilespmem:s26+$0x0];
	v41 =	vor.u32 v43, v41;
	_ =	sdelay $0x1  }
.Ltmp19:
0x290: {  	(pc) =	sbr.rel @p2 .LBB2_31-.Ltmp19, $3  }
0x291: {  	_ =	sdelay $0x1  }
0x292: {  	s29 =	sadd.s32 $0x10, s29;
	[tilespmem:v41+s2+$0x0] =	vst.idx.add.f32.msk vm1, v42  }
0x293: {  	s30 =	sadd.s32 $0xFFFFFFFF, s30;
	v41 =	vld [tilespmem:s29+$0x0]  }
.LBB2_32:
0x294: {  	_ =	sdelay $0x3  }
0x295: {  	v42 =	vand.u32 $0x3FFFF, v41  }
0x296: {  	v42 =	vsub.s32 v42, v3  }
0x297: {  	vm1 =	vgt.s32 v42, $0x0  }
0x298: {  	s1 =	sadd.s32 @p1 $0x10, s28;
	v60 =	vshra.s32 v41, $0x12;
	v43 =	vnsel vm1, $0x0, v42  }
0x299: {  	s24 =	smov.u32 @p1 s1;
	v44 =	vshrl.u32 v60, $0x3;
	v43 =	vmin.u32 v43, $0x30FF  }
0x29a: {  	v45 =	vor.u32 s24, v6;
	v44 =	vmul.u32 $0x18800, v44;
	v46 =	vshll.u32 v43, $0x3  }
0x29b: {  	v41 =	vshll.u32 v60, $0x7;
	vm2 =	vlt.u32 v42, $0x3100;
	v61 =	vand.u32 $0x1FC00, v46  }
0x29c: {  	s1 =	sadd.s32 @p1 $0x10, s26;
	v41 =	vand.u32 $0x380, v41;
	vm1 =	vlt.s32 v45, v40;
	v62 =	vadd.s32 v44, v61  }
0x29d: {  	s25 =	smov.u32 @p1 s1;
	vm1 =	vmand vm1, vm2;
	v43 =	vand.u32 $0x7F, v43;
	v41 =	vor.u32 v41, v62  }
0x29e: {  	v63 =	vld [tilespmem:s25+$0x0];
	v41 =	vor.u32 v43, v41;
	_ =	sdelay $0x4  }
0x29f: {  	s24 =	simm.s32 $0x0;
	[tilespmem:v41+s2+$0x0] =	vst.idx.add.f32.msk vm1, v63  }
0x2a0: {  	[hbm4b:s10+s24] =	stream.linear.scatter [tilespmem:s24], [sflag:$0x2], $0x18800, $0x38;
	[tilespmem:$0x1AD80] =	vst v63  }
0x2a1: {  	_ =	swait.ge [sflag:s15], $0x18800  }
0x2a2: {  	s28 =	simm.s32 $0x1A480;
	s29 =	smov.u32 s22;
	[sflag:s15] =	ssyncset.done $0x0  }
0x2a3: {  	s26 =	simm.s32 $0x0;
	s25 =	simm.s32 $0x1A480;
	[sflag:s15] =	ssyncadd.s32 $0xFFFE7800  }
.LBB2_33:
0x2a4: {  	v41 =	vld [tilespmem:s28+$0x0];
	_ =	sdelay $0x4  }
0x2a5: {  	v42 =	vand.u32 $0x3FFFF, v41  }
0x2a6: {  	v42 =	vsub.s32 v42, v3  }
0x2a7: {  	vm1 =	vgt.s32 v42, $0x0  }
0x2a8: {  	v41 =	vshra.s32 v41, $0x12;
	v43 =	vnsel vm1, $0x0, v42  }
0x2a9: {  	v44 =	vshrl.u32 v41, $0x3;
	v43 =	vmin.u32 v43, $0x30FF  }
0x2aa: {  	v45 =	vor.u32 s26, v6;
	v44 =	vmul.u32 $0x18800, v44;
	v46 =	vshll.u32 v43, $0x3  }
0x2ab: {  	v41 =	vshll.u32 v41, $0x7;
	vm2 =	vlt.u32 v42, $0x3100;
	v62 =	vand.u32 $0x1FC00, v46  }
0x2ac: {  	v41 =	vand.u32 $0x380, v41;
	vm1 =	vlt.s32 v45, v40;
	v44 =	vadd.s32 v44, v62  }
0x2ad: {  	vm1 =	vmand vm1, vm2;
	v63 =	vand.u32 $0x7F, v43;
	v41 =	vor.u32 v41, v44  }
0x2ae: {  	p1 =	sne.s32 s29, $0x1;
	v41 =	vor.u32 v63, v41  }
.Ltmp20:
0x2af: {  	_ = 	snop;
	(pc) =	sbr.rel @p1 .LBB2_33-.Ltmp20, $2  }
0x2b0: {  	_ =	sdelay $0x2  }
0x2b1: {  	s28 =	sadd.s32 $0x10, s28;
	s26 =	sadd.s32 $0x10, s26;
	s29 =	sadd.s32 $0xFFFFFFFF, s29;
	[tilespmem:v41+s24+$0x0] =	vst.idx.msk vm1, v5  }
0x2b2: {  	v41 =	vld [tilespmem:s25+$0x0];
	_ =	sdelay $0x4  }
0x2b3: {  	v42 =	vand.u32 $0x3FFFF, v41  }
0x2b4: {  	v42 =	vsub.s32 v42, v4  }
0x2b5: {  	vm1 =	vgt.s32 v42, $0x0  }
0x2b6: {  	v41 =	vshra.s32 v41, $0x12;
	v43 =	vnsel vm1, $0x0, v42  }
0x2b7: {  	v44 =	vshrl.u32 v41, $0x3;
	v43 =	vmin.u32 v43, $0x30FF  }
0x2b8: {  	v46 =	vor.u32 s24, v6;
	v44 =	vmul.u32 $0x18800, v44;
	v45 =	vshll.u32 v43, $0x3  }
0x2b9: {  	vm2 =	vlt.s32 v46, v40;
	v41 =	vshll.u32 v41, $0x7;
	v45 =	vand.u32 $0x1FC00, v45  }
0x2ba: {  	v61 =	vand.u32 $0x380, v41;
	vm1 =	vlt.u32 v42, $0x3100;
	v44 =	vadd.s32 v44, v45  }
0x2bb: {  	s26 =	simm.s32 $0x1A900;
	vm1 =	vmand vm2, vm1;
	v43 =	vand.u32 $0x7F, v43;
	v44 =	vor.u32 v61, v44  }
0x2bc: {  	v62 =	vld [tilespmem:s26+$0x0];
	v43 =	vor.u32 v43, v44  }
0x2bd: {  	p1 =	seq.s32 s22, $0x1  }
.Ltmp21:
0x2be: {  	vm2 =	vgt.s32 v42, $0x2E00;
	(pc) =	sbr.rel @p1 .LBB2_36-.Ltmp21, $4  }
0x2bf: {  	v63 =	vnsel vm2, $0x2E00, v42;
	v42 =	vadd.s32 $0xFFFFD200, v42  }
0x2c0: {  	vm2 =	vlt.u32 v42, $0x3F;
	v44 =	vmin.u32 v63, $0x2E3E  }
0x2c1: {  	v44 =	vadd.s32 v41, v44;
	[tilespmem:v43+s2+$0x0] =	vst.idx.add.f32.msk vm1, v62;
	vm1 =	vmand vm1, vm2  }
0x2c2: {  	v42 =	vadd.s32 $0xFFFFD200, v44;
	v41 =	vld [tilespmem:s26+$0x0]  }
.LBB2_35:
0x2c3: {  	_ =	sdelay $0x3  }
0x2c4: {  	s25 =	sadd.s32 $0x10, s25;
	s26 =	sadd.s32 $0x10, s26;
	s24 =	sadd.s32 $0x10, s24;
	[tilespmem:v42+s19+$0x0] =	vst.idx.add.f32.msk vm1, v41  }
0x2c5: {  	p1 =	seq.s32 s23, $0x1;
	s23 =	sadd.s32 $0xFFFFFFFF, s23;
	v41 =	vld [tilespmem:s25+$0x0];
	_ =	sdelay $0x4  }
0x2c6: {  	v42 =	vshra.s32 v41, $0x12;
	v41 =	vand.u32 $0x3FFFF, v41  }
0x2c7: {  	v41 =	vsub.s32 v41, v4;
	v43 =	vshrl.u32 v42, $0x3;
	v42 =	vshll.u32 v42, $0x7  }
0x2c8: {  	vm1 =	vlt.u32 v41, $0x3100;
	vm2 =	vgt.s32 v41, $0x0;
	vm3 =	vgt.s32 v41, $0x2E00  }
0x2c9: {  	v45 =	vadd.s32 $0xFFFFD200, v41;
	v44 =	vnsel vm2, $0x0, v41;
	v41 =	vnsel vm3, $0x2E00, v41  }
0x2ca: {  	v44 =	vmin.u32 v44, $0x30FF;
	v41 =	vmin.u32 v41, $0x2E3E  }
0x2cb: {  	v43 =	vmul.u32 $0x18800, v43;
	v46 =	vshll.u32 v44, $0x3;
	v47 =	vadd.s32 v42, v41  }
0x2cc: {  	v41 =	vor.u32 s24, v6;
	v46 =	vand.u32 $0x1FC00, v46  }
0x2cd: {  	v42 =	vand.u32 $0x380, v42;
	vm2 =	vlt.s32 v41, v40;
	v41 =	vadd.s32 v43, v46  }
0x2ce: {  	vm1 =	vmand vm2, vm1;
	v43 =	vand.u32 $0x7F, v44;
	v41 =	vor.u32 v42, v41  }
0x2cf: {  	v42 =	vld [tilespmem:s26+$0x0];
	v41 =	vor.u32 v43, v41;
	_ =	sdelay $0x1  }
.Ltmp22:
0x2d0: {  	(pc) =	sbr.rel @!p1 .LBB2_35-.Ltmp22, $4  }
0x2d1: {  	_ = 	snop  }
0x2d2: {  	vm2 =	vlt.u32 v45, $0x3F  }
0x2d3: {  	[tilespmem:v41+s2+$0x0] =	vst.idx.add.f32.msk vm1, v42;
	vm1 =	vmand vm1, vm2  }
0x2d4: {  	v42 =	vadd.s32 $0xFFFFD200, v47;
	v41 =	vld [tilespmem:s26+$0x0]  }
.LBB2_36:
0x2d5: {  	_ = 	snop  }
.Ltmp23:
0x2d6: {  	_ = 	snop;
	(pc) =	sbr.rel .LBB2_38-.Ltmp23, $2  }
0x2d7: {  	_ =	sdelay $0x2  }
0x2d8: {  	[tilespmem:v42+s19+$0x0] =	vst.idx.add.f32.msk vm1, v41  }
.LBB2_11:
.Ltmp24:
0x2d9: {  	(pc) =	sbr.rel .LBB2_15-.Ltmp24, $2  }
0x2da: {  	_ =	sdelay $0x2  }
0x2db: {  	s29 =	simm.s32 $0x0;
	s28 =	simm.s32 $0x1A900  }
.LBB2_18:
.Ltmp25:
0x2dc: {  	(pc) =	sbr.rel .LBB2_22-.Ltmp25, $2  }
0x2dd: {  	_ =	sdelay $0x2  }
0x2de: {  	s25 =	simm.s32 $0x0;
	s24 =	simm.s32 $0x1A900  }
.LBB2_28:
.Ltmp26:
0x2df: {  	(pc) =	sbr.rel .LBB2_32-.Ltmp26, $2  }
0x2e0: {  	_ =	sdelay $0x2  }
0x2e1: {  	s28 =	simm.s32 $0x0;
	s26 =	simm.s32 $0x1A900  }
.LBB2_13:
.Ltmp27:
0x2e2: {  	(pc) =	sbr.rel .LBB2_15-.Ltmp27, $2  }
0x2e3: {  	_ =	sdelay $0x2  }
0x2e4: {  	s29 =	simm.s32 $0x0;
	s28 =	simm.s32 $0x1A900  }
.LBB2_20:
.Ltmp28:
0x2e5: {  	(pc) =	sbr.rel .LBB2_22-.Ltmp28, $2  }
0x2e6: {  	_ =	sdelay $0x2  }
0x2e7: {  	s25 =	simm.s32 $0x0;
	s24 =	simm.s32 $0x1A900  }
.LBB2_30:
.Ltmp29:
0x2e8: {  	(pc) =	sbr.rel .LBB2_32-.Ltmp29, $2  }
0x2e9: {  	_ =	sdelay $0x2  }
0x2ea: {  	s28 =	simm.s32 $0x0;
	s26 =	simm.s32 $0x1A900  }
.LBB2_39:
0x2eb: {  	_ =	sfence.sel $0x180000  }
0x2ec: {  	[bflag:$0x0] =	sbarrier.arrive $0xFFFF  }
0x2ed: {  	_ =	strace $0x90000047  }
0x2ee: {  	s0 =	stileid.u32;
	[bflag:$0x2] =	sbarrier.arrive $0xFFFF  }
0x2ef: {  	p0 =	sne.s32 s0, $0x0;
	s0 =	rddreg [dreg:$0x2]  }
0x2f0: {  	s0 =	sadd.s32 @!p0 $0x100000, s0  }
0x2f1: {  	[sflag:s0] =	ssyncadd.tile.s32 @!p0 $0x1;
	_ =	shalt  }
.Lfunc_end2:
_tile_overlayer_lowered:
.L_overlay_start_2:
0x2f2: {  	(tag) =	ssettag $0x2  }
0x2f3: {  	s0 =	rddreg [dreg:$0x0];
	s2 =	stileid.u32  }
0x2f4: {  	s1 =	rddreg [dreg:$0x1];
	p0 =	sne.s32 s2, $0x0  }
0x2f5: {  	s3 =	rddreg [dreg:$0x2];
	[bflag:$0x3] =	sbarrier.arrive $0xFFFF;
	s2 =	simm.s32 @!p0 $0x1C02  }
0x2f6: {  	[timem:s3], [sflag:s2] =	dma.local @!p0 [hbm:s0], s1  }
0x2f7: {  	s0 =	simm.s32 @!p0 $0x2  }
0x2f8: {  	_ =	swait.ge @!p0 [sflag:s0], s1  }
0x2f9: {  	s1 =	ssub.s32 @!p0 $0x0, s1;
	[sflag:s0] =	ssyncset.done @!p0 $0x0  }
0x2fa: {  	[sflag:s0] =	ssyncadd.s32 @!p0 s1  }
0x2fb: {  	[bflag:$0x3] =	sbarrier.arrive $0xFFFF  }
0x2fc: {  	_ =	shalt  }

</sc_bundles>
